<compile_context>
chip_gen: v7x
topology: tpu7x:2x2x1
jax: 0.10.2.dev20260603
libtpu: 0.0.44.dev20260713+nightly
codegen_flags: <defaults>
</compile_context>

<pallas_src>
import jax
import jax.numpy as jnp
from jax import lax
from jax.experimental import pallas as pl
from jax.experimental.pallas import tpu as pltpu
from jax.experimental.pallas import tpu_sc as plsc

V = 1_000_000
D = 64
B = 16384
K = 10
L = 16
W128 = 128
NC = 2
NS = 16
NW = NC * NS
BPW = B // NW
CHUNK = 128
NCH = BPW // CHUNK
HALF = BPW // 2
HCH = NCH // 2
DV = D // L


def _sc_body(wc_hbm, wo_hbm, cidx_hbm, oidx_hbm, nidx_hbm,
             out_hbm,
             cidx_v, oidx_v, nidx_v, crows_v, orows_v, nsum_v,
             csem, osem, nsem):
    wid = lax.axis_index("s") * NC + lax.axis_index("c")
    row0 = wid * NCH

    pltpu.sync_copy(cidx_hbm.at[pl.ds(row0, NCH)], cidx_v)
    pltpu.sync_copy(oidx_hbm.at[pl.ds(row0, NCH)], oidx_v)
    pltpu.sync_copy(nidx_hbm.at[:, pl.ds(row0, NCH), :], nidx_v)

    for h in range(2):
        co_descs = []
        for jj in range(HCH):
            j = h * HCH + jj
            co_descs.append(pltpu.async_copy(
                wc_hbm.at[cidx_v.at[j]],
                crows_v.at[pl.ds(jj * CHUNK, CHUNK)], csem))
            co_descs.append(pltpu.async_copy(
                wo_hbm.at[oidx_v.at[j]],
                orows_v.at[pl.ds(jj * CHUNK, CHUNK)], osem))

        for k in range(K):
            descs = []
            for jj in range(HCH):
                j = h * HCH + jj
                descs.append(pltpu.async_copy(
                    wo_hbm.at[nidx_v.at[k, j]],
                    nsum_v.at[pl.ds(jj * CHUNK, CHUNK)],
                    nsem, add=(k > 0)))
            for d in descs:
                d.wait()

        for d in co_descs:
            d.wait()

        def body(r, carry):
            acc_o = None
            acc_n = None
            for j in range(DV):
                c = crows_v[r, pl.ds(j * L, L)]
                o = orows_v[r, pl.ds(j * L, L)]
                n = nsum_v[r, pl.ds(j * L, L)]
                po = c * o
                pn = c * n
                acc_o = po if acc_o is None else acc_o + po
                acc_n = pn if acc_n is None else acc_n + pn
            crows_v[r, pl.ds(0, L)] = acc_o
            crows_v[r, pl.ds(L, L)] = acc_n
            return carry

        lax.fori_loop(0, HALF, body, 0, unroll=2)

        b0 = wid * BPW + h * HALF
        pltpu.sync_copy(crows_v, out_hbm.at[pl.ds(b0, HALF)])


_sc_call = pl.kernel(
    _sc_body,
    out_type=jax.ShapeDtypeStruct((B, W128), jnp.float32),
    mesh=plsc.VectorSubcoreMesh(core_axis_name="c", subcore_axis_name="s"),
    compiler_params=pltpu.CompilerParams(use_tc_tiling_on_sc=True),
    scratch_types=[
        pltpu.VMEM((NCH, CHUNK), jnp.int32),
        pltpu.VMEM((NCH, CHUNK), jnp.int32),
        pltpu.VMEM((K, NCH, CHUNK), jnp.int32),
        pltpu.VMEM((HALF, W128), jnp.float32),
        pltpu.VMEM((HALF, W128), jnp.float32),
        pltpu.VMEM((HALF, W128), jnp.float32),
        pltpu.SemaphoreType.DMA,
        pltpu.SemaphoreType.DMA,
        pltpu.SemaphoreType.DMA,
    ],
)


def _tc_body(x_ref, out_ref):
    x = x_ref[...]
    u = jnp.sum(x[:, 0:L], axis=1, keepdims=True)
    s = jnp.sum(x[:, L:2 * L], axis=1, keepdims=True)

    def logsig(t):
        return jnp.minimum(t, 0.0) - jnp.log1p(jnp.exp(-jnp.abs(t)))

    loss = logsig(u) + logsig(-s)
    out_ref[0, 0] = -jnp.sum(loss) / B


_tc_call = pl.pallas_call(
    _tc_body,
    out_shape=jax.ShapeDtypeStruct((1, 1), jnp.float32),
    out_specs=pl.BlockSpec(memory_space=pltpu.SMEM),
)


def kernel(center, outside, negative, W_center, W_outside):
    wc = jnp.pad(W_center, ((0, 0), (0, W128 - D)))
    wo = jnp.pad(W_outside, ((0, 0), (0, W128 - D)))
    c = center.reshape(B).astype(jnp.int32).reshape(B // CHUNK, CHUNK)
    o = outside.reshape(B).astype(jnp.int32).reshape(B // CHUNK, CHUNK)
    n = negative.astype(jnp.int32).T.reshape(K, B // CHUNK, CHUNK)
    parts = _sc_call(wc, wo, c, o, n)
    return _tc_call(parts)[0, 0]

# --- scband reference (transcript-rebuilt; emitter-appended) ---
"""Pipeline reference for scband-skipgram-neg-30932354466333 (READ-ONLY COPY).

The authoritative reference and input builder live on the scoring server;
editing this copy changes nothing except your own understanding.
"""

import jax, jax.numpy as jnp
import numpy as np

V = 1000000
D = 64
B = 16384
K = 10

def setup_inputs(seed: int = 0) -> dict:
    key = jax.random.key(seed)
    k1, k2, k3, k4, k5 = jax.random.split(key, 5)
    center = jax.random.randint(k1, (B, 1), 0, V, dtype=jnp.int64)
    outside = jax.random.randint(k2, (B, 1), 0, V, dtype=jnp.int64)
    negative = jax.random.randint(k3, (B, K), 0, V, dtype=jnp.int64)
    W_center = jax.random.normal(k4, (V, D), dtype=jnp.float32) * 0.02
    W_outside = jax.random.normal(k5, (V, D), dtype=jnp.float32) * 0.02
    return {"center": center, "outside": outside, "negative": negative,
            "W_center": W_center, "W_outside": W_outside}

def reference(center, outside, negative, W_center, W_outside):
    # embedding lookups
    center_embed = jnp.take(W_center, center, axis=0)      # [B, 1, D]
    outside_embed = jnp.take(W_outside, outside, axis=0)   # [B, 1, D]
    negative_embed = jnp.take(W_outside, negative, axis=0) # [B, K, D]
    # uovc = outside_embed.bmm(center_embed.transpose(1,2)).squeeze(2) -> [B, 1]
    uovc = jnp.einsum('bkd,bjd->bkj', outside_embed, center_embed)[..., 0]  # [B, 1]
    # ukvc = -negative_embed.bmm(center_embed.transpose(1,2)).squeeze(2) -> [B, K]
    ukvc = -jnp.einsum('bkd,bjd->bkj', negative_embed, center_embed)[..., 0]  # [B, K]
    ukvc_sum = jnp.sum(ukvc, axis=1).reshape(-1, 1)  # [B, 1]
    loss = jax.nn.log_sigmoid(uovc) + jax.nn.log_sigmoid(ukvc_sum)
    return -jnp.mean(loss)

if __name__ == "__main__":
    import jax
    _d = setup_inputs()
    print(jax.jit(kernel)(*tuple(_d.values())))

</pallas_src>

<mosaic_0001>
#map = affine_map<(d0, d1) -> (0, 0)>
#map1 = affine_map<(d0, d1) -> (0, 0, 0)>
module attributes {stable_mosaic.version = 14 : i64} {
  func.func @_sc_body(%arg0: i32, %arg1: i32, %arg2: memref<1000000x128xf32, #tpu.memory_space<hbm>>, %arg3: memref<1000000x128xf32, #tpu.memory_space<hbm>>, %arg4: memref<128x128xi32, #tpu.memory_space<hbm>>, %arg5: memref<128x128xi32, #tpu.memory_space<hbm>>, %arg6: memref<10x128x128xi32, #tpu.memory_space<hbm>>, %arg7: memref<16384x128xf32, #tpu.memory_space<hbm>>, %arg8: memref<4x128xi32, #tpu.memory_space<vmem>>, %arg9: memref<4x128xi32, #tpu.memory_space<vmem>>, %arg10: memref<10x4x128xi32, #tpu.memory_space<vmem>>, %arg11: memref<256x128xf32, #tpu.memory_space<vmem>>, %arg12: memref<256x128xf32, #tpu.memory_space<vmem>>, %arg13: memref<256x128xf32, #tpu.memory_space<vmem>>, %arg14: memref<!tpu.dma_semaphore, #tpu.memory_space<semaphore_mem>>, %arg15: memref<!tpu.dma_semaphore, #tpu.memory_space<semaphore_mem>>, %arg16: memref<!tpu.dma_semaphore, #tpu.memory_space<semaphore_mem>>) attributes {dimension_semantics = [#tpu.dimension_semantics<core_parallel>, #tpu.dimension_semantics<subcore_parallel>], iteration_bounds = array<i64: 2, 16>, scalar_prefetch = 0 : i64, scratch_operands = 9 : i64, tpu.core_type = #tpu.core_type<sc_vector_subcore>, window_params = [{transform_indices = #map}, {transform_indices = #map}, {transform_indices = #map}, {transform_indices = #map}, {transform_indices = #map1}, {transform_indices = #map}]} {
    %mul3A = arith.constant 2 : i32
    %mul3A_0 = arith.muli %arg1, %mul3A : i32
    %add3A = arith.addi %mul3A_0, %arg0 : i32
    %mul3A_1 = arith.constant 4 : i32
    %mul3A_2 = arith.muli %add3A, %mul3A_1 : i32
    "tpu.region"() ({
      %run_scoped3A = tpu.sem_alloc : memref<!tpu.dma_semaphore, #tpu.memory_space<semaphore_mem>>
      %dma_start3A_1060 = arith.constant 0 : i32
      %dma_start3A_1061 = tpu.memref_slice %arg4[%mul3A_2, %dma_start3A_1060] : memref<128x128xi32, #tpu.memory_space<hbm>> -> memref<4x128xi32, #tpu.memory_space<hbm>>
      %dma_start3A_1062 = arith.constant 0 : i32
      %dma_start3A_1063 = tpu.memref_slice %arg4[%mul3A_2, %dma_start3A_1062] : memref<128x128xi32, #tpu.memory_space<hbm>> -> memref<4x128xi32, #tpu.memory_space<hbm>>
      tpu.enqueue_dma source(%dma_start3A_1063 : memref<4x128xi32, #tpu.memory_space<hbm>>) target(%arg8 : memref<4x128xi32, #tpu.memory_space<vmem>>) target_semaphore(%run_scoped3A : memref<!tpu.dma_semaphore, #tpu.memory_space<semaphore_mem>>)
      %dma_wait3A_1064 = arith.constant 0 : i32
      %dma_wait3A_1065 = tpu.memref_slice %arg4[%mul3A_2, %dma_wait3A_1064] : memref<128x128xi32, #tpu.memory_space<hbm>> -> memref<4x128xi32, #tpu.memory_space<hbm>>
      %dma_wait3A_1066 = arith.constant 0 : i32
      %dma_wait3A_1067 = tpu.memref_slice %arg4[%mul3A_2, %dma_wait3A_1066] : memref<128x128xi32, #tpu.memory_space<hbm>> -> memref<4x128xi32, #tpu.memory_space<hbm>>
      tpu.wait_dma2 semaphore(%run_scoped3A : memref<!tpu.dma_semaphore, #tpu.memory_space<semaphore_mem>>) src(%dma_wait3A_1067 : memref<4x128xi32, #tpu.memory_space<hbm>>) dst(%arg8 : memref<4x128xi32, #tpu.memory_space<vmem>>)
      tpu.yield
    }) : () -> ()
    "tpu.region"() ({
      %run_scoped3A = tpu.sem_alloc : memref<!tpu.dma_semaphore, #tpu.memory_space<semaphore_mem>>
      %dma_start3A_1060 = arith.constant 0 : i32
      %dma_start3A_1061 = tpu.memref_slice %arg5[%mul3A_2, %dma_start3A_1060] : memref<128x128xi32, #tpu.memory_space<hbm>> -> memref<4x128xi32, #tpu.memory_space<hbm>>
      %dma_start3A_1062 = arith.constant 0 : i32
      %dma_start3A_1063 = tpu.memref_slice %arg5[%mul3A_2, %dma_start3A_1062] : memref<128x128xi32, #tpu.memory_space<hbm>> -> memref<4x128xi32, #tpu.memory_space<hbm>>
      tpu.enqueue_dma source(%dma_start3A_1063 : memref<4x128xi32, #tpu.memory_space<hbm>>) target(%arg9 : memref<4x128xi32, #tpu.memory_space<vmem>>) target_semaphore(%run_scoped3A : memref<!tpu.dma_semaphore, #tpu.memory_space<semaphore_mem>>)
      %dma_wait3A_1064 = arith.constant 0 : i32
      %dma_wait3A_1065 = tpu.memref_slice %arg5[%mul3A_2, %dma_wait3A_1064] : memref<128x128xi32, #tpu.memory_space<hbm>> -> memref<4x128xi32, #tpu.memory_space<hbm>>
      %dma_wait3A_1066 = arith.constant 0 : i32
      %dma_wait3A_1067 = tpu.memref_slice %arg5[%mul3A_2, %dma_wait3A_1066] : memref<128x128xi32, #tpu.memory_space<hbm>> -> memref<4x128xi32, #tpu.memory_space<hbm>>
      tpu.wait_dma2 semaphore(%run_scoped3A : memref<!tpu.dma_semaphore, #tpu.memory_space<semaphore_mem>>) src(%dma_wait3A_1067 : memref<4x128xi32, #tpu.memory_space<hbm>>) dst(%arg9 : memref<4x128xi32, #tpu.memory_space<vmem>>)
      tpu.yield
    }) : () -> ()
    "tpu.region"() ({
      %run_scoped3A = tpu.sem_alloc : memref<!tpu.dma_semaphore, #tpu.memory_space<semaphore_mem>>
      %dma_start3A_1060 = arith.constant 0 : i32
      %dma_start3A_1061 = arith.constant 0 : i32
      %dma_start3A_1062 = tpu.memref_slice %arg6[%dma_start3A_1060, %mul3A_2, %dma_start3A_1061] : memref<10x128x128xi32, #tpu.memory_space<hbm>> -> memref<10x4x128xi32, #tpu.memory_space<hbm>>
      %dma_start3A_1063 = arith.constant 0 : i32
      %dma_start3A_1064 = arith.constant 0 : i32
      %dma_start3A_1065 = tpu.memref_slice %arg6[%dma_start3A_1063, %mul3A_2, %dma_start3A_1064] : memref<10x128x128xi32, #tpu.memory_space<hbm>> -> memref<10x4x128xi32, #tpu.memory_space<hbm>>
      tpu.enqueue_dma source(%dma_start3A_1065 : memref<10x4x128xi32, #tpu.memory_space<hbm>>) target(%arg10 : memref<10x4x128xi32, #tpu.memory_space<vmem>>) target_semaphore(%run_scoped3A : memref<!tpu.dma_semaphore, #tpu.memory_space<semaphore_mem>>)
      %dma_wait3A_1066 = arith.constant 0 : i32
      %dma_wait3A_1067 = arith.constant 0 : i32
      %dma_wait3A_1068 = tpu.memref_slice %arg6[%dma_wait3A_1066, %mul3A_2, %dma_wait3A_1067] : memref<10x128x128xi32, #tpu.memory_space<hbm>> -> memref<10x4x128xi32, #tpu.memory_space<hbm>>
      %dma_wait3A_1069 = arith.constant 0 : i32
      %dma_wait3A_1070 = arith.constant 0 : i32
      %dma_wait3A_1071 = tpu.memref_slice %arg6[%dma_wait3A_1069, %mul3A_2, %dma_wait3A_1070] : memref<10x128x128xi32, #tpu.memory_space<hbm>> -> memref<10x4x128xi32, #tpu.memory_space<hbm>>
      tpu.wait_dma2 semaphore(%run_scoped3A : memref<!tpu.dma_semaphore, #tpu.memory_space<semaphore_mem>>) src(%dma_wait3A_1071 : memref<10x4x128xi32, #tpu.memory_space<hbm>>) dst(%arg10 : memref<10x4x128xi32, #tpu.memory_space<vmem>>)
      tpu.yield
    }) : () -> ()
    %dma_start3A = arith.constant 0 : i32
    %dma_start3A_3 = arith.constant 0 : i32
    %dma_start3A_4 = arith.constant 0 : i32
    %dma_start3A_5 = tpu.memref_slice %arg11[%dma_start3A_3, %dma_start3A_4] : memref<256x128xf32, #tpu.memory_space<vmem>> -> memref<128x128xf32, #tpu.memory_space<vmem>>
    %dma_start3A_6 = arith.constant 0 : i32
    %dma_start3A_7 = tpu.memref_slice %arg8[%dma_start3A, %dma_start3A_6] : memref<4x128xi32, #tpu.memory_space<vmem>> -> memref<1x128xi32, #tpu.memory_space<vmem>>
    %dma_start3A_8 = tpu.memref_squeeze %dma_start3A_7 : memref<1x128xi32, #tpu.memory_space<vmem>> -> memref<128xi32, #tpu.memory_space<vmem>>
    %dma_start3A_9 = arith.constant 0 : i32
    %dma_start3A_10 = arith.constant 0 : i32
    %dma_start3A_11 = tpu.memref_slice %arg2[%dma_start3A_9, %dma_start3A_10] : memref<1000000x128xf32, #tpu.memory_space<hbm>> -> memref<1000000x128xf32, #tpu.memory_space<hbm>>
    tpu.enqueue_indirect_dma source(%dma_start3A_11 : memref<1000000x128xf32, #tpu.memory_space<hbm>>) target(%dma_start3A_5 : memref<128x128xf32, #tpu.memory_space<vmem>>) offsets(%dma_start3A_8 : memref<128xi32, #tpu.memory_space<vmem>>) semaphore(%arg14 : memref<!tpu.dma_semaphore, #tpu.memory_space<semaphore_mem>>)
    %dma_start3A_12 = arith.constant 0 : i32
    %dma_start3A_13 = arith.constant 0 : i32
    %dma_start3A_14 = arith.constant 0 : i32
    %dma_start3A_15 = tpu.memref_slice %arg12[%dma_start3A_13, %dma_start3A_14] : memref<256x128xf32, #tpu.memory_space<vmem>> -> memref<128x128xf32, #tpu.memory_space<vmem>>
    %dma_start3A_16 = arith.constant 0 : i32
    %dma_start3A_17 = tpu.memref_slice %arg9[%dma_start3A_12, %dma_start3A_16] : memref<4x128xi32, #tpu.memory_space<vmem>> -> memref<1x128xi32, #tpu.memory_space<vmem>>
    %dma_start3A_18 = tpu.memref_squeeze %dma_start3A_17 : memref<1x128xi32, #tpu.memory_space<vmem>> -> memref<128xi32, #tpu.memory_space<vmem>>
    %dma_start3A_19 = arith.constant 0 : i32
    %dma_start3A_20 = arith.constant 0 : i32
    %dma_start3A_21 = tpu.memref_slice %arg3[%dma_start3A_19, %dma_start3A_20] : memref<1000000x128xf32, #tpu.memory_space<hbm>> -> memref<1000000x128xf32, #tpu.memory_space<hbm>>
    tpu.enqueue_indirect_dma source(%dma_start3A_21 : memref<1000000x128xf32, #tpu.memory_space<hbm>>) target(%dma_start3A_15 : memref<128x128xf32, #tpu.memory_space<vmem>>) offsets(%dma_start3A_18 : memref<128xi32, #tpu.memory_space<vmem>>) semaphore(%arg15 : memref<!tpu.dma_semaphore, #tpu.memory_space<semaphore_mem>>)
    %dma_start3A_22 = arith.constant 1 : i32
    %dma_start3A_23 = arith.constant 128 : i32
    %dma_start3A_24 = arith.constant 0 : i32
    %dma_start3A_25 = tpu.memref_slice %arg11[%dma_start3A_23, %dma_start3A_24] : memref<256x128xf32, #tpu.memory_space<vmem>> -> memref<128x128xf32, #tpu.memory_space<vmem>>
    %dma_start3A_26 = arith.constant 0 : i32
    %dma_start3A_27 = tpu.memref_slice %arg8[%dma_start3A_22, %dma_start3A_26] : memref<4x128xi32, #tpu.memory_space<vmem>> -> memref<1x128xi32, #tpu.memory_space<vmem>>
    %dma_start3A_28 = tpu.memref_squeeze %dma_start3A_27 : memref<1x128xi32, #tpu.memory_space<vmem>> -> memref<128xi32, #tpu.memory_space<vmem>>
    %dma_start3A_29 = arith.constant 0 : i32
    %dma_start3A_30 = arith.constant 0 : i32
    %dma_start3A_31 = tpu.memref_slice %arg2[%dma_start3A_29, %dma_start3A_30] : memref<1000000x128xf32, #tpu.memory_space<hbm>> -> memref<1000000x128xf32, #tpu.memory_space<hbm>>
    tpu.enqueue_indirect_dma source(%dma_start3A_31 : memref<1000000x128xf32, #tpu.memory_space<hbm>>) target(%dma_start3A_25 : memref<128x128xf32, #tpu.memory_space<vmem>>) offsets(%dma_start3A_28 : memref<128xi32, #tpu.memory_space<vmem>>) semaphore(%arg14 : memref<!tpu.dma_semaphore, #tpu.memory_space<semaphore_mem>>)
    %dma_start3A_32 = arith.constant 1 : i32
    %dma_start3A_33 = arith.constant 128 : i32
    %dma_start3A_34 = arith.constant 0 : i32
    %dma_start3A_35 = tpu.memref_slice %arg12[%dma_start3A_33, %dma_start3A_34] : memref<256x128xf32, #tpu.memory_space<vmem>> -> memref<128x128xf32, #tpu.memory_space<vmem>>
    %dma_start3A_36 = arith.constant 0 : i32
    %dma_start3A_37 = tpu.memref_slice %arg9[%dma_start3A_32, %dma_start3A_36] : memref<4x128xi32, #tpu.memory_space<vmem>> -> memref<1x128xi32, #tpu.memory_space<vmem>>
    %dma_start3A_38 = tpu.memref_squeeze %dma_start3A_37 : memref<1x128xi32, #tpu.memory_space<vmem>> -> memref<128xi32, #tpu.memory_space<vmem>>
    %dma_start3A_39 = arith.constant 0 : i32
    %dma_start3A_40 = arith.constant 0 : i32
    %dma_start3A_41 = tpu.memref_slice %arg3[%dma_start3A_39, %dma_start3A_40] : memref<1000000x128xf32, #tpu.memory_space<hbm>> -> memref<1000000x128xf32, #tpu.memory_space<hbm>>
    tpu.enqueue_indirect_dma source(%dma_start3A_41 : memref<1000000x128xf32, #tpu.memory_space<hbm>>) target(%dma_start3A_35 : memref<128x128xf32, #tpu.memory_space<vmem>>) offsets(%dma_start3A_38 : memref<128xi32, #tpu.memory_space<vmem>>) semaphore(%arg15 : memref<!tpu.dma_semaphore, #tpu.memory_space<semaphore_mem>>)
    %dma_start3A_42 = arith.constant 0 : i32
    %dma_start3A_43 = arith.constant 0 : i32
    %dma_start3A_44 = arith.constant 0 : i32
    %dma_start3A_45 = arith.constant 0 : i32
    %dma_start3A_46 = tpu.memref_slice %arg13[%dma_start3A_44, %dma_start3A_45] : memref<256x128xf32, #tpu.memory_space<vmem>> -> memref<128x128xf32, #tpu.memory_space<vmem>>
    %dma_start3A_47 = arith.constant 0 : i32
    %dma_start3A_48 = tpu.memref_slice %arg10[%dma_start3A_42, %dma_start3A_43, %dma_start3A_47] : memref<10x4x128xi32, #tpu.memory_space<vmem>> -> memref<1x1x128xi32, #tpu.memory_space<vmem>>
    %dma_start3A_49 = tpu.memref_squeeze %dma_start3A_48 : memref<1x1x128xi32, #tpu.memory_space<vmem>> -> memref<128xi32, #tpu.memory_space<vmem>>
    %dma_start3A_50 = arith.constant 0 : i32
    %dma_start3A_51 = arith.constant 0 : i32
    %dma_start3A_52 = tpu.memref_slice %arg3[%dma_start3A_50, %dma_start3A_51] : memref<1000000x128xf32, #tpu.memory_space<hbm>> -> memref<1000000x128xf32, #tpu.memory_space<hbm>>
    tpu.enqueue_indirect_dma source(%dma_start3A_52 : memref<1000000x128xf32, #tpu.memory_space<hbm>>) target(%dma_start3A_46 : memref<128x128xf32, #tpu.memory_space<vmem>>) offsets(%dma_start3A_49 : memref<128xi32, #tpu.memory_space<vmem>>) semaphore(%arg16 : memref<!tpu.dma_semaphore, #tpu.memory_space<semaphore_mem>>)
    %dma_start3A_53 = arith.constant 0 : i32
    %dma_start3A_54 = arith.constant 1 : i32
    %dma_start3A_55 = arith.constant 128 : i32
    %dma_start3A_56 = arith.constant 0 : i32
    %dma_start3A_57 = tpu.memref_slice %arg13[%dma_start3A_55, %dma_start3A_56] : memref<256x128xf32, #tpu.memory_space<vmem>> -> memref<128x128xf32, #tpu.memory_space<vmem>>
    %dma_start3A_58 = arith.constant 0 : i32
    %dma_start3A_59 = tpu.memref_slice %arg10[%dma_start3A_53, %dma_start3A_54, %dma_start3A_58] : memref<10x4x128xi32, #tpu.memory_space<vmem>> -> memref<1x1x128xi32, #tpu.memory_space<vmem>>
    %dma_start3A_60 = tpu.memref_squeeze %dma_start3A_59 : memref<1x1x128xi32, #tpu.memory_space<vmem>> -> memref<128xi32, #tpu.memory_space<vmem>>
    %dma_start3A_61 = arith.constant 0 : i32
    %dma_start3A_62 = arith.constant 0 : i32
    %dma_start3A_63 = tpu.memref_slice %arg3[%dma_start3A_61, %dma_start3A_62] : memref<1000000x128xf32, #tpu.memory_space<hbm>> -> memref<1000000x128xf32, #tpu.memory_space<hbm>>
    tpu.enqueue_indirect_dma source(%dma_start3A_63 : memref<1000000x128xf32, #tpu.memory_space<hbm>>) target(%dma_start3A_57 : memref<128x128xf32, #tpu.memory_space<vmem>>) offsets(%dma_start3A_60 : memref<128xi32, #tpu.memory_space<vmem>>) semaphore(%arg16 : memref<!tpu.dma_semaphore, #tpu.memory_space<semaphore_mem>>)
    %dma_wait3A = arith.constant 0 : i32
    %dma_wait3A_64 = arith.constant 0 : i32
    %dma_wait3A_65 = arith.constant 0 : i32
    %dma_wait3A_66 = arith.constant 0 : i32
    %dma_wait3A_67 = tpu.memref_slice %arg13[%dma_wait3A_65, %dma_wait3A_66] : memref<256x128xf32, #tpu.memory_space<vmem>> -> memref<128x128xf32, #tpu.memory_space<vmem>>
    %dma_wait3A_68 = arith.constant 0 : i32
    %dma_wait3A_69 = tpu.memref_slice %arg10[%dma_wait3A, %dma_wait3A_64, %dma_wait3A_68] : memref<10x4x128xi32, #tpu.memory_space<vmem>> -> memref<1x1x128xi32, #tpu.memory_space<vmem>>
    %dma_wait3A_70 = tpu.memref_squeeze %dma_wait3A_69 : memref<1x1x128xi32, #tpu.memory_space<vmem>> -> memref<128xi32, #tpu.memory_space<vmem>>
    %dma_wait3A_71 = arith.constant 0 : i32
    %dma_wait3A_72 = arith.constant 0 : i32
    %dma_wait3A_73 = tpu.memref_slice %arg3[%dma_wait3A_71, %dma_wait3A_72] : memref<1000000x128xf32, #tpu.memory_space<hbm>> -> memref<1000000x128xf32, #tpu.memory_space<hbm>>
    tpu.wait_indirect_dma semaphore(%arg16 : memref<!tpu.dma_semaphore, #tpu.memory_space<semaphore_mem>>) src(%dma_wait3A_73 : memref<1000000x128xf32, #tpu.memory_space<hbm>>) dst(%dma_wait3A_67 : memref<128x128xf32, #tpu.memory_space<vmem>>)
    %dma_wait3A_74 = arith.constant 0 : i32
    %dma_wait3A_75 = arith.constant 1 : i32
    %dma_wait3A_76 = arith.constant 128 : i32
    %dma_wait3A_77 = arith.constant 0 : i32
    %dma_wait3A_78 = tpu.memref_slice %arg13[%dma_wait3A_76, %dma_wait3A_77] : memref<256x128xf32, #tpu.memory_space<vmem>> -> memref<128x128xf32, #tpu.memory_space<vmem>>
    %dma_wait3A_79 = arith.constant 0 : i32
    %dma_wait3A_80 = tpu.memref_slice %arg10[%dma_wait3A_74, %dma_wait3A_75, %dma_wait3A_79] : memref<10x4x128xi32, #tpu.memory_space<vmem>> -> memref<1x1x128xi32, #tpu.memory_space<vmem>>
    %dma_wait3A_81 = tpu.memref_squeeze %dma_wait3A_80 : memref<1x1x128xi32, #tpu.memory_space<vmem>> -> memref<128xi32, #tpu.memory_space<vmem>>
    %dma_wait3A_82 = arith.constant 0 : i32
    %dma_wait3A_83 = arith.constant 0 : i32
    %dma_wait3A_84 = tpu.memref_slice %arg3[%dma_wait3A_82, %dma_wait3A_83] : memref<1000000x128xf32, #tpu.memory_space<hbm>> -> memref<1000000x128xf32, #tpu.memory_space<hbm>>
    tpu.wait_indirect_dma semaphore(%arg16 : memref<!tpu.dma_semaphore, #tpu.memory_space<semaphore_mem>>) src(%dma_wait3A_84 : memref<1000000x128xf32, #tpu.memory_space<hbm>>) dst(%dma_wait3A_78 : memref<128x128xf32, #tpu.memory_space<vmem>>)
    %dma_start3A_85 = arith.constant 1 : i32
    %dma_start3A_86 = arith.constant 0 : i32
    %dma_start3A_87 = arith.constant 0 : i32
    %dma_start3A_88 = arith.constant 0 : i32
    %dma_start3A_89 = tpu.memref_slice %arg13[%dma_start3A_87, %dma_start3A_88] : memref<256x128xf32, #tpu.memory_space<vmem>> -> memref<128x128xf32, #tpu.memory_space<vmem>>
    %dma_start3A_90 = arith.constant 0 : i32
    %dma_start3A_91 = tpu.memref_slice %arg10[%dma_start3A_85, %dma_start3A_86, %dma_start3A_90] : memref<10x4x128xi32, #tpu.memory_space<vmem>> -> memref<1x1x128xi32, #tpu.memory_space<vmem>>
    %dma_start3A_92 = tpu.memref_squeeze %dma_start3A_91 : memref<1x1x128xi32, #tpu.memory_space<vmem>> -> memref<128xi32, #tpu.memory_space<vmem>>
    %dma_start3A_93 = arith.constant 0 : i32
    %dma_start3A_94 = arith.constant 0 : i32
    %dma_start3A_95 = tpu.memref_slice %arg3[%dma_start3A_93, %dma_start3A_94] : memref<1000000x128xf32, #tpu.memory_space<hbm>> -> memref<1000000x128xf32, #tpu.memory_space<hbm>>
    tpu.enqueue_indirect_dma source(%dma_start3A_95 : memref<1000000x128xf32, #tpu.memory_space<hbm>>) target(%dma_start3A_89 : memref<128x128xf32, #tpu.memory_space<vmem>>) offsets(%dma_start3A_92 : memref<128xi32, #tpu.memory_space<vmem>>) semaphore(%arg16 : memref<!tpu.dma_semaphore, #tpu.memory_space<semaphore_mem>>) {add = true}
    %dma_start3A_96 = arith.constant 1 : i32
    %dma_start3A_97 = arith.constant 1 : i32
    %dma_start3A_98 = arith.constant 128 : i32
    %dma_start3A_99 = arith.constant 0 : i32
    %dma_start3A_100 = tpu.memref_slice %arg13[%dma_start3A_98, %dma_start3A_99] : memref<256x128xf32, #tpu.memory_space<vmem>> -> memref<128x128xf32, #tpu.memory_space<vmem>>
    %dma_start3A_101 = arith.constant 0 : i32
    %dma_start3A_102 = tpu.memref_slice %arg10[%dma_start3A_96, %dma_start3A_97, %dma_start3A_101] : memref<10x4x128xi32, #tpu.memory_space<vmem>> -> memref<1x1x128xi32, #tpu.memory_space<vmem>>
    %dma_start3A_103 = tpu.memref_squeeze %dma_start3A_102 : memref<1x1x128xi32, #tpu.memory_space<vmem>> -> memref<128xi32, #tpu.memory_space<vmem>>
    %dma_start3A_104 = arith.constant 0 : i32
    %dma_start3A_105 = arith.constant 0 : i32
    %dma_start3A_106 = tpu.memref_slice %arg3[%dma_start3A_104, %dma_start3A_105] : memref<1000000x128xf32, #tpu.memory_space<hbm>> -> memref<1000000x128xf32, #tpu.memory_space<hbm>>
    tpu.enqueue_indirect_dma source(%dma_start3A_106 : memref<1000000x128xf32, #tpu.memory_space<hbm>>) target(%dma_start3A_100 : memref<128x128xf32, #tpu.memory_space<vmem>>) offsets(%dma_start3A_103 : memref<128xi32, #tpu.memory_space<vmem>>) semaphore(%arg16 : memref<!tpu.dma_semaphore, #tpu.memory_space<semaphore_mem>>) {add = true}
    %dma_wait3A_107 = arith.constant 1 : i32
    %dma_wait3A_108 = arith.constant 0 : i32
    %dma_wait3A_109 = arith.constant 0 : i32
    %dma_wait3A_110 = arith.constant 0 : i32
    %dma_wait3A_111 = tpu.memref_slice %arg13[%dma_wait3A_109, %dma_wait3A_110] : memref<256x128xf32, #tpu.memory_space<vmem>> -> memref<128x128xf32, #tpu.memory_space<vmem>>
    %dma_wait3A_112 = arith.constant 0 : i32
    %dma_wait3A_113 = tpu.memref_slice %arg10[%dma_wait3A_107, %dma_wait3A_108, %dma_wait3A_112] : memref<10x4x128xi32, #tpu.memory_space<vmem>> -> memref<1x1x128xi32, #tpu.memory_space<vmem>>
    %dma_wait3A_114 = tpu.memref_squeeze %dma_wait3A_113 : memref<1x1x128xi32, #tpu.memory_space<vmem>> -> memref<128xi32, #tpu.memory_space<vmem>>
    %dma_wait3A_115 = arith.constant 0 : i32
    %dma_wait3A_116 = arith.constant 0 : i32
    %dma_wait3A_117 = tpu.memref_slice %arg3[%dma_wait3A_115, %dma_wait3A_116] : memref<1000000x128xf32, #tpu.memory_space<hbm>> -> memref<1000000x128xf32, #tpu.memory_space<hbm>>
    tpu.wait_indirect_dma semaphore(%arg16 : memref<!tpu.dma_semaphore, #tpu.memory_space<semaphore_mem>>) src(%dma_wait3A_117 : memref<1000000x128xf32, #tpu.memory_space<hbm>>) dst(%dma_wait3A_111 : memref<128x128xf32, #tpu.memory_space<vmem>>)
    %dma_wait3A_118 = arith.constant 1 : i32
    %dma_wait3A_119 = arith.constant 1 : i32
    %dma_wait3A_120 = arith.constant 128 : i32
    %dma_wait3A_121 = arith.constant 0 : i32
    %dma_wait3A_122 = tpu.memref_slice %arg13[%dma_wait3A_120, %dma_wait3A_121] : memref<256x128xf32, #tpu.memory_space<vmem>> -> memref<128x128xf32, #tpu.memory_space<vmem>>
    %dma_wait3A_123 = arith.constant 0 : i32
    %dma_wait3A_124 = tpu.memref_slice %arg10[%dma_wait3A_118, %dma_wait3A_119, %dma_wait3A_123] : memref<10x4x128xi32, #tpu.memory_space<vmem>> -> memref<1x1x128xi32, #tpu.memory_space<vmem>>
    %dma_wait3A_125 = tpu.memref_squeeze %dma_wait3A_124 : memref<1x1x128xi32, #tpu.memory_space<vmem>> -> memref<128xi32, #tpu.memory_space<vmem>>
    %dma_wait3A_126 = arith.constant 0 : i32
    %dma_wait3A_127 = arith.constant 0 : i32
    %dma_wait3A_128 = tpu.memref_slice %arg3[%dma_wait3A_126, %dma_wait3A_127] : memref<1000000x128xf32, #tpu.memory_space<hbm>> -> memref<1000000x128xf32, #tpu.memory_space<hbm>>
    tpu.wait_indirect_dma semaphore(%arg16 : memref<!tpu.dma_semaphore, #tpu.memory_space<semaphore_mem>>) src(%dma_wait3A_128 : memref<1000000x128xf32, #tpu.memory_space<hbm>>) dst(%dma_wait3A_122 : memref<128x128xf32, #tpu.memory_space<vmem>>)
    %dma_start3A_129 = arith.constant 2 : i32
    %dma_start3A_130 = arith.constant 0 : i32
    %dma_start3A_131 = arith.constant 0 : i32
    %dma_start3A_132 = arith.constant 0 : i32
    %dma_start3A_133 = tpu.memref_slice %arg13[%dma_start3A_131, %dma_start3A_132] : memref<256x128xf32, #tpu.memory_space<vmem>> -> memref<128x128xf32, #tpu.memory_space<vmem>>
    %dma_start3A_134 = arith.constant 0 : i32
    %dma_start3A_135 = tpu.memref_slice %arg10[%dma_start3A_129, %dma_start3A_130, %dma_start3A_134] : memref<10x4x128xi32, #tpu.memory_space<vmem>> -> memref<1x1x128xi32, #tpu.memory_space<vmem>>
    %dma_start3A_136 = tpu.memref_squeeze %dma_start3A_135 : memref<1x1x128xi32, #tpu.memory_space<vmem>> -> memref<128xi32, #tpu.memory_space<vmem>>
    %dma_start3A_137 = arith.constant 0 : i32
    %dma_start3A_138 = arith.constant 0 : i32
    %dma_start3A_139 = tpu.memref_slice %arg3[%dma_start3A_137, %dma_start3A_138] : memref<1000000x128xf32, #tpu.memory_space<hbm>> -> memref<1000000x128xf32, #tpu.memory_space<hbm>>
    tpu.enqueue_indirect_dma source(%dma_start3A_139 : memref<1000000x128xf32, #tpu.memory_space<hbm>>) target(%dma_start3A_133 : memref<128x128xf32, #tpu.memory_space<vmem>>) offsets(%dma_start3A_136 : memref<128xi32, #tpu.memory_space<vmem>>) semaphore(%arg16 : memref<!tpu.dma_semaphore, #tpu.memory_space<semaphore_mem>>) {add = true}
    %dma_start3A_140 = arith.constant 2 : i32
    %dma_start3A_141 = arith.constant 1 : i32
    %dma_start3A_142 = arith.constant 128 : i32
    %dma_start3A_143 = arith.constant 0 : i32
    %dma_start3A_144 = tpu.memref_slice %arg13[%dma_start3A_142, %dma_start3A_143] : memref<256x128xf32, #tpu.memory_space<vmem>> -> memref<128x128xf32, #tpu.memory_space<vmem>>
    %dma_start3A_145 = arith.constant 0 : i32
    %dma_start3A_146 = tpu.memref_slice %arg10[%dma_start3A_140, %dma_start3A_141, %dma_start3A_145] : memref<10x4x128xi32, #tpu.memory_space<vmem>> -> memref<1x1x128xi32, #tpu.memory_space<vmem>>
    %dma_start3A_147 = tpu.memref_squeeze %dma_start3A_146 : memref<1x1x128xi32, #tpu.memory_space<vmem>> -> memref<128xi32, #tpu.memory_space<vmem>>
    %dma_start3A_148 = arith.constant 0 : i32
    %dma_start3A_149 = arith.constant 0 : i32
    %dma_start3A_150 = tpu.memref_slice %arg3[%dma_start3A_148, %dma_start3A_149] : memref<1000000x128xf32, #tpu.memory_space<hbm>> -> memref<1000000x128xf32, #tpu.memory_space<hbm>>
    tpu.enqueue_indirect_dma source(%dma_start3A_150 : memref<1000000x128xf32, #tpu.memory_space<hbm>>) target(%dma_start3A_144 : memref<128x128xf32, #tpu.memory_space<vmem>>) offsets(%dma_start3A_147 : memref<128xi32, #tpu.memory_space<vmem>>) semaphore(%arg16 : memref<!tpu.dma_semaphore, #tpu.memory_space<semaphore_mem>>) {add = true}
    %dma_wait3A_151 = arith.constant 2 : i32
    %dma_wait3A_152 = arith.constant 0 : i32
    %dma_wait3A_153 = arith.constant 0 : i32
    %dma_wait3A_154 = arith.constant 0 : i32
    %dma_wait3A_155 = tpu.memref_slice %arg13[%dma_wait3A_153, %dma_wait3A_154] : memref<256x128xf32, #tpu.memory_space<vmem>> -> memref<128x128xf32, #tpu.memory_space<vmem>>
    %dma_wait3A_156 = arith.constant 0 : i32
    %dma_wait3A_157 = tpu.memref_slice %arg10[%dma_wait3A_151, %dma_wait3A_152, %dma_wait3A_156] : memref<10x4x128xi32, #tpu.memory_space<vmem>> -> memref<1x1x128xi32, #tpu.memory_space<vmem>>
    %dma_wait3A_158 = tpu.memref_squeeze %dma_wait3A_157 : memref<1x1x128xi32, #tpu.memory_space<vmem>> -> memref<128xi32, #tpu.memory_space<vmem>>
    %dma_wait3A_159 = arith.constant 0 : i32
    %dma_wait3A_160 = arith.constant 0 : i32
    %dma_wait3A_161 = tpu.memref_slice %arg3[%dma_wait3A_159, %dma_wait3A_160] : memref<1000000x128xf32, #tpu.memory_space<hbm>> -> memref<1000000x128xf32, #tpu.memory_space<hbm>>
    tpu.wait_indirect_dma semaphore(%arg16 : memref<!tpu.dma_semaphore, #tpu.memory_space<semaphore_mem>>) src(%dma_wait3A_161 : memref<1000000x128xf32, #tpu.memory_space<hbm>>) dst(%dma_wait3A_155 : memref<128x128xf32, #tpu.memory_space<vmem>>)
    %dma_wait3A_162 = arith.constant 2 : i32
    %dma_wait3A_163 = arith.constant 1 : i32
    %dma_wait3A_164 = arith.constant 128 : i32
    %dma_wait3A_165 = arith.constant 0 : i32
    %dma_wait3A_166 = tpu.memref_slice %arg13[%dma_wait3A_164, %dma_wait3A_165] : memref<256x128xf32, #tpu.memory_space<vmem>> -> memref<128x128xf32, #tpu.memory_space<vmem>>
    %dma_wait3A_167 = arith.constant 0 : i32
    %dma_wait3A_168 = tpu.memref_slice %arg10[%dma_wait3A_162, %dma_wait3A_163, %dma_wait3A_167] : memref<10x4x128xi32, #tpu.memory_space<vmem>> -> memref<1x1x128xi32, #tpu.memory_space<vmem>>
    %dma_wait3A_169 = tpu.memref_squeeze %dma_wait3A_168 : memref<1x1x128xi32, #tpu.memory_space<vmem>> -> memref<128xi32, #tpu.memory_space<vmem>>
    %dma_wait3A_170 = arith.constant 0 : i32
    %dma_wait3A_171 = arith.constant 0 : i32
    %dma_wait3A_172 = tpu.memref_slice %arg3[%dma_wait3A_170, %dma_wait3A_171] : memref<1000000x128xf32, #tpu.memory_space<hbm>> -> memref<1000000x128xf32, #tpu.memory_space<hbm>>
    tpu.wait_indirect_dma semaphore(%arg16 : memref<!tpu.dma_semaphore, #tpu.memory_space<semaphore_mem>>) src(%dma_wait3A_172 : memref<1000000x128xf32, #tpu.memory_space<hbm>>) dst(%dma_wait3A_166 : memref<128x128xf32, #tpu.memory_space<vmem>>)
    %dma_start3A_173 = arith.constant 3 : i32
    %dma_start3A_174 = arith.constant 0 : i32
    %dma_start3A_175 = arith.constant 0 : i32
    %dma_start3A_176 = arith.constant 0 : i32
    %dma_start3A_177 = tpu.memref_slice %arg13[%dma_start3A_175, %dma_start3A_176] : memref<256x128xf32, #tpu.memory_space<vmem>> -> memref<128x128xf32, #tpu.memory_space<vmem>>
    %dma_start3A_178 = arith.constant 0 : i32
    %dma_start3A_179 = tpu.memref_slice %arg10[%dma_start3A_173, %dma_start3A_174, %dma_start3A_178] : memref<10x4x128xi32, #tpu.memory_space<vmem>> -> memref<1x1x128xi32, #tpu.memory_space<vmem>>
    %dma_start3A_180 = tpu.memref_squeeze %dma_start3A_179 : memref<1x1x128xi32, #tpu.memory_space<vmem>> -> memref<128xi32, #tpu.memory_space<vmem>>
    %dma_start3A_181 = arith.constant 0 : i32
    %dma_start3A_182 = arith.constant 0 : i32
    %dma_start3A_183 = tpu.memref_slice %arg3[%dma_start3A_181, %dma_start3A_182] : memref<1000000x128xf32, #tpu.memory_space<hbm>> -> memref<1000000x128xf32, #tpu.memory_space<hbm>>
    tpu.enqueue_indirect_dma source(%dma_start3A_183 : memref<1000000x128xf32, #tpu.memory_space<hbm>>) target(%dma_start3A_177 : memref<128x128xf32, #tpu.memory_space<vmem>>) offsets(%dma_start3A_180 : memref<128xi32, #tpu.memory_space<vmem>>) semaphore(%arg16 : memref<!tpu.dma_semaphore, #tpu.memory_space<semaphore_mem>>) {add = true}
    %dma_start3A_184 = arith.constant 3 : i32
    %dma_start3A_185 = arith.constant 1 : i32
    %dma_start3A_186 = arith.constant 128 : i32
    %dma_start3A_187 = arith.constant 0 : i32
    %dma_start3A_188 = tpu.memref_slice %arg13[%dma_start3A_186, %dma_start3A_187] : memref<256x128xf32, #tpu.memory_space<vmem>> -> memref<128x128xf32, #tpu.memory_space<vmem>>
    %dma_start3A_189 = arith.constant 0 : i32
    %dma_start3A_190 = tpu.memref_slice %arg10[%dma_start3A_184, %dma_start3A_185, %dma_start3A_189] : memref<10x4x128xi32, #tpu.memory_space<vmem>> -> memref<1x1x128xi32, #tpu.memory_space<vmem>>
    %dma_start3A_191 = tpu.memref_squeeze %dma_start3A_190 : memref<1x1x128xi32, #tpu.memory_space<vmem>> -> memref<128xi32, #tpu.memory_space<vmem>>
    %dma_start3A_192 = arith.constant 0 : i32
    %dma_start3A_193 = arith.constant 0 : i32
    %dma_start3A_194 = tpu.memref_slice %arg3[%dma_start3A_192, %dma_start3A_193] : memref<1000000x128xf32, #tpu.memory_space<hbm>> -> memref<1000000x128xf32, #tpu.memory_space<hbm>>
    tpu.enqueue_indirect_dma source(%dma_start3A_194 : memref<1000000x128xf32, #tpu.memory_space<hbm>>) target(%dma_start3A_188 : memref<128x128xf32, #tpu.memory_space<vmem>>) offsets(%dma_start3A_191 : memref<128xi32, #tpu.memory_space<vmem>>) semaphore(%arg16 : memref<!tpu.dma_semaphore, #tpu.memory_space<semaphore_mem>>) {add = true}
    %dma_wait3A_195 = arith.constant 3 : i32
    %dma_wait3A_196 = arith.constant 0 : i32
    %dma_wait3A_197 = arith.constant 0 : i32
    %dma_wait3A_198 = arith.constant 0 : i32
    %dma_wait3A_199 = tpu.memref_slice %arg13[%dma_wait3A_197, %dma_wait3A_198] : memref<256x128xf32, #tpu.memory_space<vmem>> -> memref<128x128xf32, #tpu.memory_space<vmem>>
    %dma_wait3A_200 = arith.constant 0 : i32
    %dma_wait3A_201 = tpu.memref_slice %arg10[%dma_wait3A_195, %dma_wait3A_196, %dma_wait3A_200] : memref<10x4x128xi32, #tpu.memory_space<vmem>> -> memref<1x1x128xi32, #tpu.memory_space<vmem>>
    %dma_wait3A_202 = tpu.memref_squeeze %dma_wait3A_201 : memref<1x1x128xi32, #tpu.memory_space<vmem>> -> memref<128xi32, #tpu.memory_space<vmem>>
    %dma_wait3A_203 = arith.constant 0 : i32
    %dma_wait3A_204 = arith.constant 0 : i32
    %dma_wait3A_205 = tpu.memref_slice %arg3[%dma_wait3A_203, %dma_wait3A_204] : memref<1000000x128xf32, #tpu.memory_space<hbm>> -> memref<1000000x128xf32, #tpu.memory_space<hbm>>
    tpu.wait_indirect_dma semaphore(%arg16 : memref<!tpu.dma_semaphore, #tpu.memory_space<semaphore_mem>>) src(%dma_wait3A_205 : memref<1000000x128xf32, #tpu.memory_space<hbm>>) dst(%dma_wait3A_199 : memref<128x128xf32, #tpu.memory_space<vmem>>)
    %dma_wait3A_206 = arith.constant 3 : i32
    %dma_wait3A_207 = arith.constant 1 : i32
    %dma_wait3A_208 = arith.constant 128 : i32
    %dma_wait3A_209 = arith.constant 0 : i32
    %dma_wait3A_210 = tpu.memref_slice %arg13[%dma_wait3A_208, %dma_wait3A_209] : memref<256x128xf32, #tpu.memory_space<vmem>> -> memref<128x128xf32, #tpu.memory_space<vmem>>
    %dma_wait3A_211 = arith.constant 0 : i32
    %dma_wait3A_212 = tpu.memref_slice %arg10[%dma_wait3A_206, %dma_wait3A_207, %dma_wait3A_211] : memref<10x4x128xi32, #tpu.memory_space<vmem>> -> memref<1x1x128xi32, #tpu.memory_space<vmem>>
    %dma_wait3A_213 = tpu.memref_squeeze %dma_wait3A_212 : memref<1x1x128xi32, #tpu.memory_space<vmem>> -> memref<128xi32, #tpu.memory_space<vmem>>
    %dma_wait3A_214 = arith.constant 0 : i32
    %dma_wait3A_215 = arith.constant 0 : i32
    %dma_wait3A_216 = tpu.memref_slice %arg3[%dma_wait3A_214, %dma_wait3A_215] : memref<1000000x128xf32, #tpu.memory_space<hbm>> -> memref<1000000x128xf32, #tpu.memory_space<hbm>>
    tpu.wait_indirect_dma semaphore(%arg16 : memref<!tpu.dma_semaphore, #tpu.memory_space<semaphore_mem>>) src(%dma_wait3A_216 : memref<1000000x128xf32, #tpu.memory_space<hbm>>) dst(%dma_wait3A_210 : memref<128x128xf32, #tpu.memory_space<vmem>>)
    %dma_start3A_217 = arith.constant 4 : i32
    %dma_start3A_218 = arith.constant 0 : i32
    %dma_start3A_219 = arith.constant 0 : i32
    %dma_start3A_220 = arith.constant 0 : i32
    %dma_start3A_221 = tpu.memref_slice %arg13[%dma_start3A_219, %dma_start3A_220] : memref<256x128xf32, #tpu.memory_space<vmem>> -> memref<128x128xf32, #tpu.memory_space<vmem>>
    %dma_start3A_222 = arith.constant 0 : i32
    %dma_start3A_223 = tpu.memref_slice %arg10[%dma_start3A_217, %dma_start3A_218, %dma_start3A_222] : memref<10x4x128xi32, #tpu.memory_space<vmem>> -> memref<1x1x128xi32, #tpu.memory_space<vmem>>
    %dma_start3A_224 = tpu.memref_squeeze %dma_start3A_223 : memref<1x1x128xi32, #tpu.memory_space<vmem>> -> memref<128xi32, #tpu.memory_space<vmem>>
    %dma_start3A_225 = arith.constant 0 : i32
    %dma_start3A_226 = arith.constant 0 : i32
    %dma_start3A_227 = tpu.memref_slice %arg3[%dma_start3A_225, %dma_start3A_226] : memref<1000000x128xf32, #tpu.memory_space<hbm>> -> memref<1000000x128xf32, #tpu.memory_space<hbm>>
    tpu.enqueue_indirect_dma source(%dma_start3A_227 : memref<1000000x128xf32, #tpu.memory_space<hbm>>) target(%dma_start3A_221 : memref<128x128xf32, #tpu.memory_space<vmem>>) offsets(%dma_start3A_224 : memref<128xi32, #tpu.memory_space<vmem>>) semaphore(%arg16 : memref<!tpu.dma_semaphore, #tpu.memory_space<semaphore_mem>>) {add = true}
    %dma_start3A_228 = arith.constant 4 : i32
    %dma_start3A_229 = arith.constant 1 : i32
    %dma_start3A_230 = arith.constant 128 : i32
    %dma_start3A_231 = arith.constant 0 : i32
    %dma_start3A_232 = tpu.memref_slice %arg13[%dma_start3A_230, %dma_start3A_231] : memref<256x128xf32, #tpu.memory_space<vmem>> -> memref<128x128xf32, #tpu.memory_space<vmem>>
    %dma_start3A_233 = arith.constant 0 : i32
    %dma_start3A_234 = tpu.memref_slice %arg10[%dma_start3A_228, %dma_start3A_229, %dma_start3A_233] : memref<10x4x128xi32, #tpu.memory_space<vmem>> -> memref<1x1x128xi32, #tpu.memory_space<vmem>>
    %dma_start3A_235 = tpu.memref_squeeze %dma_start3A_234 : memref<1x1x128xi32, #tpu.memory_space<vmem>> -> memref<128xi32, #tpu.memory_space<vmem>>
    %dma_start3A_236 = arith.constant 0 : i32
    %dma_start3A_237 = arith.constant 0 : i32
    %dma_start3A_238 = tpu.memref_slice %arg3[%dma_start3A_236, %dma_start3A_237] : memref<1000000x128xf32, #tpu.memory_space<hbm>> -> memref<1000000x128xf32, #tpu.memory_space<hbm>>
    tpu.enqueue_indirect_dma source(%dma_start3A_238 : memref<1000000x128xf32, #tpu.memory_space<hbm>>) target(%dma_start3A_232 : memref<128x128xf32, #tpu.memory_space<vmem>>) offsets(%dma_start3A_235 : memref<128xi32, #tpu.memory_space<vmem>>) semaphore(%arg16 : memref<!tpu.dma_semaphore, #tpu.memory_space<semaphore_mem>>) {add = true}
    %dma_wait3A_239 = arith.constant 4 : i32
    %dma_wait3A_240 = arith.constant 0 : i32
    %dma_wait3A_241 = arith.constant 0 : i32
    %dma_wait3A_242 = arith.constant 0 : i32
    %dma_wait3A_243 = tpu.memref_slice %arg13[%dma_wait3A_241, %dma_wait3A_242] : memref<256x128xf32, #tpu.memory_space<vmem>> -> memref<128x128xf32, #tpu.memory_space<vmem>>
    %dma_wait3A_244 = arith.constant 0 : i32
    %dma_wait3A_245 = tpu.memref_slice %arg10[%dma_wait3A_239, %dma_wait3A_240, %dma_wait3A_244] : memref<10x4x128xi32, #tpu.memory_space<vmem>> -> memref<1x1x128xi32, #tpu.memory_space<vmem>>
    %dma_wait3A_246 = tpu.memref_squeeze %dma_wait3A_245 : memref<1x1x128xi32, #tpu.memory_space<vmem>> -> memref<128xi32, #tpu.memory_space<vmem>>
    %dma_wait3A_247 = arith.constant 0 : i32
    %dma_wait3A_248 = arith.constant 0 : i32
    %dma_wait3A_249 = tpu.memref_slice %arg3[%dma_wait3A_247, %dma_wait3A_248] : memref<1000000x128xf32, #tpu.memory_space<hbm>> -> memref<1000000x128xf32, #tpu.memory_space<hbm>>
    tpu.wait_indirect_dma semaphore(%arg16 : memref<!tpu.dma_semaphore, #tpu.memory_space<semaphore_mem>>) src(%dma_wait3A_249 : memref<1000000x128xf32, #tpu.memory_space<hbm>>) dst(%dma_wait3A_243 : memref<128x128xf32, #tpu.memory_space<vmem>>)
    %dma_wait3A_250 = arith.constant 4 : i32
    %dma_wait3A_251 = arith.constant 1 : i32
    %dma_wait3A_252 = arith.constant 128 : i32
    %dma_wait3A_253 = arith.constant 0 : i32
    %dma_wait3A_254 = tpu.memref_slice %arg13[%dma_wait3A_252, %dma_wait3A_253] : memref<256x128xf32, #tpu.memory_space<vmem>> -> memref<128x128xf32, #tpu.memory_space<vmem>>
    %dma_wait3A_255 = arith.constant 0 : i32
    %dma_wait3A_256 = tpu.memref_slice %arg10[%dma_wait3A_250, %dma_wait3A_251, %dma_wait3A_255] : memref<10x4x128xi32, #tpu.memory_space<vmem>> -> memref<1x1x128xi32, #tpu.memory_space<vmem>>
    %dma_wait3A_257 = tpu.memref_squeeze %dma_wait3A_256 : memref<1x1x128xi32, #tpu.memory_space<vmem>> -> memref<128xi32, #tpu.memory_space<vmem>>
    %dma_wait3A_258 = arith.constant 0 : i32
    %dma_wait3A_259 = arith.constant 0 : i32
    %dma_wait3A_260 = tpu.memref_slice %arg3[%dma_wait3A_258, %dma_wait3A_259] : memref<1000000x128xf32, #tpu.memory_space<hbm>> -> memref<1000000x128xf32, #tpu.memory_space<hbm>>
    tpu.wait_indirect_dma semaphore(%arg16 : memref<!tpu.dma_semaphore, #tpu.memory_space<semaphore_mem>>) src(%dma_wait3A_260 : memref<1000000x128xf32, #tpu.memory_space<hbm>>) dst(%dma_wait3A_254 : memref<128x128xf32, #tpu.memory_space<vmem>>)
    %dma_start3A_261 = arith.constant 5 : i32
    %dma_start3A_262 = arith.constant 0 : i32
    %dma_start3A_263 = arith.constant 0 : i32
    %dma_start3A_264 = arith.constant 0 : i32
    %dma_start3A_265 = tpu.memref_slice %arg13[%dma_start3A_263, %dma_start3A_264] : memref<256x128xf32, #tpu.memory_space<vmem>> -> memref<128x128xf32, #tpu.memory_space<vmem>>
    %dma_start3A_266 = arith.constant 0 : i32
    %dma_start3A_267 = tpu.memref_slice %arg10[%dma_start3A_261, %dma_start3A_262, %dma_start3A_266] : memref<10x4x128xi32, #tpu.memory_space<vmem>> -> memref<1x1x128xi32, #tpu.memory_space<vmem>>
    %dma_start3A_268 = tpu.memref_squeeze %dma_start3A_267 : memref<1x1x128xi32, #tpu.memory_space<vmem>> -> memref<128xi32, #tpu.memory_space<vmem>>
    %dma_start3A_269 = arith.constant 0 : i32
    %dma_start3A_270 = arith.constant 0 : i32
    %dma_start3A_271 = tpu.memref_slice %arg3[%dma_start3A_269, %dma_start3A_270] : memref<1000000x128xf32, #tpu.memory_space<hbm>> -> memref<1000000x128xf32, #tpu.memory_space<hbm>>
    tpu.enqueue_indirect_dma source(%dma_start3A_271 : memref<1000000x128xf32, #tpu.memory_space<hbm>>) target(%dma_start3A_265 : memref<128x128xf32, #tpu.memory_space<vmem>>) offsets(%dma_start3A_268 : memref<128xi32, #tpu.memory_space<vmem>>) semaphore(%arg16 : memref<!tpu.dma_semaphore, #tpu.memory_space<semaphore_mem>>) {add = true}
    %dma_start3A_272 = arith.constant 5 : i32
    %dma_start3A_273 = arith.constant 1 : i32
    %dma_start3A_274 = arith.constant 128 : i32
    %dma_start3A_275 = arith.constant 0 : i32
    %dma_start3A_276 = tpu.memref_slice %arg13[%dma_start3A_274, %dma_start3A_275] : memref<256x128xf32, #tpu.memory_space<vmem>> -> memref<128x128xf32, #tpu.memory_space<vmem>>
    %dma_start3A_277 = arith.constant 0 : i32
    %dma_start3A_278 = tpu.memref_slice %arg10[%dma_start3A_272, %dma_start3A_273, %dma_start3A_277] : memref<10x4x128xi32, #tpu.memory_space<vmem>> -> memref<1x1x128xi32, #tpu.memory_space<vmem>>
    %dma_start3A_279 = tpu.memref_squeeze %dma_start3A_278 : memref<1x1x128xi32, #tpu.memory_space<vmem>> -> memref<128xi32, #tpu.memory_space<vmem>>
    %dma_start3A_280 = arith.constant 0 : i32
    %dma_start3A_281 = arith.constant 0 : i32
    %dma_start3A_282 = tpu.memref_slice %arg3[%dma_start3A_280, %dma_start3A_281] : memref<1000000x128xf32, #tpu.memory_space<hbm>> -> memref<1000000x128xf32, #tpu.memory_space<hbm>>
    tpu.enqueue_indirect_dma source(%dma_start3A_282 : memref<1000000x128xf32, #tpu.memory_space<hbm>>) target(%dma_start3A_276 : memref<128x128xf32, #tpu.memory_space<vmem>>) offsets(%dma_start3A_279 : memref<128xi32, #tpu.memory_space<vmem>>) semaphore(%arg16 : memref<!tpu.dma_semaphore, #tpu.memory_space<semaphore_mem>>) {add = true}
    %dma_wait3A_283 = arith.constant 5 : i32
    %dma_wait3A_284 = arith.constant 0 : i32
    %dma_wait3A_285 = arith.constant 0 : i32
    %dma_wait3A_286 = arith.constant 0 : i32
    %dma_wait3A_287 = tpu.memref_slice %arg13[%dma_wait3A_285, %dma_wait3A_286] : memref<256x128xf32, #tpu.memory_space<vmem>> -> memref<128x128xf32, #tpu.memory_space<vmem>>
    %dma_wait3A_288 = arith.constant 0 : i32
    %dma_wait3A_289 = tpu.memref_slice %arg10[%dma_wait3A_283, %dma_wait3A_284, %dma_wait3A_288] : memref<10x4x128xi32, #tpu.memory_space<vmem>> -> memref<1x1x128xi32, #tpu.memory_space<vmem>>
    %dma_wait3A_290 = tpu.memref_squeeze %dma_wait3A_289 : memref<1x1x128xi32, #tpu.memory_space<vmem>> -> memref<128xi32, #tpu.memory_space<vmem>>
    %dma_wait3A_291 = arith.constant 0 : i32
    %dma_wait3A_292 = arith.constant 0 : i32
    %dma_wait3A_293 = tpu.memref_slice %arg3[%dma_wait3A_291, %dma_wait3A_292] : memref<1000000x128xf32, #tpu.memory_space<hbm>> -> memref<1000000x128xf32, #tpu.memory_space<hbm>>
    tpu.wait_indirect_dma semaphore(%arg16 : memref<!tpu.dma_semaphore, #tpu.memory_space<semaphore_mem>>) src(%dma_wait3A_293 : memref<1000000x128xf32, #tpu.memory_space<hbm>>) dst(%dma_wait3A_287 : memref<128x128xf32, #tpu.memory_space<vmem>>)
    %dma_wait3A_294 = arith.constant 5 : i32
    %dma_wait3A_295 = arith.constant 1 : i32
    %dma_wait3A_296 = arith.constant 128 : i32
    %dma_wait3A_297 = arith.constant 0 : i32
    %dma_wait3A_298 = tpu.memref_slice %arg13[%dma_wait3A_296, %dma_wait3A_297] : memref<256x128xf32, #tpu.memory_space<vmem>> -> memref<128x128xf32, #tpu.memory_space<vmem>>
    %dma_wait3A_299 = arith.constant 0 : i32
    %dma_wait3A_300 = tpu.memref_slice %arg10[%dma_wait3A_294, %dma_wait3A_295, %dma_wait3A_299] : memref<10x4x128xi32, #tpu.memory_space<vmem>> -> memref<1x1x128xi32, #tpu.memory_space<vmem>>
    %dma_wait3A_301 = tpu.memref_squeeze %dma_wait3A_300 : memref<1x1x128xi32, #tpu.memory_space<vmem>> -> memref<128xi32, #tpu.memory_space<vmem>>
    %dma_wait3A_302 = arith.constant 0 : i32
    %dma_wait3A_303 = arith.constant 0 : i32
    %dma_wait3A_304 = tpu.memref_slice %arg3[%dma_wait3A_302, %dma_wait3A_303] : memref<1000000x128xf32, #tpu.memory_space<hbm>> -> memref<1000000x128xf32, #tpu.memory_space<hbm>>
    tpu.wait_indirect_dma semaphore(%arg16 : memref<!tpu.dma_semaphore, #tpu.memory_space<semaphore_mem>>) src(%dma_wait3A_304 : memref<1000000x128xf32, #tpu.memory_space<hbm>>) dst(%dma_wait3A_298 : memref<128x128xf32, #tpu.memory_space<vmem>>)
    %dma_start3A_305 = arith.constant 6 : i32
    %dma_start3A_306 = arith.constant 0 : i32
    %dma_start3A_307 = arith.constant 0 : i32
    %dma_start3A_308 = arith.constant 0 : i32
    %dma_start3A_309 = tpu.memref_slice %arg13[%dma_start3A_307, %dma_start3A_308] : memref<256x128xf32, #tpu.memory_space<vmem>> -> memref<128x128xf32, #tpu.memory_space<vmem>>
    %dma_start3A_310 = arith.constant 0 : i32
    %dma_start3A_311 = tpu.memref_slice %arg10[%dma_start3A_305, %dma_start3A_306, %dma_start3A_310] : memref<10x4x128xi32, #tpu.memory_space<vmem>> -> memref<1x1x128xi32, #tpu.memory_space<vmem>>
    %dma_start3A_312 = tpu.memref_squeeze %dma_start3A_311 : memref<1x1x128xi32, #tpu.memory_space<vmem>> -> memref<128xi32, #tpu.memory_space<vmem>>
    %dma_start3A_313 = arith.constant 0 : i32
    %dma_start3A_314 = arith.constant 0 : i32
    %dma_start3A_315 = tpu.memref_slice %arg3[%dma_start3A_313, %dma_start3A_314] : memref<1000000x128xf32, #tpu.memory_space<hbm>> -> memref<1000000x128xf32, #tpu.memory_space<hbm>>
    tpu.enqueue_indirect_dma source(%dma_start3A_315 : memref<1000000x128xf32, #tpu.memory_space<hbm>>) target(%dma_start3A_309 : memref<128x128xf32, #tpu.memory_space<vmem>>) offsets(%dma_start3A_312 : memref<128xi32, #tpu.memory_space<vmem>>) semaphore(%arg16 : memref<!tpu.dma_semaphore, #tpu.memory_space<semaphore_mem>>) {add = true}
    %dma_start3A_316 = arith.constant 6 : i32
    %dma_start3A_317 = arith.constant 1 : i32
    %dma_start3A_318 = arith.constant 128 : i32
    %dma_start3A_319 = arith.constant 0 : i32
    %dma_start3A_320 = tpu.memref_slice %arg13[%dma_start3A_318, %dma_start3A_319] : memref<256x128xf32, #tpu.memory_space<vmem>> -> memref<128x128xf32, #tpu.memory_space<vmem>>
    %dma_start3A_321 = arith.constant 0 : i32
    %dma_start3A_322 = tpu.memref_slice %arg10[%dma_start3A_316, %dma_start3A_317, %dma_start3A_321] : memref<10x4x128xi32, #tpu.memory_space<vmem>> -> memref<1x1x128xi32, #tpu.memory_space<vmem>>
    %dma_start3A_323 = tpu.memref_squeeze %dma_start3A_322 : memref<1x1x128xi32, #tpu.memory_space<vmem>> -> memref<128xi32, #tpu.memory_space<vmem>>
    %dma_start3A_324 = arith.constant 0 : i32
    %dma_start3A_325 = arith.constant 0 : i32
    %dma_start3A_326 = tpu.memref_slice %arg3[%dma_start3A_324, %dma_start3A_325] : memref<1000000x128xf32, #tpu.memory_space<hbm>> -> memref<1000000x128xf32, #tpu.memory_space<hbm>>
    tpu.enqueue_indirect_dma source(%dma_start3A_326 : memref<1000000x128xf32, #tpu.memory_space<hbm>>) target(%dma_start3A_320 : memref<128x128xf32, #tpu.memory_space<vmem>>) offsets(%dma_start3A_323 : memref<128xi32, #tpu.memory_space<vmem>>) semaphore(%arg16 : memref<!tpu.dma_semaphore, #tpu.memory_space<semaphore_mem>>) {add = true}
    %dma_wait3A_327 = arith.constant 6 : i32
    %dma_wait3A_328 = arith.constant 0 : i32
    %dma_wait3A_329 = arith.constant 0 : i32
    %dma_wait3A_330 = arith.constant 0 : i32
    %dma_wait3A_331 = tpu.memref_slice %arg13[%dma_wait3A_329, %dma_wait3A_330] : memref<256x128xf32, #tpu.memory_space<vmem>> -> memref<128x128xf32, #tpu.memory_space<vmem>>
    %dma_wait3A_332 = arith.constant 0 : i32
    %dma_wait3A_333 = tpu.memref_slice %arg10[%dma_wait3A_327, %dma_wait3A_328, %dma_wait3A_332] : memref<10x4x128xi32, #tpu.memory_space<vmem>> -> memref<1x1x128xi32, #tpu.memory_space<vmem>>
    %dma_wait3A_334 = tpu.memref_squeeze %dma_wait3A_333 : memref<1x1x128xi32, #tpu.memory_space<vmem>> -> memref<128xi32, #tpu.memory_space<vmem>>
    %dma_wait3A_335 = arith.constant 0 : i32
    %dma_wait3A_336 = arith.constant 0 : i32
    %dma_wait3A_337 = tpu.memref_slice %arg3[%dma_wait3A_335, %dma_wait3A_336] : memref<1000000x128xf32, #tpu.memory_space<hbm>> -> memref<1000000x128xf32, #tpu.memory_space<hbm>>
    tpu.wait_indirect_dma semaphore(%arg16 : memref<!tpu.dma_semaphore, #tpu.memory_space<semaphore_mem>>) src(%dma_wait3A_337 : memref<1000000x128xf32, #tpu.memory_space<hbm>>) dst(%dma_wait3A_331 : memref<128x128xf32, #tpu.memory_space<vmem>>)
    %dma_wait3A_338 = arith.constant 6 : i32
    %dma_wait3A_339 = arith.constant 1 : i32
    %dma_wait3A_340 = arith.constant 128 : i32
    %dma_wait3A_341 = arith.constant 0 : i32
    %dma_wait3A_342 = tpu.memref_slice %arg13[%dma_wait3A_340, %dma_wait3A_341] : memref<256x128xf32, #tpu.memory_space<vmem>> -> memref<128x128xf32, #tpu.memory_space<vmem>>
    %dma_wait3A_343 = arith.constant 0 : i32
    %dma_wait3A_344 = tpu.memref_slice %arg10[%dma_wait3A_338, %dma_wait3A_339, %dma_wait3A_343] : memref<10x4x128xi32, #tpu.memory_space<vmem>> -> memref<1x1x128xi32, #tpu.memory_space<vmem>>
    %dma_wait3A_345 = tpu.memref_squeeze %dma_wait3A_344 : memref<1x1x128xi32, #tpu.memory_space<vmem>> -> memref<128xi32, #tpu.memory_space<vmem>>
    %dma_wait3A_346 = arith.constant 0 : i32
    %dma_wait3A_347 = arith.constant 0 : i32
    %dma_wait3A_348 = tpu.memref_slice %arg3[%dma_wait3A_346, %dma_wait3A_347] : memref<1000000x128xf32, #tpu.memory_space<hbm>> -> memref<1000000x128xf32, #tpu.memory_space<hbm>>
    tpu.wait_indirect_dma semaphore(%arg16 : memref<!tpu.dma_semaphore, #tpu.memory_space<semaphore_mem>>) src(%dma_wait3A_348 : memref<1000000x128xf32, #tpu.memory_space<hbm>>) dst(%dma_wait3A_342 : memref<128x128xf32, #tpu.memory_space<vmem>>)
    %dma_start3A_349 = arith.constant 7 : i32
    %dma_start3A_350 = arith.constant 0 : i32
    %dma_start3A_351 = arith.constant 0 : i32
    %dma_start3A_352 = arith.constant 0 : i32
    %dma_start3A_353 = tpu.memref_slice %arg13[%dma_start3A_351, %dma_start3A_352] : memref<256x128xf32, #tpu.memory_space<vmem>> -> memref<128x128xf32, #tpu.memory_space<vmem>>
    %dma_start3A_354 = arith.constant 0 : i32
    %dma_start3A_355 = tpu.memref_slice %arg10[%dma_start3A_349, %dma_start3A_350, %dma_start3A_354] : memref<10x4x128xi32, #tpu.memory_space<vmem>> -> memref<1x1x128xi32, #tpu.memory_space<vmem>>
    %dma_start3A_356 = tpu.memref_squeeze %dma_start3A_355 : memref<1x1x128xi32, #tpu.memory_space<vmem>> -> memref<128xi32, #tpu.memory_space<vmem>>
    %dma_start3A_357 = arith.constant 0 : i32
    %dma_start3A_358 = arith.constant 0 : i32
    %dma_start3A_359 = tpu.memref_slice %arg3[%dma_start3A_357, %dma_start3A_358] : memref<1000000x128xf32, #tpu.memory_space<hbm>> -> memref<1000000x128xf32, #tpu.memory_space<hbm>>
    tpu.enqueue_indirect_dma source(%dma_start3A_359 : memref<1000000x128xf32, #tpu.memory_space<hbm>>) target(%dma_start3A_353 : memref<128x128xf32, #tpu.memory_space<vmem>>) offsets(%dma_start3A_356 : memref<128xi32, #tpu.memory_space<vmem>>) semaphore(%arg16 : memref<!tpu.dma_semaphore, #tpu.memory_space<semaphore_mem>>) {add = true}
    %dma_start3A_360 = arith.constant 7 : i32
    %dma_start3A_361 = arith.constant 1 : i32
    %dma_start3A_362 = arith.constant 128 : i32
    %dma_start3A_363 = arith.constant 0 : i32
    %dma_start3A_364 = tpu.memref_slice %arg13[%dma_start3A_362, %dma_start3A_363] : memref<256x128xf32, #tpu.memory_space<vmem>> -> memref<128x128xf32, #tpu.memory_space<vmem>>
    %dma_start3A_365 = arith.constant 0 : i32
    %dma_start3A_366 = tpu.memref_slice %arg10[%dma_start3A_360, %dma_start3A_361, %dma_start3A_365] : memref<10x4x128xi32, #tpu.memory_space<vmem>> -> memref<1x1x128xi32, #tpu.memory_space<vmem>>
    %dma_start3A_367 = tpu.memref_squeeze %dma_start3A_366 : memref<1x1x128xi32, #tpu.memory_space<vmem>> -> memref<128xi32, #tpu.memory_space<vmem>>
    %dma_start3A_368 = arith.constant 0 : i32
    %dma_start3A_369 = arith.constant 0 : i32
    %dma_start3A_370 = tpu.memref_slice %arg3[%dma_start3A_368, %dma_start3A_369] : memref<1000000x128xf32, #tpu.memory_space<hbm>> -> memref<1000000x128xf32, #tpu.memory_space<hbm>>
    tpu.enqueue_indirect_dma source(%dma_start3A_370 : memref<1000000x128xf32, #tpu.memory_space<hbm>>) target(%dma_start3A_364 : memref<128x128xf32, #tpu.memory_space<vmem>>) offsets(%dma_start3A_367 : memref<128xi32, #tpu.memory_space<vmem>>) semaphore(%arg16 : memref<!tpu.dma_semaphore, #tpu.memory_space<semaphore_mem>>) {add = true}
    %dma_wait3A_371 = arith.constant 7 : i32
    %dma_wait3A_372 = arith.constant 0 : i32
    %dma_wait3A_373 = arith.constant 0 : i32
    %dma_wait3A_374 = arith.constant 0 : i32
    %dma_wait3A_375 = tpu.memref_slice %arg13[%dma_wait3A_373, %dma_wait3A_374] : memref<256x128xf32, #tpu.memory_space<vmem>> -> memref<128x128xf32, #tpu.memory_space<vmem>>
    %dma_wait3A_376 = arith.constant 0 : i32
    %dma_wait3A_377 = tpu.memref_slice %arg10[%dma_wait3A_371, %dma_wait3A_372, %dma_wait3A_376] : memref<10x4x128xi32, #tpu.memory_space<vmem>> -> memref<1x1x128xi32, #tpu.memory_space<vmem>>
    %dma_wait3A_378 = tpu.memref_squeeze %dma_wait3A_377 : memref<1x1x128xi32, #tpu.memory_space<vmem>> -> memref<128xi32, #tpu.memory_space<vmem>>
    %dma_wait3A_379 = arith.constant 0 : i32
    %dma_wait3A_380 = arith.constant 0 : i32
    %dma_wait3A_381 = tpu.memref_slice %arg3[%dma_wait3A_379, %dma_wait3A_380] : memref<1000000x128xf32, #tpu.memory_space<hbm>> -> memref<1000000x128xf32, #tpu.memory_space<hbm>>
    tpu.wait_indirect_dma semaphore(%arg16 : memref<!tpu.dma_semaphore, #tpu.memory_space<semaphore_mem>>) src(%dma_wait3A_381 : memref<1000000x128xf32, #tpu.memory_space<hbm>>) dst(%dma_wait3A_375 : memref<128x128xf32, #tpu.memory_space<vmem>>)
    %dma_wait3A_382 = arith.constant 7 : i32
    %dma_wait3A_383 = arith.constant 1 : i32
    %dma_wait3A_384 = arith.constant 128 : i32
    %dma_wait3A_385 = arith.constant 0 : i32
    %dma_wait3A_386 = tpu.memref_slice %arg13[%dma_wait3A_384, %dma_wait3A_385] : memref<256x128xf32, #tpu.memory_space<vmem>> -> memref<128x128xf32, #tpu.memory_space<vmem>>
    %dma_wait3A_387 = arith.constant 0 : i32
    %dma_wait3A_388 = tpu.memref_slice %arg10[%dma_wait3A_382, %dma_wait3A_383, %dma_wait3A_387] : memref<10x4x128xi32, #tpu.memory_space<vmem>> -> memref<1x1x128xi32, #tpu.memory_space<vmem>>
    %dma_wait3A_389 = tpu.memref_squeeze %dma_wait3A_388 : memref<1x1x128xi32, #tpu.memory_space<vmem>> -> memref<128xi32, #tpu.memory_space<vmem>>
    %dma_wait3A_390 = arith.constant 0 : i32
    %dma_wait3A_391 = arith.constant 0 : i32
    %dma_wait3A_392 = tpu.memref_slice %arg3[%dma_wait3A_390, %dma_wait3A_391] : memref<1000000x128xf32, #tpu.memory_space<hbm>> -> memref<1000000x128xf32, #tpu.memory_space<hbm>>
    tpu.wait_indirect_dma semaphore(%arg16 : memref<!tpu.dma_semaphore, #tpu.memory_space<semaphore_mem>>) src(%dma_wait3A_392 : memref<1000000x128xf32, #tpu.memory_space<hbm>>) dst(%dma_wait3A_386 : memref<128x128xf32, #tpu.memory_space<vmem>>)
    %dma_start3A_393 = arith.constant 8 : i32
    %dma_start3A_394 = arith.constant 0 : i32
    %dma_start3A_395 = arith.constant 0 : i32
    %dma_start3A_396 = arith.constant 0 : i32
    %dma_start3A_397 = tpu.memref_slice %arg13[%dma_start3A_395, %dma_start3A_396] : memref<256x128xf32, #tpu.memory_space<vmem>> -> memref<128x128xf32, #tpu.memory_space<vmem>>
    %dma_start3A_398 = arith.constant 0 : i32
    %dma_start3A_399 = tpu.memref_slice %arg10[%dma_start3A_393, %dma_start3A_394, %dma_start3A_398] : memref<10x4x128xi32, #tpu.memory_space<vmem>> -> memref<1x1x128xi32, #tpu.memory_space<vmem>>
    %dma_start3A_400 = tpu.memref_squeeze %dma_start3A_399 : memref<1x1x128xi32, #tpu.memory_space<vmem>> -> memref<128xi32, #tpu.memory_space<vmem>>
    %dma_start3A_401 = arith.constant 0 : i32
    %dma_start3A_402 = arith.constant 0 : i32
    %dma_start3A_403 = tpu.memref_slice %arg3[%dma_start3A_401, %dma_start3A_402] : memref<1000000x128xf32, #tpu.memory_space<hbm>> -> memref<1000000x128xf32, #tpu.memory_space<hbm>>
    tpu.enqueue_indirect_dma source(%dma_start3A_403 : memref<1000000x128xf32, #tpu.memory_space<hbm>>) target(%dma_start3A_397 : memref<128x128xf32, #tpu.memory_space<vmem>>) offsets(%dma_start3A_400 : memref<128xi32, #tpu.memory_space<vmem>>) semaphore(%arg16 : memref<!tpu.dma_semaphore, #tpu.memory_space<semaphore_mem>>) {add = true}
    %dma_start3A_404 = arith.constant 8 : i32
    %dma_start3A_405 = arith.constant 1 : i32
    %dma_start3A_406 = arith.constant 128 : i32
    %dma_start3A_407 = arith.constant 0 : i32
    %dma_start3A_408 = tpu.memref_slice %arg13[%dma_start3A_406, %dma_start3A_407] : memref<256x128xf32, #tpu.memory_space<vmem>> -> memref<128x128xf32, #tpu.memory_space<vmem>>
    %dma_start3A_409 = arith.constant 0 : i32
    %dma_start3A_410 = tpu.memref_slice %arg10[%dma_start3A_404, %dma_start3A_405, %dma_start3A_409] : memref<10x4x128xi32, #tpu.memory_space<vmem>> -> memref<1x1x128xi32, #tpu.memory_space<vmem>>
    %dma_start3A_411 = tpu.memref_squeeze %dma_start3A_410 : memref<1x1x128xi32, #tpu.memory_space<vmem>> -> memref<128xi32, #tpu.memory_space<vmem>>
    %dma_start3A_412 = arith.constant 0 : i32
    %dma_start3A_413 = arith.constant 0 : i32
    %dma_start3A_414 = tpu.memref_slice %arg3[%dma_start3A_412, %dma_start3A_413] : memref<1000000x128xf32, #tpu.memory_space<hbm>> -> memref<1000000x128xf32, #tpu.memory_space<hbm>>
    tpu.enqueue_indirect_dma source(%dma_start3A_414 : memref<1000000x128xf32, #tpu.memory_space<hbm>>) target(%dma_start3A_408 : memref<128x128xf32, #tpu.memory_space<vmem>>) offsets(%dma_start3A_411 : memref<128xi32, #tpu.memory_space<vmem>>) semaphore(%arg16 : memref<!tpu.dma_semaphore, #tpu.memory_space<semaphore_mem>>) {add = true}
    %dma_wait3A_415 = arith.constant 8 : i32
    %dma_wait3A_416 = arith.constant 0 : i32
    %dma_wait3A_417 = arith.constant 0 : i32
    %dma_wait3A_418 = arith.constant 0 : i32
    %dma_wait3A_419 = tpu.memref_slice %arg13[%dma_wait3A_417, %dma_wait3A_418] : memref<256x128xf32, #tpu.memory_space<vmem>> -> memref<128x128xf32, #tpu.memory_space<vmem>>
    %dma_wait3A_420 = arith.constant 0 : i32
    %dma_wait3A_421 = tpu.memref_slice %arg10[%dma_wait3A_415, %dma_wait3A_416, %dma_wait3A_420] : memref<10x4x128xi32, #tpu.memory_space<vmem>> -> memref<1x1x128xi32, #tpu.memory_space<vmem>>
    %dma_wait3A_422 = tpu.memref_squeeze %dma_wait3A_421 : memref<1x1x128xi32, #tpu.memory_space<vmem>> -> memref<128xi32, #tpu.memory_space<vmem>>
    %dma_wait3A_423 = arith.constant 0 : i32
    %dma_wait3A_424 = arith.constant 0 : i32
    %dma_wait3A_425 = tpu.memref_slice %arg3[%dma_wait3A_423, %dma_wait3A_424] : memref<1000000x128xf32, #tpu.memory_space<hbm>> -> memref<1000000x128xf32, #tpu.memory_space<hbm>>
    tpu.wait_indirect_dma semaphore(%arg16 : memref<!tpu.dma_semaphore, #tpu.memory_space<semaphore_mem>>) src(%dma_wait3A_425 : memref<1000000x128xf32, #tpu.memory_space<hbm>>) dst(%dma_wait3A_419 : memref<128x128xf32, #tpu.memory_space<vmem>>)
    %dma_wait3A_426 = arith.constant 8 : i32
    %dma_wait3A_427 = arith.constant 1 : i32
    %dma_wait3A_428 = arith.constant 128 : i32
    %dma_wait3A_429 = arith.constant 0 : i32
    %dma_wait3A_430 = tpu.memref_slice %arg13[%dma_wait3A_428, %dma_wait3A_429] : memref<256x128xf32, #tpu.memory_space<vmem>> -> memref<128x128xf32, #tpu.memory_space<vmem>>
    %dma_wait3A_431 = arith.constant 0 : i32
    %dma_wait3A_432 = tpu.memref_slice %arg10[%dma_wait3A_426, %dma_wait3A_427, %dma_wait3A_431] : memref<10x4x128xi32, #tpu.memory_space<vmem>> -> memref<1x1x128xi32, #tpu.memory_space<vmem>>
    %dma_wait3A_433 = tpu.memref_squeeze %dma_wait3A_432 : memref<1x1x128xi32, #tpu.memory_space<vmem>> -> memref<128xi32, #tpu.memory_space<vmem>>
    %dma_wait3A_434 = arith.constant 0 : i32
    %dma_wait3A_435 = arith.constant 0 : i32
    %dma_wait3A_436 = tpu.memref_slice %arg3[%dma_wait3A_434, %dma_wait3A_435] : memref<1000000x128xf32, #tpu.memory_space<hbm>> -> memref<1000000x128xf32, #tpu.memory_space<hbm>>
    tpu.wait_indirect_dma semaphore(%arg16 : memref<!tpu.dma_semaphore, #tpu.memory_space<semaphore_mem>>) src(%dma_wait3A_436 : memref<1000000x128xf32, #tpu.memory_space<hbm>>) dst(%dma_wait3A_430 : memref<128x128xf32, #tpu.memory_space<vmem>>)
    %dma_start3A_437 = arith.constant 9 : i32
    %dma_start3A_438 = arith.constant 0 : i32
    %dma_start3A_439 = arith.constant 0 : i32
    %dma_start3A_440 = arith.constant 0 : i32
    %dma_start3A_441 = tpu.memref_slice %arg13[%dma_start3A_439, %dma_start3A_440] : memref<256x128xf32, #tpu.memory_space<vmem>> -> memref<128x128xf32, #tpu.memory_space<vmem>>
    %dma_start3A_442 = arith.constant 0 : i32
    %dma_start3A_443 = tpu.memref_slice %arg10[%dma_start3A_437, %dma_start3A_438, %dma_start3A_442] : memref<10x4x128xi32, #tpu.memory_space<vmem>> -> memref<1x1x128xi32, #tpu.memory_space<vmem>>
    %dma_start3A_444 = tpu.memref_squeeze %dma_start3A_443 : memref<1x1x128xi32, #tpu.memory_space<vmem>> -> memref<128xi32, #tpu.memory_space<vmem>>
    %dma_start3A_445 = arith.constant 0 : i32
    %dma_start3A_446 = arith.constant 0 : i32
    %dma_start3A_447 = tpu.memref_slice %arg3[%dma_start3A_445, %dma_start3A_446] : memref<1000000x128xf32, #tpu.memory_space<hbm>> -> memref<1000000x128xf32, #tpu.memory_space<hbm>>
    tpu.enqueue_indirect_dma source(%dma_start3A_447 : memref<1000000x128xf32, #tpu.memory_space<hbm>>) target(%dma_start3A_441 : memref<128x128xf32, #tpu.memory_space<vmem>>) offsets(%dma_start3A_444 : memref<128xi32, #tpu.memory_space<vmem>>) semaphore(%arg16 : memref<!tpu.dma_semaphore, #tpu.memory_space<semaphore_mem>>) {add = true}
    %dma_start3A_448 = arith.constant 9 : i32
    %dma_start3A_449 = arith.constant 1 : i32
    %dma_start3A_450 = arith.constant 128 : i32
    %dma_start3A_451 = arith.constant 0 : i32
    %dma_start3A_452 = tpu.memref_slice %arg13[%dma_start3A_450, %dma_start3A_451] : memref<256x128xf32, #tpu.memory_space<vmem>> -> memref<128x128xf32, #tpu.memory_space<vmem>>
    %dma_start3A_453 = arith.constant 0 : i32
    %dma_start3A_454 = tpu.memref_slice %arg10[%dma_start3A_448, %dma_start3A_449, %dma_start3A_453] : memref<10x4x128xi32, #tpu.memory_space<vmem>> -> memref<1x1x128xi32, #tpu.memory_space<vmem>>
    %dma_start3A_455 = tpu.memref_squeeze %dma_start3A_454 : memref<1x1x128xi32, #tpu.memory_space<vmem>> -> memref<128xi32, #tpu.memory_space<vmem>>
    %dma_start3A_456 = arith.constant 0 : i32
    %dma_start3A_457 = arith.constant 0 : i32
    %dma_start3A_458 = tpu.memref_slice %arg3[%dma_start3A_456, %dma_start3A_457] : memref<1000000x128xf32, #tpu.memory_space<hbm>> -> memref<1000000x128xf32, #tpu.memory_space<hbm>>
    tpu.enqueue_indirect_dma source(%dma_start3A_458 : memref<1000000x128xf32, #tpu.memory_space<hbm>>) target(%dma_start3A_452 : memref<128x128xf32, #tpu.memory_space<vmem>>) offsets(%dma_start3A_455 : memref<128xi32, #tpu.memory_space<vmem>>) semaphore(%arg16 : memref<!tpu.dma_semaphore, #tpu.memory_space<semaphore_mem>>) {add = true}
    %dma_wait3A_459 = arith.constant 9 : i32
    %dma_wait3A_460 = arith.constant 0 : i32
    %dma_wait3A_461 = arith.constant 0 : i32
    %dma_wait3A_462 = arith.constant 0 : i32
    %dma_wait3A_463 = tpu.memref_slice %arg13[%dma_wait3A_461, %dma_wait3A_462] : memref<256x128xf32, #tpu.memory_space<vmem>> -> memref<128x128xf32, #tpu.memory_space<vmem>>
    %dma_wait3A_464 = arith.constant 0 : i32
    %dma_wait3A_465 = tpu.memref_slice %arg10[%dma_wait3A_459, %dma_wait3A_460, %dma_wait3A_464] : memref<10x4x128xi32, #tpu.memory_space<vmem>> -> memref<1x1x128xi32, #tpu.memory_space<vmem>>
    %dma_wait3A_466 = tpu.memref_squeeze %dma_wait3A_465 : memref<1x1x128xi32, #tpu.memory_space<vmem>> -> memref<128xi32, #tpu.memory_space<vmem>>
    %dma_wait3A_467 = arith.constant 0 : i32
    %dma_wait3A_468 = arith.constant 0 : i32
    %dma_wait3A_469 = tpu.memref_slice %arg3[%dma_wait3A_467, %dma_wait3A_468] : memref<1000000x128xf32, #tpu.memory_space<hbm>> -> memref<1000000x128xf32, #tpu.memory_space<hbm>>
    tpu.wait_indirect_dma semaphore(%arg16 : memref<!tpu.dma_semaphore, #tpu.memory_space<semaphore_mem>>) src(%dma_wait3A_469 : memref<1000000x128xf32, #tpu.memory_space<hbm>>) dst(%dma_wait3A_463 : memref<128x128xf32, #tpu.memory_space<vmem>>)
    %dma_wait3A_470 = arith.constant 9 : i32
    %dma_wait3A_471 = arith.constant 1 : i32
    %dma_wait3A_472 = arith.constant 128 : i32
    %dma_wait3A_473 = arith.constant 0 : i32
    %dma_wait3A_474 = tpu.memref_slice %arg13[%dma_wait3A_472, %dma_wait3A_473] : memref<256x128xf32, #tpu.memory_space<vmem>> -> memref<128x128xf32, #tpu.memory_space<vmem>>
    %dma_wait3A_475 = arith.constant 0 : i32
    %dma_wait3A_476 = tpu.memref_slice %arg10[%dma_wait3A_470, %dma_wait3A_471, %dma_wait3A_475] : memref<10x4x128xi32, #tpu.memory_space<vmem>> -> memref<1x1x128xi32, #tpu.memory_space<vmem>>
    %dma_wait3A_477 = tpu.memref_squeeze %dma_wait3A_476 : memref<1x1x128xi32, #tpu.memory_space<vmem>> -> memref<128xi32, #tpu.memory_space<vmem>>
    %dma_wait3A_478 = arith.constant 0 : i32
    %dma_wait3A_479 = arith.constant 0 : i32
    %dma_wait3A_480 = tpu.memref_slice %arg3[%dma_wait3A_478, %dma_wait3A_479] : memref<1000000x128xf32, #tpu.memory_space<hbm>> -> memref<1000000x128xf32, #tpu.memory_space<hbm>>
    tpu.wait_indirect_dma semaphore(%arg16 : memref<!tpu.dma_semaphore, #tpu.memory_space<semaphore_mem>>) src(%dma_wait3A_480 : memref<1000000x128xf32, #tpu.memory_space<hbm>>) dst(%dma_wait3A_474 : memref<128x128xf32, #tpu.memory_space<vmem>>)
    %dma_wait3A_481 = arith.constant 0 : i32
    %dma_wait3A_482 = arith.constant 0 : i32
    %dma_wait3A_483 = arith.constant 0 : i32
    %dma_wait3A_484 = tpu.memref_slice %arg11[%dma_wait3A_482, %dma_wait3A_483] : memref<256x128xf32, #tpu.memory_space<vmem>> -> memref<128x128xf32, #tpu.memory_space<vmem>>
    %dma_wait3A_485 = arith.constant 0 : i32
    %dma_wait3A_486 = tpu.memref_slice %arg8[%dma_wait3A_481, %dma_wait3A_485] : memref<4x128xi32, #tpu.memory_space<vmem>> -> memref<1x128xi32, #tpu.memory_space<vmem>>
    %dma_wait3A_487 = tpu.memref_squeeze %dma_wait3A_486 : memref<1x128xi32, #tpu.memory_space<vmem>> -> memref<128xi32, #tpu.memory_space<vmem>>
    %dma_wait3A_488 = arith.constant 0 : i32
    %dma_wait3A_489 = arith.constant 0 : i32
    %dma_wait3A_490 = tpu.memref_slice %arg2[%dma_wait3A_488, %dma_wait3A_489] : memref<1000000x128xf32, #tpu.memory_space<hbm>> -> memref<1000000x128xf32, #tpu.memory_space<hbm>>
    tpu.wait_indirect_dma semaphore(%arg14 : memref<!tpu.dma_semaphore, #tpu.memory_space<semaphore_mem>>) src(%dma_wait3A_490 : memref<1000000x128xf32, #tpu.memory_space<hbm>>) dst(%dma_wait3A_484 : memref<128x128xf32, #tpu.memory_space<vmem>>)
    %dma_wait3A_491 = arith.constant 0 : i32
    %dma_wait3A_492 = arith.constant 0 : i32
    %dma_wait3A_493 = arith.constant 0 : i32
    %dma_wait3A_494 = tpu.memref_slice %arg12[%dma_wait3A_492, %dma_wait3A_493] : memref<256x128xf32, #tpu.memory_space<vmem>> -> memref<128x128xf32, #tpu.memory_space<vmem>>
    %dma_wait3A_495 = arith.constant 0 : i32
    %dma_wait3A_496 = tpu.memref_slice %arg9[%dma_wait3A_491, %dma_wait3A_495] : memref<4x128xi32, #tpu.memory_space<vmem>> -> memref<1x128xi32, #tpu.memory_space<vmem>>
    %dma_wait3A_497 = tpu.memref_squeeze %dma_wait3A_496 : memref<1x128xi32, #tpu.memory_space<vmem>> -> memref<128xi32, #tpu.memory_space<vmem>>
    %dma_wait3A_498 = arith.constant 0 : i32
    %dma_wait3A_499 = arith.constant 0 : i32
    %dma_wait3A_500 = tpu.memref_slice %arg3[%dma_wait3A_498, %dma_wait3A_499] : memref<1000000x128xf32, #tpu.memory_space<hbm>> -> memref<1000000x128xf32, #tpu.memory_space<hbm>>
    tpu.wait_indirect_dma semaphore(%arg15 : memref<!tpu.dma_semaphore, #tpu.memory_space<semaphore_mem>>) src(%dma_wait3A_500 : memref<1000000x128xf32, #tpu.memory_space<hbm>>) dst(%dma_wait3A_494 : memref<128x128xf32, #tpu.memory_space<vmem>>)
    %dma_wait3A_501 = arith.constant 1 : i32
    %dma_wait3A_502 = arith.constant 128 : i32
    %dma_wait3A_503 = arith.constant 0 : i32
    %dma_wait3A_504 = tpu.memref_slice %arg11[%dma_wait3A_502, %dma_wait3A_503] : memref<256x128xf32, #tpu.memory_space<vmem>> -> memref<128x128xf32, #tpu.memory_space<vmem>>
    %dma_wait3A_505 = arith.constant 0 : i32
    %dma_wait3A_506 = tpu.memref_slice %arg8[%dma_wait3A_501, %dma_wait3A_505] : memref<4x128xi32, #tpu.memory_space<vmem>> -> memref<1x128xi32, #tpu.memory_space<vmem>>
    %dma_wait3A_507 = tpu.memref_squeeze %dma_wait3A_506 : memref<1x128xi32, #tpu.memory_space<vmem>> -> memref<128xi32, #tpu.memory_space<vmem>>
    %dma_wait3A_508 = arith.constant 0 : i32
    %dma_wait3A_509 = arith.constant 0 : i32
    %dma_wait3A_510 = tpu.memref_slice %arg2[%dma_wait3A_508, %dma_wait3A_509] : memref<1000000x128xf32, #tpu.memory_space<hbm>> -> memref<1000000x128xf32, #tpu.memory_space<hbm>>
    tpu.wait_indirect_dma semaphore(%arg14 : memref<!tpu.dma_semaphore, #tpu.memory_space<semaphore_mem>>) src(%dma_wait3A_510 : memref<1000000x128xf32, #tpu.memory_space<hbm>>) dst(%dma_wait3A_504 : memref<128x128xf32, #tpu.memory_space<vmem>>)
    %dma_wait3A_511 = arith.constant 1 : i32
    %dma_wait3A_512 = arith.constant 128 : i32
    %dma_wait3A_513 = arith.constant 0 : i32
    %dma_wait3A_514 = tpu.memref_slice %arg12[%dma_wait3A_512, %dma_wait3A_513] : memref<256x128xf32, #tpu.memory_space<vmem>> -> memref<128x128xf32, #tpu.memory_space<vmem>>
    %dma_wait3A_515 = arith.constant 0 : i32
    %dma_wait3A_516 = tpu.memref_slice %arg9[%dma_wait3A_511, %dma_wait3A_515] : memref<4x128xi32, #tpu.memory_space<vmem>> -> memref<1x128xi32, #tpu.memory_space<vmem>>
    %dma_wait3A_517 = tpu.memref_squeeze %dma_wait3A_516 : memref<1x128xi32, #tpu.memory_space<vmem>> -> memref<128xi32, #tpu.memory_space<vmem>>
    %dma_wait3A_518 = arith.constant 0 : i32
    %dma_wait3A_519 = arith.constant 0 : i32
    %dma_wait3A_520 = tpu.memref_slice %arg3[%dma_wait3A_518, %dma_wait3A_519] : memref<1000000x128xf32, #tpu.memory_space<hbm>> -> memref<1000000x128xf32, #tpu.memory_space<hbm>>
    tpu.wait_indirect_dma semaphore(%arg15 : memref<!tpu.dma_semaphore, #tpu.memory_space<semaphore_mem>>) src(%dma_wait3A_520 : memref<1000000x128xf32, #tpu.memory_space<hbm>>) dst(%dma_wait3A_514 : memref<128x128xf32, #tpu.memory_space<vmem>>)
    %scan3A = arith.constant 0 : i32
    %scan3A_521 = arith.constant 0 : i32
    %scan3A_522 = arith.constant 256 : i32
    %scan3A_523 = arith.addi %scan3A_521, %scan3A_522 : i32
    %scan3A_524 = arith.constant 2 : i32
    scf.for %scan3A_1060 = %scan3A_521 to %scan3A_523 step %scan3A_524  : i32 {
      %get3A = arith.index_cast %scan3A_1060 : i32 to index
      %get3A_1061 = arith.constant 0 : index
      %get3A_1062 = tpu.vector_load %arg11[%get3A, %get3A_1061] {strides = array<i32>} : memref<256x128xf32, #tpu.memory_space<vmem>>, vector<1x16xf32>,
      %get3A_1063 = vector.shape_cast %get3A_1062 : vector<1x16xf32> to vector<16xf32>
      %get3A_1064 = arith.index_cast %scan3A_1060 : i32 to index
      %get3A_1065 = arith.constant 0 : index
      %get3A_1066 = tpu.vector_load %arg12[%get3A_1064, %get3A_1065] {strides = array<i32>} : memref<256x128xf32, #tpu.memory_space<vmem>>, vector<1x16xf32>,
      %get3A_1067 = vector.shape_cast %get3A_1066 : vector<1x16xf32> to vector<16xf32>
      %get3A_1068 = arith.index_cast %scan3A_1060 : i32 to index
      %get3A_1069 = arith.constant 0 : index
      %get3A_1070 = tpu.vector_load %arg13[%get3A_1068, %get3A_1069] {strides = array<i32>} : memref<256x128xf32, #tpu.memory_space<vmem>>, vector<1x16xf32>,
      %get3A_1071 = vector.shape_cast %get3A_1070 : vector<1x16xf32> to vector<16xf32>
      %mul3A_1072 = arith.mulf %get3A_1063, %get3A_1067 : vector<16xf32>
      %mul3A_1073 = arith.mulf %get3A_1063, %get3A_1071 : vector<16xf32>
      %get3A_1074 = arith.index_cast %scan3A_1060 : i32 to index
      %get3A_1075 = arith.constant 16 : index
      %get3A_1076 = tpu.vector_load %arg11[%get3A_1074, %get3A_1075] {strides = array<i32>} : memref<256x128xf32, #tpu.memory_space<vmem>>, vector<1x16xf32>,
      %get3A_1077 = vector.shape_cast %get3A_1076 : vector<1x16xf32> to vector<16xf32>
      %get3A_1078 = arith.index_cast %scan3A_1060 : i32 to index
      %get3A_1079 = arith.constant 16 : index
      %get3A_1080 = tpu.vector_load %arg12[%get3A_1078, %get3A_1079] {strides = array<i32>} : memref<256x128xf32, #tpu.memory_space<vmem>>, vector<1x16xf32>,
      %get3A_1081 = vector.shape_cast %get3A_1080 : vector<1x16xf32> to vector<16xf32>
      %get3A_1082 = arith.index_cast %scan3A_1060 : i32 to index
      %get3A_1083 = arith.constant 16 : index
      %get3A_1084 = tpu.vector_load %arg13[%get3A_1082, %get3A_1083] {strides = array<i32>} : memref<256x128xf32, #tpu.memory_space<vmem>>, vector<1x16xf32>,
      %get3A_1085 = vector.shape_cast %get3A_1084 : vector<1x16xf32> to vector<16xf32>
      %mul3A_1086 = arith.mulf %get3A_1077, %get3A_1081 : vector<16xf32>
      %mul3A_1087 = arith.mulf %get3A_1077, %get3A_1085 : vector<16xf32>
      %add3A_1088 = arith.addf %mul3A_1072, %mul3A_1086 : vector<16xf32>
      %add3A_1089 = arith.addf %mul3A_1073, %mul3A_1087 : vector<16xf32>
      %get3A_1090 = arith.index_cast %scan3A_1060 : i32 to index
      %get3A_1091 = arith.constant 32 : index
      %get3A_1092 = tpu.vector_load %arg11[%get3A_1090, %get3A_1091] {strides = array<i32>} : memref<256x128xf32, #tpu.memory_space<vmem>>, vector<1x16xf32>,
      %get3A_1093 = vector.shape_cast %get3A_1092 : vector<1x16xf32> to vector<16xf32>
      %get3A_1094 = arith.index_cast %scan3A_1060 : i32 to index
      %get3A_1095 = arith.constant 32 : index
      %get3A_1096 = tpu.vector_load %arg12[%get3A_1094, %get3A_1095] {strides = array<i32>} : memref<256x128xf32, #tpu.memory_space<vmem>>, vector<1x16xf32>,
      %get3A_1097 = vector.shape_cast %get3A_1096 : vector<1x16xf32> to vector<16xf32>
      %get3A_1098 = arith.index_cast %scan3A_1060 : i32 to index
      %get3A_1099 = arith.constant 32 : index
      %get3A_1100 = tpu.vector_load %arg13[%get3A_1098, %get3A_1099] {strides = array<i32>} : memref<256x128xf32, #tpu.memory_space<vmem>>, vector<1x16xf32>,
      %get3A_1101 = vector.shape_cast %get3A_1100 : vector<1x16xf32> to vector<16xf32>
      %mul3A_1102 = arith.mulf %get3A_1093, %get3A_1097 : vector<16xf32>
      %mul3A_1103 = arith.mulf %get3A_1093, %get3A_1101 : vector<16xf32>
      %add3A_1104 = arith.addf %add3A_1088, %mul3A_1102 : vector<16xf32>
      %add3A_1105 = arith.addf %add3A_1089, %mul3A_1103 : vector<16xf32>
      %get3A_1106 = arith.index_cast %scan3A_1060 : i32 to index
      %get3A_1107 = arith.constant 48 : index
      %get3A_1108 = tpu.vector_load %arg11[%get3A_1106, %get3A_1107] {strides = array<i32>} : memref<256x128xf32, #tpu.memory_space<vmem>>, vector<1x16xf32>,
      %get3A_1109 = vector.shape_cast %get3A_1108 : vector<1x16xf32> to vector<16xf32>
      %get3A_1110 = arith.index_cast %scan3A_1060 : i32 to index
      %get3A_1111 = arith.constant 48 : index
      %get3A_1112 = tpu.vector_load %arg12[%get3A_1110, %get3A_1111] {strides = array<i32>} : memref<256x128xf32, #tpu.memory_space<vmem>>, vector<1x16xf32>,
      %get3A_1113 = vector.shape_cast %get3A_1112 : vector<1x16xf32> to vector<16xf32>
      %get3A_1114 = arith.index_cast %scan3A_1060 : i32 to index
      %get3A_1115 = arith.constant 48 : index
      %get3A_1116 = tpu.vector_load %arg13[%get3A_1114, %get3A_1115] {strides = array<i32>} : memref<256x128xf32, #tpu.memory_space<vmem>>, vector<1x16xf32>,
      %get3A_1117 = vector.shape_cast %get3A_1116 : vector<1x16xf32> to vector<16xf32>
      %mul3A_1118 = arith.mulf %get3A_1109, %get3A_1113 : vector<16xf32>
      %mul3A_1119 = arith.mulf %get3A_1109, %get3A_1117 : vector<16xf32>
      %add3A_1120 = arith.addf %add3A_1104, %mul3A_1118 : vector<16xf32>
      %add3A_1121 = arith.addf %add3A_1105, %mul3A_1119 : vector<16xf32>
      %swap3A = arith.index_cast %scan3A_1060 : i32 to index
      %swap3A_1122 = arith.constant 0 : index
      %swap3A_1123 = tpu.vector_load %arg11[%swap3A, %swap3A_1122] {strides = array<i32>} : memref<256x128xf32, #tpu.memory_space<vmem>>, vector<1x16xf32>,
      %swap3A_1124 = vector.shape_cast %swap3A_1123 : vector<1x16xf32> to vector<16xf32>
      %swap3A_1125 = vector.shape_cast %add3A_1120 : vector<16xf32> to vector<1x16xf32>
      tpu.vector_store %arg11[%swap3A, %swap3A_1122], %swap3A_1125 {strides = array<i32>} : memref<256x128xf32, #tpu.memory_space<vmem>>, vector<1x16xf32>,
      %swap3A_1126 = arith.index_cast %scan3A_1060 : i32 to index
      %swap3A_1127 = arith.constant 16 : index
      %swap3A_1128 = tpu.vector_load %arg11[%swap3A_1126, %swap3A_1127] {strides = array<i32>} : memref<256x128xf32, #tpu.memory_space<vmem>>, vector<1x16xf32>,
      %swap3A_1129 = vector.shape_cast %swap3A_1128 : vector<1x16xf32> to vector<16xf32>
      %swap3A_1130 = vector.shape_cast %add3A_1121 : vector<16xf32> to vector<1x16xf32>
      tpu.vector_store %arg11[%swap3A_1126, %swap3A_1127], %swap3A_1130 {strides = array<i32>} : memref<256x128xf32, #tpu.memory_space<vmem>>, vector<1x16xf32>,
      %scan3A_1131 = arith.constant 1 : i32
      %scan3A_1132 = arith.addi %scan3A_1060, %scan3A_1131 : i32
      %get3A_1133 = arith.index_cast %scan3A_1132 : i32 to index
      %get3A_1134 = arith.constant 0 : index
      %get3A_1135 = tpu.vector_load %arg11[%get3A_1133, %get3A_1134] {strides = array<i32>} : memref<256x128xf32, #tpu.memory_space<vmem>>, vector<1x16xf32>,
      %get3A_1136 = vector.shape_cast %get3A_1135 : vector<1x16xf32> to vector<16xf32>
      %get3A_1137 = arith.index_cast %scan3A_1132 : i32 to index
      %get3A_1138 = arith.constant 0 : index
      %get3A_1139 = tpu.vector_load %arg12[%get3A_1137, %get3A_1138] {strides = array<i32>} : memref<256x128xf32, #tpu.memory_space<vmem>>, vector<1x16xf32>,
      %get3A_1140 = vector.shape_cast %get3A_1139 : vector<1x16xf32> to vector<16xf32>
      %get3A_1141 = arith.index_cast %scan3A_1132 : i32 to index
      %get3A_1142 = arith.constant 0 : index
      %get3A_1143 = tpu.vector_load %arg13[%get3A_1141, %get3A_1142] {strides = array<i32>} : memref<256x128xf32, #tpu.memory_space<vmem>>, vector<1x16xf32>,
      %get3A_1144 = vector.shape_cast %get3A_1143 : vector<1x16xf32> to vector<16xf32>
      %mul3A_1145 = arith.mulf %get3A_1136, %get3A_1140 : vector<16xf32>
      %mul3A_1146 = arith.mulf %get3A_1136, %get3A_1144 : vector<16xf32>
      %get3A_1147 = arith.index_cast %scan3A_1132 : i32 to index
      %get3A_1148 = arith.constant 16 : index
      %get3A_1149 = tpu.vector_load %arg11[%get3A_1147, %get3A_1148] {strides = array<i32>} : memref<256x128xf32, #tpu.memory_space<vmem>>, vector<1x16xf32>,
      %get3A_1150 = vector.shape_cast %get3A_1149 : vector<1x16xf32> to vector<16xf32>
      %get3A_1151 = arith.index_cast %scan3A_1132 : i32 to index
      %get3A_1152 = arith.constant 16 : index
      %get3A_1153 = tpu.vector_load %arg12[%get3A_1151, %get3A_1152] {strides = array<i32>} : memref<256x128xf32, #tpu.memory_space<vmem>>, vector<1x16xf32>,
      %get3A_1154 = vector.shape_cast %get3A_1153 : vector<1x16xf32> to vector<16xf32>
      %get3A_1155 = arith.index_cast %scan3A_1132 : i32 to index
      %get3A_1156 = arith.constant 16 : index
      %get3A_1157 = tpu.vector_load %arg13[%get3A_1155, %get3A_1156] {strides = array<i32>} : memref<256x128xf32, #tpu.memory_space<vmem>>, vector<1x16xf32>,
      %get3A_1158 = vector.shape_cast %get3A_1157 : vector<1x16xf32> to vector<16xf32>
      %mul3A_1159 = arith.mulf %get3A_1150, %get3A_1154 : vector<16xf32>
      %mul3A_1160 = arith.mulf %get3A_1150, %get3A_1158 : vector<16xf32>
      %add3A_1161 = arith.addf %mul3A_1145, %mul3A_1159 : vector<16xf32>
      %add3A_1162 = arith.addf %mul3A_1146, %mul3A_1160 : vector<16xf32>
      %get3A_1163 = arith.index_cast %scan3A_1132 : i32 to index
      %get3A_1164 = arith.constant 32 : index
      %get3A_1165 = tpu.vector_load %arg11[%get3A_1163, %get3A_1164] {strides = array<i32>} : memref<256x128xf32, #tpu.memory_space<vmem>>, vector<1x16xf32>,
      %get3A_1166 = vector.shape_cast %get3A_1165 : vector<1x16xf32> to vector<16xf32>
      %get3A_1167 = arith.index_cast %scan3A_1132 : i32 to index
      %get3A_1168 = arith.constant 32 : index
      %get3A_1169 = tpu.vector_load %arg12[%get3A_1167, %get3A_1168] {strides = array<i32>} : memref<256x128xf32, #tpu.memory_space<vmem>>, vector<1x16xf32>,
      %get3A_1170 = vector.shape_cast %get3A_1169 : vector<1x16xf32> to vector<16xf32>
      %get3A_1171 = arith.index_cast %scan3A_1132 : i32 to index
      %get3A_1172 = arith.constant 32 : index
      %get3A_1173 = tpu.vector_load %arg13[%get3A_1171, %get3A_1172] {strides = array<i32>} : memref<256x128xf32, #tpu.memory_space<vmem>>, vector<1x16xf32>,
      %get3A_1174 = vector.shape_cast %get3A_1173 : vector<1x16xf32> to vector<16xf32>
      %mul3A_1175 = arith.mulf %get3A_1166, %get3A_1170 : vector<16xf32>
      %mul3A_1176 = arith.mulf %get3A_1166, %get3A_1174 : vector<16xf32>
      %add3A_1177 = arith.addf %add3A_1161, %mul3A_1175 : vector<16xf32>
      %add3A_1178 = arith.addf %add3A_1162, %mul3A_1176 : vector<16xf32>
      %get3A_1179 = arith.index_cast %scan3A_1132 : i32 to index
      %get3A_1180 = arith.constant 48 : index
      %get3A_1181 = tpu.vector_load %arg11[%get3A_1179, %get3A_1180] {strides = array<i32>} : memref<256x128xf32, #tpu.memory_space<vmem>>, vector<1x16xf32>,
      %get3A_1182 = vector.shape_cast %get3A_1181 : vector<1x16xf32> to vector<16xf32>
      %get3A_1183 = arith.index_cast %scan3A_1132 : i32 to index
      %get3A_1184 = arith.constant 48 : index
      %get3A_1185 = tpu.vector_load %arg12[%get3A_1183, %get3A_1184] {strides = array<i32>} : memref<256x128xf32, #tpu.memory_space<vmem>>, vector<1x16xf32>,
      %get3A_1186 = vector.shape_cast %get3A_1185 : vector<1x16xf32> to vector<16xf32>
      %get3A_1187 = arith.index_cast %scan3A_1132 : i32 to index
      %get3A_1188 = arith.constant 48 : index
      %get3A_1189 = tpu.vector_load %arg13[%get3A_1187, %get3A_1188] {strides = array<i32>} : memref<256x128xf32, #tpu.memory_space<vmem>>, vector<1x16xf32>,
      %get3A_1190 = vector.shape_cast %get3A_1189 : vector<1x16xf32> to vector<16xf32>
      %mul3A_1191 = arith.mulf %get3A_1182, %get3A_1186 : vector<16xf32>
      %mul3A_1192 = arith.mulf %get3A_1182, %get3A_1190 : vector<16xf32>
      %add3A_1193 = arith.addf %add3A_1177, %mul3A_1191 : vector<16xf32>
      %add3A_1194 = arith.addf %add3A_1178, %mul3A_1192 : vector<16xf32>
      %swap3A_1195 = arith.index_cast %scan3A_1132 : i32 to index
      %swap3A_1196 = arith.constant 0 : index
      %swap3A_1197 = tpu.vector_load %arg11[%swap3A_1195, %swap3A_1196] {strides = array<i32>} : memref<256x128xf32, #tpu.memory_space<vmem>>, vector<1x16xf32>,
      %swap3A_1198 = vector.shape_cast %swap3A_1197 : vector<1x16xf32> to vector<16xf32>
      %swap3A_1199 = vector.shape_cast %add3A_1193 : vector<16xf32> to vector<1x16xf32>
      tpu.vector_store %arg11[%swap3A_1195, %swap3A_1196], %swap3A_1199 {strides = array<i32>} : memref<256x128xf32, #tpu.memory_space<vmem>>, vector<1x16xf32>,
      %swap3A_1200 = arith.index_cast %scan3A_1132 : i32 to index
      %swap3A_1201 = arith.constant 16 : index
      %swap3A_1202 = tpu.vector_load %arg11[%swap3A_1200, %swap3A_1201] {strides = array<i32>} : memref<256x128xf32, #tpu.memory_space<vmem>>, vector<1x16xf32>,
      %swap3A_1203 = vector.shape_cast %swap3A_1202 : vector<1x16xf32> to vector<16xf32>
      %swap3A_1204 = vector.shape_cast %add3A_1194 : vector<16xf32> to vector<1x16xf32>
      tpu.vector_store %arg11[%swap3A_1200, %swap3A_1201], %swap3A_1204 {strides = array<i32>} : memref<256x128xf32, #tpu.memory_space<vmem>>, vector<1x16xf32>,
    }
    %scan3A_525 = arith.constant 256 : i32
    %mul3A_526 = arith.constant 512 : i32
    %mul3A_527 = arith.muli %add3A, %mul3A_526 : i32
    %add3A_528 = arith.constant 0 : i32
    %add3A_529 = arith.addi %mul3A_527, %add3A_528 : i32
    "tpu.region"() ({
      %run_scoped3A = tpu.sem_alloc : memref<!tpu.dma_semaphore, #tpu.memory_space<semaphore_mem>>
      %dma_start3A_1060 = arith.constant 0 : i32
      %dma_start3A_1061 = tpu.memref_slice %arg7[%add3A_529, %dma_start3A_1060] : memref<16384x128xf32, #tpu.memory_space<hbm>> -> memref<256x128xf32, #tpu.memory_space<hbm>>
      %dma_start3A_1062 = arith.constant 0 : i32
      %dma_start3A_1063 = tpu.memref_slice %arg7[%add3A_529, %dma_start3A_1062] : memref<16384x128xf32, #tpu.memory_space<hbm>> -> memref<256x128xf32, #tpu.memory_space<hbm>>
      tpu.enqueue_dma source(%arg11 : memref<256x128xf32, #tpu.memory_space<vmem>>) target(%dma_start3A_1063 : memref<256x128xf32, #tpu.memory_space<hbm>>) target_semaphore(%run_scoped3A : memref<!tpu.dma_semaphore, #tpu.memory_space<semaphore_mem>>)
      %dma_wait3A_1064 = arith.constant 0 : i32
      %dma_wait3A_1065 = tpu.memref_slice %arg7[%add3A_529, %dma_wait3A_1064] : memref<16384x128xf32, #tpu.memory_space<hbm>> -> memref<256x128xf32, #tpu.memory_space<hbm>>
      %dma_wait3A_1066 = arith.constant 0 : i32
      %dma_wait3A_1067 = tpu.memref_slice %arg7[%add3A_529, %dma_wait3A_1066] : memref<16384x128xf32, #tpu.memory_space<hbm>> -> memref<256x128xf32, #tpu.memory_space<hbm>>
      tpu.wait_dma2 semaphore(%run_scoped3A : memref<!tpu.dma_semaphore, #tpu.memory_space<semaphore_mem>>) src(%arg11 : memref<256x128xf32, #tpu.memory_space<vmem>>) dst(%dma_wait3A_1067 : memref<256x128xf32, #tpu.memory_space<hbm>>)
      tpu.yield
    }) : () -> ()
    %dma_start3A_530 = arith.constant 2 : i32
    %dma_start3A_531 = arith.constant 0 : i32
    %dma_start3A_532 = arith.constant 0 : i32
    %dma_start3A_533 = tpu.memref_slice %arg11[%dma_start3A_531, %dma_start3A_532] : memref<256x128xf32, #tpu.memory_space<vmem>> -> memref<128x128xf32, #tpu.memory_space<vmem>>
    %dma_start3A_534 = arith.constant 0 : i32
    %dma_start3A_535 = tpu.memref_slice %arg8[%dma_start3A_530, %dma_start3A_534] : memref<4x128xi32, #tpu.memory_space<vmem>> -> memref<1x128xi32, #tpu.memory_space<vmem>>
    %dma_start3A_536 = tpu.memref_squeeze %dma_start3A_535 : memref<1x128xi32, #tpu.memory_space<vmem>> -> memref<128xi32, #tpu.memory_space<vmem>>
    %dma_start3A_537 = arith.constant 0 : i32
    %dma_start3A_538 = arith.constant 0 : i32
    %dma_start3A_539 = tpu.memref_slice %arg2[%dma_start3A_537, %dma_start3A_538] : memref<1000000x128xf32, #tpu.memory_space<hbm>> -> memref<1000000x128xf32, #tpu.memory_space<hbm>>
    tpu.enqueue_indirect_dma source(%dma_start3A_539 : memref<1000000x128xf32, #tpu.memory_space<hbm>>) target(%dma_start3A_533 : memref<128x128xf32, #tpu.memory_space<vmem>>) offsets(%dma_start3A_536 : memref<128xi32, #tpu.memory_space<vmem>>) semaphore(%arg14 : memref<!tpu.dma_semaphore, #tpu.memory_space<semaphore_mem>>)
    %dma_start3A_540 = arith.constant 2 : i32
    %dma_start3A_541 = arith.constant 0 : i32
    %dma_start3A_542 = arith.constant 0 : i32
    %dma_start3A_543 = tpu.memref_slice %arg12[%dma_start3A_541, %dma_start3A_542] : memref<256x128xf32, #tpu.memory_space<vmem>> -> memref<128x128xf32, #tpu.memory_space<vmem>>
    %dma_start3A_544 = arith.constant 0 : i32
    %dma_start3A_545 = tpu.memref_slice %arg9[%dma_start3A_540, %dma_start3A_544] : memref<4x128xi32, #tpu.memory_space<vmem>> -> memref<1x128xi32, #tpu.memory_space<vmem>>
    %dma_start3A_546 = tpu.memref_squeeze %dma_start3A_545 : memref<1x128xi32, #tpu.memory_space<vmem>> -> memref<128xi32, #tpu.memory_space<vmem>>
    %dma_start3A_547 = arith.constant 0 : i32
    %dma_start3A_548 = arith.constant 0 : i32
    %dma_start3A_549 = tpu.memref_slice %arg3[%dma_start3A_547, %dma_start3A_548] : memref<1000000x128xf32, #tpu.memory_space<hbm>> -> memref<1000000x128xf32, #tpu.memory_space<hbm>>
    tpu.enqueue_indirect_dma source(%dma_start3A_549 : memref<1000000x128xf32, #tpu.memory_space<hbm>>) target(%dma_start3A_543 : memref<128x128xf32, #tpu.memory_space<vmem>>) offsets(%dma_start3A_546 : memref<128xi32, #tpu.memory_space<vmem>>) semaphore(%arg15 : memref<!tpu.dma_semaphore, #tpu.memory_space<semaphore_mem>>)
    %dma_start3A_550 = arith.constant 3 : i32
    %dma_start3A_551 = arith.constant 128 : i32
    %dma_start3A_552 = arith.constant 0 : i32
    %dma_start3A_553 = tpu.memref_slice %arg11[%dma_start3A_551, %dma_start3A_552] : memref<256x128xf32, #tpu.memory_space<vmem>> -> memref<128x128xf32, #tpu.memory_space<vmem>>
    %dma_start3A_554 = arith.constant 0 : i32
    %dma_start3A_555 = tpu.memref_slice %arg8[%dma_start3A_550, %dma_start3A_554] : memref<4x128xi32, #tpu.memory_space<vmem>> -> memref<1x128xi32, #tpu.memory_space<vmem>>
    %dma_start3A_556 = tpu.memref_squeeze %dma_start3A_555 : memref<1x128xi32, #tpu.memory_space<vmem>> -> memref<128xi32, #tpu.memory_space<vmem>>
    %dma_start3A_557 = arith.constant 0 : i32
    %dma_start3A_558 = arith.constant 0 : i32
    %dma_start3A_559 = tpu.memref_slice %arg2[%dma_start3A_557, %dma_start3A_558] : memref<1000000x128xf32, #tpu.memory_space<hbm>> -> memref<1000000x128xf32, #tpu.memory_space<hbm>>
    tpu.enqueue_indirect_dma source(%dma_start3A_559 : memref<1000000x128xf32, #tpu.memory_space<hbm>>) target(%dma_start3A_553 : memref<128x128xf32, #tpu.memory_space<vmem>>) offsets(%dma_start3A_556 : memref<128xi32, #tpu.memory_space<vmem>>) semaphore(%arg14 : memref<!tpu.dma_semaphore, #tpu.memory_space<semaphore_mem>>)
    %dma_start3A_560 = arith.constant 3 : i32
    %dma_start3A_561 = arith.constant 128 : i32
    %dma_start3A_562 = arith.constant 0 : i32
    %dma_start3A_563 = tpu.memref_slice %arg12[%dma_start3A_561, %dma_start3A_562] : memref<256x128xf32, #tpu.memory_space<vmem>> -> memref<128x128xf32, #tpu.memory_space<vmem>>
    %dma_start3A_564 = arith.constant 0 : i32
    %dma_start3A_565 = tpu.memref_slice %arg9[%dma_start3A_560, %dma_start3A_564] : memref<4x128xi32, #tpu.memory_space<vmem>> -> memref<1x128xi32, #tpu.memory_space<vmem>>
    %dma_start3A_566 = tpu.memref_squeeze %dma_start3A_565 : memref<1x128xi32, #tpu.memory_space<vmem>> -> memref<128xi32, #tpu.memory_space<vmem>>
    %dma_start3A_567 = arith.constant 0 : i32
    %dma_start3A_568 = arith.constant 0 : i32
    %dma_start3A_569 = tpu.memref_slice %arg3[%dma_start3A_567, %dma_start3A_568] : memref<1000000x128xf32, #tpu.memory_space<hbm>> -> memref<1000000x128xf32, #tpu.memory_space<hbm>>
    tpu.enqueue_indirect_dma source(%dma_start3A_569 : memref<1000000x128xf32, #tpu.memory_space<hbm>>) target(%dma_start3A_563 : memref<128x128xf32, #tpu.memory_space<vmem>>) offsets(%dma_start3A_566 : memref<128xi32, #tpu.memory_space<vmem>>) semaphore(%arg15 : memref<!tpu.dma_semaphore, #tpu.memory_space<semaphore_mem>>)
    %dma_start3A_570 = arith.constant 0 : i32
    %dma_start3A_571 = arith.constant 2 : i32
    %dma_start3A_572 = arith.constant 0 : i32
    %dma_start3A_573 = arith.constant 0 : i32
    %dma_start3A_574 = tpu.memref_slice %arg13[%dma_start3A_572, %dma_start3A_573] : memref<256x128xf32, #tpu.memory_space<vmem>> -> memref<128x128xf32, #tpu.memory_space<vmem>>
    %dma_start3A_575 = arith.constant 0 : i32
    %dma_start3A_576 = tpu.memref_slice %arg10[%dma_start3A_570, %dma_start3A_571, %dma_start3A_575] : memref<10x4x128xi32, #tpu.memory_space<vmem>> -> memref<1x1x128xi32, #tpu.memory_space<vmem>>
    %dma_start3A_577 = tpu.memref_squeeze %dma_start3A_576 : memref<1x1x128xi32, #tpu.memory_space<vmem>> -> memref<128xi32, #tpu.memory_space<vmem>>
    %dma_start3A_578 = arith.constant 0 : i32
    %dma_start3A_579 = arith.constant 0 : i32
    %dma_start3A_580 = tpu.memref_slice %arg3[%dma_start3A_578, %dma_start3A_579] : memref<1000000x128xf32, #tpu.memory_space<hbm>> -> memref<1000000x128xf32, #tpu.memory_space<hbm>>
    tpu.enqueue_indirect_dma source(%dma_start3A_580 : memref<1000000x128xf32, #tpu.memory_space<hbm>>) target(%dma_start3A_574 : memref<128x128xf32, #tpu.memory_space<vmem>>) offsets(%dma_start3A_577 : memref<128xi32, #tpu.memory_space<vmem>>) semaphore(%arg16 : memref<!tpu.dma_semaphore, #tpu.memory_space<semaphore_mem>>)
    %dma_start3A_581 = arith.constant 0 : i32
    %dma_start3A_582 = arith.constant 3 : i32
    %dma_start3A_583 = arith.constant 128 : i32
    %dma_start3A_584 = arith.constant 0 : i32
    %dma_start3A_585 = tpu.memref_slice %arg13[%dma_start3A_583, %dma_start3A_584] : memref<256x128xf32, #tpu.memory_space<vmem>> -> memref<128x128xf32, #tpu.memory_space<vmem>>
    %dma_start3A_586 = arith.constant 0 : i32
    %dma_start3A_587 = tpu.memref_slice %arg10[%dma_start3A_581, %dma_start3A_582, %dma_start3A_586] : memref<10x4x128xi32, #tpu.memory_space<vmem>> -> memref<1x1x128xi32, #tpu.memory_space<vmem>>
    %dma_start3A_588 = tpu.memref_squeeze %dma_start3A_587 : memref<1x1x128xi32, #tpu.memory_space<vmem>> -> memref<128xi32, #tpu.memory_space<vmem>>
    %dma_start3A_589 = arith.constant 0 : i32
    %dma_start3A_590 = arith.constant 0 : i32
    %dma_start3A_591 = tpu.memref_slice %arg3[%dma_start3A_589, %dma_start3A_590] : memref<1000000x128xf32, #tpu.memory_space<hbm>> -> memref<1000000x128xf32, #tpu.memory_space<hbm>>
    tpu.enqueue_indirect_dma source(%dma_start3A_591 : memref<1000000x128xf32, #tpu.memory_space<hbm>>) target(%dma_start3A_585 : memref<128x128xf32, #tpu.memory_space<vmem>>) offsets(%dma_start3A_588 : memref<128xi32, #tpu.memory_space<vmem>>) semaphore(%arg16 : memref<!tpu.dma_semaphore, #tpu.memory_space<semaphore_mem>>)
    %dma_wait3A_592 = arith.constant 0 : i32
    %dma_wait3A_593 = arith.constant 2 : i32
    %dma_wait3A_594 = arith.constant 0 : i32
    %dma_wait3A_595 = arith.constant 0 : i32
    %dma_wait3A_596 = tpu.memref_slice %arg13[%dma_wait3A_594, %dma_wait3A_595] : memref<256x128xf32, #tpu.memory_space<vmem>> -> memref<128x128xf32, #tpu.memory_space<vmem>>
    %dma_wait3A_597 = arith.constant 0 : i32
    %dma_wait3A_598 = tpu.memref_slice %arg10[%dma_wait3A_592, %dma_wait3A_593, %dma_wait3A_597] : memref<10x4x128xi32, #tpu.memory_space<vmem>> -> memref<1x1x128xi32, #tpu.memory_space<vmem>>
    %dma_wait3A_599 = tpu.memref_squeeze %dma_wait3A_598 : memref<1x1x128xi32, #tpu.memory_space<vmem>> -> memref<128xi32, #tpu.memory_space<vmem>>
    %dma_wait3A_600 = arith.constant 0 : i32
    %dma_wait3A_601 = arith.constant 0 : i32
    %dma_wait3A_602 = tpu.memref_slice %arg3[%dma_wait3A_600, %dma_wait3A_601] : memref<1000000x128xf32, #tpu.memory_space<hbm>> -> memref<1000000x128xf32, #tpu.memory_space<hbm>>
    tpu.wait_indirect_dma semaphore(%arg16 : memref<!tpu.dma_semaphore, #tpu.memory_space<semaphore_mem>>) src(%dma_wait3A_602 : memref<1000000x128xf32, #tpu.memory_space<hbm>>) dst(%dma_wait3A_596 : memref<128x128xf32, #tpu.memory_space<vmem>>)
    %dma_wait3A_603 = arith.constant 0 : i32
    %dma_wait3A_604 = arith.constant 3 : i32
    %dma_wait3A_605 = arith.constant 128 : i32
    %dma_wait3A_606 = arith.constant 0 : i32
    %dma_wait3A_607 = tpu.memref_slice %arg13[%dma_wait3A_605, %dma_wait3A_606] : memref<256x128xf32, #tpu.memory_space<vmem>> -> memref<128x128xf32, #tpu.memory_space<vmem>>
    %dma_wait3A_608 = arith.constant 0 : i32
    %dma_wait3A_609 = tpu.memref_slice %arg10[%dma_wait3A_603, %dma_wait3A_604, %dma_wait3A_608] : memref<10x4x128xi32, #tpu.memory_space<vmem>> -> memref<1x1x128xi32, #tpu.memory_space<vmem>>
    %dma_wait3A_610 = tpu.memref_squeeze %dma_wait3A_609 : memref<1x1x128xi32, #tpu.memory_space<vmem>> -> memref<128xi32, #tpu.memory_space<vmem>>
    %dma_wait3A_611 = arith.constant 0 : i32
    %dma_wait3A_612 = arith.constant 0 : i32
    %dma_wait3A_613 = tpu.memref_slice %arg3[%dma_wait3A_611, %dma_wait3A_612] : memref<1000000x128xf32, #tpu.memory_space<hbm>> -> memref<1000000x128xf32, #tpu.memory_space<hbm>>
    tpu.wait_indirect_dma semaphore(%arg16 : memref<!tpu.dma_semaphore, #tpu.memory_space<semaphore_mem>>) src(%dma_wait3A_613 : memref<1000000x128xf32, #tpu.memory_space<hbm>>) dst(%dma_wait3A_607 : memref<128x128xf32, #tpu.memory_space<vmem>>)
    %dma_start3A_614 = arith.constant 1 : i32
    %dma_start3A_615 = arith.constant 2 : i32
    %dma_start3A_616 = arith.constant 0 : i32
    %dma_start3A_617 = arith.constant 0 : i32
    %dma_start3A_618 = tpu.memref_slice %arg13[%dma_start3A_616, %dma_start3A_617] : memref<256x128xf32, #tpu.memory_space<vmem>> -> memref<128x128xf32, #tpu.memory_space<vmem>>
    %dma_start3A_619 = arith.constant 0 : i32
    %dma_start3A_620 = tpu.memref_slice %arg10[%dma_start3A_614, %dma_start3A_615, %dma_start3A_619] : memref<10x4x128xi32, #tpu.memory_space<vmem>> -> memref<1x1x128xi32, #tpu.memory_space<vmem>>
    %dma_start3A_621 = tpu.memref_squeeze %dma_start3A_620 : memref<1x1x128xi32, #tpu.memory_space<vmem>> -> memref<128xi32, #tpu.memory_space<vmem>>
    %dma_start3A_622 = arith.constant 0 : i32
    %dma_start3A_623 = arith.constant 0 : i32
    %dma_start3A_624 = tpu.memref_slice %arg3[%dma_start3A_622, %dma_start3A_623] : memref<1000000x128xf32, #tpu.memory_space<hbm>> -> memref<1000000x128xf32, #tpu.memory_space<hbm>>
    tpu.enqueue_indirect_dma source(%dma_start3A_624 : memref<1000000x128xf32, #tpu.memory_space<hbm>>) target(%dma_start3A_618 : memref<128x128xf32, #tpu.memory_space<vmem>>) offsets(%dma_start3A_621 : memref<128xi32, #tpu.memory_space<vmem>>) semaphore(%arg16 : memref<!tpu.dma_semaphore, #tpu.memory_space<semaphore_mem>>) {add = true}
    %dma_start3A_625 = arith.constant 1 : i32
    %dma_start3A_626 = arith.constant 3 : i32
    %dma_start3A_627 = arith.constant 128 : i32
    %dma_start3A_628 = arith.constant 0 : i32
    %dma_start3A_629 = tpu.memref_slice %arg13[%dma_start3A_627, %dma_start3A_628] : memref<256x128xf32, #tpu.memory_space<vmem>> -> memref<128x128xf32, #tpu.memory_space<vmem>>
    %dma_start3A_630 = arith.constant 0 : i32
    %dma_start3A_631 = tpu.memref_slice %arg10[%dma_start3A_625, %dma_start3A_626, %dma_start3A_630] : memref<10x4x128xi32, #tpu.memory_space<vmem>> -> memref<1x1x128xi32, #tpu.memory_space<vmem>>
    %dma_start3A_632 = tpu.memref_squeeze %dma_start3A_631 : memref<1x1x128xi32, #tpu.memory_space<vmem>> -> memref<128xi32, #tpu.memory_space<vmem>>
    %dma_start3A_633 = arith.constant 0 : i32
    %dma_start3A_634 = arith.constant 0 : i32
    %dma_start3A_635 = tpu.memref_slice %arg3[%dma_start3A_633, %dma_start3A_634] : memref<1000000x128xf32, #tpu.memory_space<hbm>> -> memref<1000000x128xf32, #tpu.memory_space<hbm>>
    tpu.enqueue_indirect_dma source(%dma_start3A_635 : memref<1000000x128xf32, #tpu.memory_space<hbm>>) target(%dma_start3A_629 : memref<128x128xf32, #tpu.memory_space<vmem>>) offsets(%dma_start3A_632 : memref<128xi32, #tpu.memory_space<vmem>>) semaphore(%arg16 : memref<!tpu.dma_semaphore, #tpu.memory_space<semaphore_mem>>) {add = true}
    %dma_wait3A_636 = arith.constant 1 : i32
    %dma_wait3A_637 = arith.constant 2 : i32
    %dma_wait3A_638 = arith.constant 0 : i32
    %dma_wait3A_639 = arith.constant 0 : i32
    %dma_wait3A_640 = tpu.memref_slice %arg13[%dma_wait3A_638, %dma_wait3A_639] : memref<256x128xf32, #tpu.memory_space<vmem>> -> memref<128x128xf32, #tpu.memory_space<vmem>>
    %dma_wait3A_641 = arith.constant 0 : i32
    %dma_wait3A_642 = tpu.memref_slice %arg10[%dma_wait3A_636, %dma_wait3A_637, %dma_wait3A_641] : memref<10x4x128xi32, #tpu.memory_space<vmem>> -> memref<1x1x128xi32, #tpu.memory_space<vmem>>
    %dma_wait3A_643 = tpu.memref_squeeze %dma_wait3A_642 : memref<1x1x128xi32, #tpu.memory_space<vmem>> -> memref<128xi32, #tpu.memory_space<vmem>>
    %dma_wait3A_644 = arith.constant 0 : i32
    %dma_wait3A_645 = arith.constant 0 : i32
    %dma_wait3A_646 = tpu.memref_slice %arg3[%dma_wait3A_644, %dma_wait3A_645] : memref<1000000x128xf32, #tpu.memory_space<hbm>> -> memref<1000000x128xf32, #tpu.memory_space<hbm>>
    tpu.wait_indirect_dma semaphore(%arg16 : memref<!tpu.dma_semaphore, #tpu.memory_space<semaphore_mem>>) src(%dma_wait3A_646 : memref<1000000x128xf32, #tpu.memory_space<hbm>>) dst(%dma_wait3A_640 : memref<128x128xf32, #tpu.memory_space<vmem>>)
    %dma_wait3A_647 = arith.constant 1 : i32
    %dma_wait3A_648 = arith.constant 3 : i32
    %dma_wait3A_649 = arith.constant 128 : i32
    %dma_wait3A_650 = arith.constant 0 : i32
    %dma_wait3A_651 = tpu.memref_slice %arg13[%dma_wait3A_649, %dma_wait3A_650] : memref<256x128xf32, #tpu.memory_space<vmem>> -> memref<128x128xf32, #tpu.memory_space<vmem>>
    %dma_wait3A_652 = arith.constant 0 : i32
    %dma_wait3A_653 = tpu.memref_slice %arg10[%dma_wait3A_647, %dma_wait3A_648, %dma_wait3A_652] : memref<10x4x128xi32, #tpu.memory_space<vmem>> -> memref<1x1x128xi32, #tpu.memory_space<vmem>>
    %dma_wait3A_654 = tpu.memref_squeeze %dma_wait3A_653 : memref<1x1x128xi32, #tpu.memory_space<vmem>> -> memref<128xi32, #tpu.memory_space<vmem>>
    %dma_wait3A_655 = arith.constant 0 : i32
    %dma_wait3A_656 = arith.constant 0 : i32
    %dma_wait3A_657 = tpu.memref_slice %arg3[%dma_wait3A_655, %dma_wait3A_656] : memref<1000000x128xf32, #tpu.memory_space<hbm>> -> memref<1000000x128xf32, #tpu.memory_space<hbm>>
    tpu.wait_indirect_dma semaphore(%arg16 : memref<!tpu.dma_semaphore, #tpu.memory_space<semaphore_mem>>) src(%dma_wait3A_657 : memref<1000000x128xf32, #tpu.memory_space<hbm>>) dst(%dma_wait3A_651 : memref<128x128xf32, #tpu.memory_space<vmem>>)
    %dma_start3A_658 = arith.constant 2 : i32
    %dma_start3A_659 = arith.constant 2 : i32
    %dma_start3A_660 = arith.constant 0 : i32
    %dma_start3A_661 = arith.constant 0 : i32
    %dma_start3A_662 = tpu.memref_slice %arg13[%dma_start3A_660, %dma_start3A_661] : memref<256x128xf32, #tpu.memory_space<vmem>> -> memref<128x128xf32, #tpu.memory_space<vmem>>
    %dma_start3A_663 = arith.constant 0 : i32
    %dma_start3A_664 = tpu.memref_slice %arg10[%dma_start3A_658, %dma_start3A_659, %dma_start3A_663] : memref<10x4x128xi32, #tpu.memory_space<vmem>> -> memref<1x1x128xi32, #tpu.memory_space<vmem>>
    %dma_start3A_665 = tpu.memref_squeeze %dma_start3A_664 : memref<1x1x128xi32, #tpu.memory_space<vmem>> -> memref<128xi32, #tpu.memory_space<vmem>>
    %dma_start3A_666 = arith.constant 0 : i32
    %dma_start3A_667 = arith.constant 0 : i32
    %dma_start3A_668 = tpu.memref_slice %arg3[%dma_start3A_666, %dma_start3A_667] : memref<1000000x128xf32, #tpu.memory_space<hbm>> -> memref<1000000x128xf32, #tpu.memory_space<hbm>>
    tpu.enqueue_indirect_dma source(%dma_start3A_668 : memref<1000000x128xf32, #tpu.memory_space<hbm>>) target(%dma_start3A_662 : memref<128x128xf32, #tpu.memory_space<vmem>>) offsets(%dma_start3A_665 : memref<128xi32, #tpu.memory_space<vmem>>) semaphore(%arg16 : memref<!tpu.dma_semaphore, #tpu.memory_space<semaphore_mem>>) {add = true}
    %dma_start3A_669 = arith.constant 2 : i32
    %dma_start3A_670 = arith.constant 3 : i32
    %dma_start3A_671 = arith.constant 128 : i32
    %dma_start3A_672 = arith.constant 0 : i32
    %dma_start3A_673 = tpu.memref_slice %arg13[%dma_start3A_671, %dma_start3A_672] : memref<256x128xf32, #tpu.memory_space<vmem>> -> memref<128x128xf32, #tpu.memory_space<vmem>>
    %dma_start3A_674 = arith.constant 0 : i32
    %dma_start3A_675 = tpu.memref_slice %arg10[%dma_start3A_669, %dma_start3A_670, %dma_start3A_674] : memref<10x4x128xi32, #tpu.memory_space<vmem>> -> memref<1x1x128xi32, #tpu.memory_space<vmem>>
    %dma_start3A_676 = tpu.memref_squeeze %dma_start3A_675 : memref<1x1x128xi32, #tpu.memory_space<vmem>> -> memref<128xi32, #tpu.memory_space<vmem>>
    %dma_start3A_677 = arith.constant 0 : i32
    %dma_start3A_678 = arith.constant 0 : i32
    %dma_start3A_679 = tpu.memref_slice %arg3[%dma_start3A_677, %dma_start3A_678] : memref<1000000x128xf32, #tpu.memory_space<hbm>> -> memref<1000000x128xf32, #tpu.memory_space<hbm>>
    tpu.enqueue_indirect_dma source(%dma_start3A_679 : memref<1000000x128xf32, #tpu.memory_space<hbm>>) target(%dma_start3A_673 : memref<128x128xf32, #tpu.memory_space<vmem>>) offsets(%dma_start3A_676 : memref<128xi32, #tpu.memory_space<vmem>>) semaphore(%arg16 : memref<!tpu.dma_semaphore, #tpu.memory_space<semaphore_mem>>) {add = true}
    %dma_wait3A_680 = arith.constant 2 : i32
    %dma_wait3A_681 = arith.constant 2 : i32
    %dma_wait3A_682 = arith.constant 0 : i32
    %dma_wait3A_683 = arith.constant 0 : i32
    %dma_wait3A_684 = tpu.memref_slice %arg13[%dma_wait3A_682, %dma_wait3A_683] : memref<256x128xf32, #tpu.memory_space<vmem>> -> memref<128x128xf32, #tpu.memory_space<vmem>>
    %dma_wait3A_685 = arith.constant 0 : i32
    %dma_wait3A_686 = tpu.memref_slice %arg10[%dma_wait3A_680, %dma_wait3A_681, %dma_wait3A_685] : memref<10x4x128xi32, #tpu.memory_space<vmem>> -> memref<1x1x128xi32, #tpu.memory_space<vmem>>
    %dma_wait3A_687 = tpu.memref_squeeze %dma_wait3A_686 : memref<1x1x128xi32, #tpu.memory_space<vmem>> -> memref<128xi32, #tpu.memory_space<vmem>>
    %dma_wait3A_688 = arith.constant 0 : i32
    %dma_wait3A_689 = arith.constant 0 : i32
    %dma_wait3A_690 = tpu.memref_slice %arg3[%dma_wait3A_688, %dma_wait3A_689] : memref<1000000x128xf32, #tpu.memory_space<hbm>> -> memref<1000000x128xf32, #tpu.memory_space<hbm>>
    tpu.wait_indirect_dma semaphore(%arg16 : memref<!tpu.dma_semaphore, #tpu.memory_space<semaphore_mem>>) src(%dma_wait3A_690 : memref<1000000x128xf32, #tpu.memory_space<hbm>>) dst(%dma_wait3A_684 : memref<128x128xf32, #tpu.memory_space<vmem>>)
    %dma_wait3A_691 = arith.constant 2 : i32
    %dma_wait3A_692 = arith.constant 3 : i32
    %dma_wait3A_693 = arith.constant 128 : i32
    %dma_wait3A_694 = arith.constant 0 : i32
    %dma_wait3A_695 = tpu.memref_slice %arg13[%dma_wait3A_693, %dma_wait3A_694] : memref<256x128xf32, #tpu.memory_space<vmem>> -> memref<128x128xf32, #tpu.memory_space<vmem>>
    %dma_wait3A_696 = arith.constant 0 : i32
    %dma_wait3A_697 = tpu.memref_slice %arg10[%dma_wait3A_691, %dma_wait3A_692, %dma_wait3A_696] : memref<10x4x128xi32, #tpu.memory_space<vmem>> -> memref<1x1x128xi32, #tpu.memory_space<vmem>>
    %dma_wait3A_698 = tpu.memref_squeeze %dma_wait3A_697 : memref<1x1x128xi32, #tpu.memory_space<vmem>> -> memref<128xi32, #tpu.memory_space<vmem>>
    %dma_wait3A_699 = arith.constant 0 : i32
    %dma_wait3A_700 = arith.constant 0 : i32
    %dma_wait3A_701 = tpu.memref_slice %arg3[%dma_wait3A_699, %dma_wait3A_700] : memref<1000000x128xf32, #tpu.memory_space<hbm>> -> memref<1000000x128xf32, #tpu.memory_space<hbm>>
    tpu.wait_indirect_dma semaphore(%arg16 : memref<!tpu.dma_semaphore, #tpu.memory_space<semaphore_mem>>) src(%dma_wait3A_701 : memref<1000000x128xf32, #tpu.memory_space<hbm>>) dst(%dma_wait3A_695 : memref<128x128xf32, #tpu.memory_space<vmem>>)
    %dma_start3A_702 = arith.constant 3 : i32
    %dma_start3A_703 = arith.constant 2 : i32
    %dma_start3A_704 = arith.constant 0 : i32
    %dma_start3A_705 = arith.constant 0 : i32
    %dma_start3A_706 = tpu.memref_slice %arg13[%dma_start3A_704, %dma_start3A_705] : memref<256x128xf32, #tpu.memory_space<vmem>> -> memref<128x128xf32, #tpu.memory_space<vmem>>
    %dma_start3A_707 = arith.constant 0 : i32
    %dma_start3A_708 = tpu.memref_slice %arg10[%dma_start3A_702, %dma_start3A_703, %dma_start3A_707] : memref<10x4x128xi32, #tpu.memory_space<vmem>> -> memref<1x1x128xi32, #tpu.memory_space<vmem>>
    %dma_start3A_709 = tpu.memref_squeeze %dma_start3A_708 : memref<1x1x128xi32, #tpu.memory_space<vmem>> -> memref<128xi32, #tpu.memory_space<vmem>>
    %dma_start3A_710 = arith.constant 0 : i32
    %dma_start3A_711 = arith.constant 0 : i32
    %dma_start3A_712 = tpu.memref_slice %arg3[%dma_start3A_710, %dma_start3A_711] : memref<1000000x128xf32, #tpu.memory_space<hbm>> -> memref<1000000x128xf32, #tpu.memory_space<hbm>>
    tpu.enqueue_indirect_dma source(%dma_start3A_712 : memref<1000000x128xf32, #tpu.memory_space<hbm>>) target(%dma_start3A_706 : memref<128x128xf32, #tpu.memory_space<vmem>>) offsets(%dma_start3A_709 : memref<128xi32, #tpu.memory_space<vmem>>) semaphore(%arg16 : memref<!tpu.dma_semaphore, #tpu.memory_space<semaphore_mem>>) {add = true}
    %dma_start3A_713 = arith.constant 3 : i32
    %dma_start3A_714 = arith.constant 3 : i32
    %dma_start3A_715 = arith.constant 128 : i32
    %dma_start3A_716 = arith.constant 0 : i32
    %dma_start3A_717 = tpu.memref_slice %arg13[%dma_start3A_715, %dma_start3A_716] : memref<256x128xf32, #tpu.memory_space<vmem>> -> memref<128x128xf32, #tpu.memory_space<vmem>>
    %dma_start3A_718 = arith.constant 0 : i32
    %dma_start3A_719 = tpu.memref_slice %arg10[%dma_start3A_713, %dma_start3A_714, %dma_start3A_718] : memref<10x4x128xi32, #tpu.memory_space<vmem>> -> memref<1x1x128xi32, #tpu.memory_space<vmem>>
    %dma_start3A_720 = tpu.memref_squeeze %dma_start3A_719 : memref<1x1x128xi32, #tpu.memory_space<vmem>> -> memref<128xi32, #tpu.memory_space<vmem>>
    %dma_start3A_721 = arith.constant 0 : i32
    %dma_start3A_722 = arith.constant 0 : i32
    %dma_start3A_723 = tpu.memref_slice %arg3[%dma_start3A_721, %dma_start3A_722] : memref<1000000x128xf32, #tpu.memory_space<hbm>> -> memref<1000000x128xf32, #tpu.memory_space<hbm>>
    tpu.enqueue_indirect_dma source(%dma_start3A_723 : memref<1000000x128xf32, #tpu.memory_space<hbm>>) target(%dma_start3A_717 : memref<128x128xf32, #tpu.memory_space<vmem>>) offsets(%dma_start3A_720 : memref<128xi32, #tpu.memory_space<vmem>>) semaphore(%arg16 : memref<!tpu.dma_semaphore, #tpu.memory_space<semaphore_mem>>) {add = true}
    %dma_wait3A_724 = arith.constant 3 : i32
    %dma_wait3A_725 = arith.constant 2 : i32
    %dma_wait3A_726 = arith.constant 0 : i32
    %dma_wait3A_727 = arith.constant 0 : i32
    %dma_wait3A_728 = tpu.memref_slice %arg13[%dma_wait3A_726, %dma_wait3A_727] : memref<256x128xf32, #tpu.memory_space<vmem>> -> memref<128x128xf32, #tpu.memory_space<vmem>>
    %dma_wait3A_729 = arith.constant 0 : i32
    %dma_wait3A_730 = tpu.memref_slice %arg10[%dma_wait3A_724, %dma_wait3A_725, %dma_wait3A_729] : memref<10x4x128xi32, #tpu.memory_space<vmem>> -> memref<1x1x128xi32, #tpu.memory_space<vmem>>
    %dma_wait3A_731 = tpu.memref_squeeze %dma_wait3A_730 : memref<1x1x128xi32, #tpu.memory_space<vmem>> -> memref<128xi32, #tpu.memory_space<vmem>>
    %dma_wait3A_732 = arith.constant 0 : i32
    %dma_wait3A_733 = arith.constant 0 : i32
    %dma_wait3A_734 = tpu.memref_slice %arg3[%dma_wait3A_732, %dma_wait3A_733] : memref<1000000x128xf32, #tpu.memory_space<hbm>> -> memref<1000000x128xf32, #tpu.memory_space<hbm>>
    tpu.wait_indirect_dma semaphore(%arg16 : memref<!tpu.dma_semaphore, #tpu.memory_space<semaphore_mem>>) src(%dma_wait3A_734 : memref<1000000x128xf32, #tpu.memory_space<hbm>>) dst(%dma_wait3A_728 : memref<128x128xf32, #tpu.memory_space<vmem>>)
    %dma_wait3A_735 = arith.constant 3 : i32
    %dma_wait3A_736 = arith.constant 3 : i32
    %dma_wait3A_737 = arith.constant 128 : i32
    %dma_wait3A_738 = arith.constant 0 : i32
    %dma_wait3A_739 = tpu.memref_slice %arg13[%dma_wait3A_737, %dma_wait3A_738] : memref<256x128xf32, #tpu.memory_space<vmem>> -> memref<128x128xf32, #tpu.memory_space<vmem>>
    %dma_wait3A_740 = arith.constant 0 : i32
    %dma_wait3A_741 = tpu.memref_slice %arg10[%dma_wait3A_735, %dma_wait3A_736, %dma_wait3A_740] : memref<10x4x128xi32, #tpu.memory_space<vmem>> -> memref<1x1x128xi32, #tpu.memory_space<vmem>>
    %dma_wait3A_742 = tpu.memref_squeeze %dma_wait3A_741 : memref<1x1x128xi32, #tpu.memory_space<vmem>> -> memref<128xi32, #tpu.memory_space<vmem>>
    %dma_wait3A_743 = arith.constant 0 : i32
    %dma_wait3A_744 = arith.constant 0 : i32
    %dma_wait3A_745 = tpu.memref_slice %arg3[%dma_wait3A_743, %dma_wait3A_744] : memref<1000000x128xf32, #tpu.memory_space<hbm>> -> memref<1000000x128xf32, #tpu.memory_space<hbm>>
    tpu.wait_indirect_dma semaphore(%arg16 : memref<!tpu.dma_semaphore, #tpu.memory_space<semaphore_mem>>) src(%dma_wait3A_745 : memref<1000000x128xf32, #tpu.memory_space<hbm>>) dst(%dma_wait3A_739 : memref<128x128xf32, #tpu.memory_space<vmem>>)
    %dma_start3A_746 = arith.constant 4 : i32
    %dma_start3A_747 = arith.constant 2 : i32
    %dma_start3A_748 = arith.constant 0 : i32
    %dma_start3A_749 = arith.constant 0 : i32
    %dma_start3A_750 = tpu.memref_slice %arg13[%dma_start3A_748, %dma_start3A_749] : memref<256x128xf32, #tpu.memory_space<vmem>> -> memref<128x128xf32, #tpu.memory_space<vmem>>
    %dma_start3A_751 = arith.constant 0 : i32
    %dma_start3A_752 = tpu.memref_slice %arg10[%dma_start3A_746, %dma_start3A_747, %dma_start3A_751] : memref<10x4x128xi32, #tpu.memory_space<vmem>> -> memref<1x1x128xi32, #tpu.memory_space<vmem>>
    %dma_start3A_753 = tpu.memref_squeeze %dma_start3A_752 : memref<1x1x128xi32, #tpu.memory_space<vmem>> -> memref<128xi32, #tpu.memory_space<vmem>>
    %dma_start3A_754 = arith.constant 0 : i32
    %dma_start3A_755 = arith.constant 0 : i32
    %dma_start3A_756 = tpu.memref_slice %arg3[%dma_start3A_754, %dma_start3A_755] : memref<1000000x128xf32, #tpu.memory_space<hbm>> -> memref<1000000x128xf32, #tpu.memory_space<hbm>>
    tpu.enqueue_indirect_dma source(%dma_start3A_756 : memref<1000000x128xf32, #tpu.memory_space<hbm>>) target(%dma_start3A_750 : memref<128x128xf32, #tpu.memory_space<vmem>>) offsets(%dma_start3A_753 : memref<128xi32, #tpu.memory_space<vmem>>) semaphore(%arg16 : memref<!tpu.dma_semaphore, #tpu.memory_space<semaphore_mem>>) {add = true}
    %dma_start3A_757 = arith.constant 4 : i32
    %dma_start3A_758 = arith.constant 3 : i32
    %dma_start3A_759 = arith.constant 128 : i32
    %dma_start3A_760 = arith.constant 0 : i32
    %dma_start3A_761 = tpu.memref_slice %arg13[%dma_start3A_759, %dma_start3A_760] : memref<256x128xf32, #tpu.memory_space<vmem>> -> memref<128x128xf32, #tpu.memory_space<vmem>>
    %dma_start3A_762 = arith.constant 0 : i32
    %dma_start3A_763 = tpu.memref_slice %arg10[%dma_start3A_757, %dma_start3A_758, %dma_start3A_762] : memref<10x4x128xi32, #tpu.memory_space<vmem>> -> memref<1x1x128xi32, #tpu.memory_space<vmem>>
    %dma_start3A_764 = tpu.memref_squeeze %dma_start3A_763 : memref<1x1x128xi32, #tpu.memory_space<vmem>> -> memref<128xi32, #tpu.memory_space<vmem>>
    %dma_start3A_765 = arith.constant 0 : i32
    %dma_start3A_766 = arith.constant 0 : i32
    %dma_start3A_767 = tpu.memref_slice %arg3[%dma_start3A_765, %dma_start3A_766] : memref<1000000x128xf32, #tpu.memory_space<hbm>> -> memref<1000000x128xf32, #tpu.memory_space<hbm>>
    tpu.enqueue_indirect_dma source(%dma_start3A_767 : memref<1000000x128xf32, #tpu.memory_space<hbm>>) target(%dma_start3A_761 : memref<128x128xf32, #tpu.memory_space<vmem>>) offsets(%dma_start3A_764 : memref<128xi32, #tpu.memory_space<vmem>>) semaphore(%arg16 : memref<!tpu.dma_semaphore, #tpu.memory_space<semaphore_mem>>) {add = true}
    %dma_wait3A_768 = arith.constant 4 : i32
    %dma_wait3A_769 = arith.constant 2 : i32
    %dma_wait3A_770 = arith.constant 0 : i32
    %dma_wait3A_771 = arith.constant 0 : i32
    %dma_wait3A_772 = tpu.memref_slice %arg13[%dma_wait3A_770, %dma_wait3A_771] : memref<256x128xf32, #tpu.memory_space<vmem>> -> memref<128x128xf32, #tpu.memory_space<vmem>>
    %dma_wait3A_773 = arith.constant 0 : i32
    %dma_wait3A_774 = tpu.memref_slice %arg10[%dma_wait3A_768, %dma_wait3A_769, %dma_wait3A_773] : memref<10x4x128xi32, #tpu.memory_space<vmem>> -> memref<1x1x128xi32, #tpu.memory_space<vmem>>
    %dma_wait3A_775 = tpu.memref_squeeze %dma_wait3A_774 : memref<1x1x128xi32, #tpu.memory_space<vmem>> -> memref<128xi32, #tpu.memory_space<vmem>>
    %dma_wait3A_776 = arith.constant 0 : i32
    %dma_wait3A_777 = arith.constant 0 : i32
    %dma_wait3A_778 = tpu.memref_slice %arg3[%dma_wait3A_776, %dma_wait3A_777] : memref<1000000x128xf32, #tpu.memory_space<hbm>> -> memref<1000000x128xf32, #tpu.memory_space<hbm>>
    tpu.wait_indirect_dma semaphore(%arg16 : memref<!tpu.dma_semaphore, #tpu.memory_space<semaphore_mem>>) src(%dma_wait3A_778 : memref<1000000x128xf32, #tpu.memory_space<hbm>>) dst(%dma_wait3A_772 : memref<128x128xf32, #tpu.memory_space<vmem>>)
    %dma_wait3A_779 = arith.constant 4 : i32
    %dma_wait3A_780 = arith.constant 3 : i32
    %dma_wait3A_781 = arith.constant 128 : i32
    %dma_wait3A_782 = arith.constant 0 : i32
    %dma_wait3A_783 = tpu.memref_slice %arg13[%dma_wait3A_781, %dma_wait3A_782] : memref<256x128xf32, #tpu.memory_space<vmem>> -> memref<128x128xf32, #tpu.memory_space<vmem>>
    %dma_wait3A_784 = arith.constant 0 : i32
    %dma_wait3A_785 = tpu.memref_slice %arg10[%dma_wait3A_779, %dma_wait3A_780, %dma_wait3A_784] : memref<10x4x128xi32, #tpu.memory_space<vmem>> -> memref<1x1x128xi32, #tpu.memory_space<vmem>>
    %dma_wait3A_786 = tpu.memref_squeeze %dma_wait3A_785 : memref<1x1x128xi32, #tpu.memory_space<vmem>> -> memref<128xi32, #tpu.memory_space<vmem>>
    %dma_wait3A_787 = arith.constant 0 : i32
    %dma_wait3A_788 = arith.constant 0 : i32
    %dma_wait3A_789 = tpu.memref_slice %arg3[%dma_wait3A_787, %dma_wait3A_788] : memref<1000000x128xf32, #tpu.memory_space<hbm>> -> memref<1000000x128xf32, #tpu.memory_space<hbm>>
    tpu.wait_indirect_dma semaphore(%arg16 : memref<!tpu.dma_semaphore, #tpu.memory_space<semaphore_mem>>) src(%dma_wait3A_789 : memref<1000000x128xf32, #tpu.memory_space<hbm>>) dst(%dma_wait3A_783 : memref<128x128xf32, #tpu.memory_space<vmem>>)
    %dma_start3A_790 = arith.constant 5 : i32
    %dma_start3A_791 = arith.constant 2 : i32
    %dma_start3A_792 = arith.constant 0 : i32
    %dma_start3A_793 = arith.constant 0 : i32
    %dma_start3A_794 = tpu.memref_slice %arg13[%dma_start3A_792, %dma_start3A_793] : memref<256x128xf32, #tpu.memory_space<vmem>> -> memref<128x128xf32, #tpu.memory_space<vmem>>
    %dma_start3A_795 = arith.constant 0 : i32
    %dma_start3A_796 = tpu.memref_slice %arg10[%dma_start3A_790, %dma_start3A_791, %dma_start3A_795] : memref<10x4x128xi32, #tpu.memory_space<vmem>> -> memref<1x1x128xi32, #tpu.memory_space<vmem>>
    %dma_start3A_797 = tpu.memref_squeeze %dma_start3A_796 : memref<1x1x128xi32, #tpu.memory_space<vmem>> -> memref<128xi32, #tpu.memory_space<vmem>>
    %dma_start3A_798 = arith.constant 0 : i32
    %dma_start3A_799 = arith.constant 0 : i32
    %dma_start3A_800 = tpu.memref_slice %arg3[%dma_start3A_798, %dma_start3A_799] : memref<1000000x128xf32, #tpu.memory_space<hbm>> -> memref<1000000x128xf32, #tpu.memory_space<hbm>>
    tpu.enqueue_indirect_dma source(%dma_start3A_800 : memref<1000000x128xf32, #tpu.memory_space<hbm>>) target(%dma_start3A_794 : memref<128x128xf32, #tpu.memory_space<vmem>>) offsets(%dma_start3A_797 : memref<128xi32, #tpu.memory_space<vmem>>) semaphore(%arg16 : memref<!tpu.dma_semaphore, #tpu.memory_space<semaphore_mem>>) {add = true}
    %dma_start3A_801 = arith.constant 5 : i32
    %dma_start3A_802 = arith.constant 3 : i32
    %dma_start3A_803 = arith.constant 128 : i32
    %dma_start3A_804 = arith.constant 0 : i32
    %dma_start3A_805 = tpu.memref_slice %arg13[%dma_start3A_803, %dma_start3A_804] : memref<256x128xf32, #tpu.memory_space<vmem>> -> memref<128x128xf32, #tpu.memory_space<vmem>>
    %dma_start3A_806 = arith.constant 0 : i32
    %dma_start3A_807 = tpu.memref_slice %arg10[%dma_start3A_801, %dma_start3A_802, %dma_start3A_806] : memref<10x4x128xi32, #tpu.memory_space<vmem>> -> memref<1x1x128xi32, #tpu.memory_space<vmem>>
    %dma_start3A_808 = tpu.memref_squeeze %dma_start3A_807 : memref<1x1x128xi32, #tpu.memory_space<vmem>> -> memref<128xi32, #tpu.memory_space<vmem>>
    %dma_start3A_809 = arith.constant 0 : i32
    %dma_start3A_810 = arith.constant 0 : i32
    %dma_start3A_811 = tpu.memref_slice %arg3[%dma_start3A_809, %dma_start3A_810] : memref<1000000x128xf32, #tpu.memory_space<hbm>> -> memref<1000000x128xf32, #tpu.memory_space<hbm>>
    tpu.enqueue_indirect_dma source(%dma_start3A_811 : memref<1000000x128xf32, #tpu.memory_space<hbm>>) target(%dma_start3A_805 : memref<128x128xf32, #tpu.memory_space<vmem>>) offsets(%dma_start3A_808 : memref<128xi32, #tpu.memory_space<vmem>>) semaphore(%arg16 : memref<!tpu.dma_semaphore, #tpu.memory_space<semaphore_mem>>) {add = true}
    %dma_wait3A_812 = arith.constant 5 : i32
    %dma_wait3A_813 = arith.constant 2 : i32
    %dma_wait3A_814 = arith.constant 0 : i32
    %dma_wait3A_815 = arith.constant 0 : i32
    %dma_wait3A_816 = tpu.memref_slice %arg13[%dma_wait3A_814, %dma_wait3A_815] : memref<256x128xf32, #tpu.memory_space<vmem>> -> memref<128x128xf32, #tpu.memory_space<vmem>>
    %dma_wait3A_817 = arith.constant 0 : i32
    %dma_wait3A_818 = tpu.memref_slice %arg10[%dma_wait3A_812, %dma_wait3A_813, %dma_wait3A_817] : memref<10x4x128xi32, #tpu.memory_space<vmem>> -> memref<1x1x128xi32, #tpu.memory_space<vmem>>
    %dma_wait3A_819 = tpu.memref_squeeze %dma_wait3A_818 : memref<1x1x128xi32, #tpu.memory_space<vmem>> -> memref<128xi32, #tpu.memory_space<vmem>>
    %dma_wait3A_820 = arith.constant 0 : i32
    %dma_wait3A_821 = arith.constant 0 : i32
    %dma_wait3A_822 = tpu.memref_slice %arg3[%dma_wait3A_820, %dma_wait3A_821] : memref<1000000x128xf32, #tpu.memory_space<hbm>> -> memref<1000000x128xf32, #tpu.memory_space<hbm>>
    tpu.wait_indirect_dma semaphore(%arg16 : memref<!tpu.dma_semaphore, #tpu.memory_space<semaphore_mem>>) src(%dma_wait3A_822 : memref<1000000x128xf32, #tpu.memory_space<hbm>>) dst(%dma_wait3A_816 : memref<128x128xf32, #tpu.memory_space<vmem>>)
    %dma_wait3A_823 = arith.constant 5 : i32
    %dma_wait3A_824 = arith.constant 3 : i32
    %dma_wait3A_825 = arith.constant 128 : i32
    %dma_wait3A_826 = arith.constant 0 : i32
    %dma_wait3A_827 = tpu.memref_slice %arg13[%dma_wait3A_825, %dma_wait3A_826] : memref<256x128xf32, #tpu.memory_space<vmem>> -> memref<128x128xf32, #tpu.memory_space<vmem>>
    %dma_wait3A_828 = arith.constant 0 : i32
    %dma_wait3A_829 = tpu.memref_slice %arg10[%dma_wait3A_823, %dma_wait3A_824, %dma_wait3A_828] : memref<10x4x128xi32, #tpu.memory_space<vmem>> -> memref<1x1x128xi32, #tpu.memory_space<vmem>>
    %dma_wait3A_830 = tpu.memref_squeeze %dma_wait3A_829 : memref<1x1x128xi32, #tpu.memory_space<vmem>> -> memref<128xi32, #tpu.memory_space<vmem>>
    %dma_wait3A_831 = arith.constant 0 : i32
    %dma_wait3A_832 = arith.constant 0 : i32
    %dma_wait3A_833 = tpu.memref_slice %arg3[%dma_wait3A_831, %dma_wait3A_832] : memref<1000000x128xf32, #tpu.memory_space<hbm>> -> memref<1000000x128xf32, #tpu.memory_space<hbm>>
    tpu.wait_indirect_dma semaphore(%arg16 : memref<!tpu.dma_semaphore, #tpu.memory_space<semaphore_mem>>) src(%dma_wait3A_833 : memref<1000000x128xf32, #tpu.memory_space<hbm>>) dst(%dma_wait3A_827 : memref<128x128xf32, #tpu.memory_space<vmem>>)
    %dma_start3A_834 = arith.constant 6 : i32
    %dma_start3A_835 = arith.constant 2 : i32
    %dma_start3A_836 = arith.constant 0 : i32
    %dma_start3A_837 = arith.constant 0 : i32
    %dma_start3A_838 = tpu.memref_slice %arg13[%dma_start3A_836, %dma_start3A_837] : memref<256x128xf32, #tpu.memory_space<vmem>> -> memref<128x128xf32, #tpu.memory_space<vmem>>
    %dma_start3A_839 = arith.constant 0 : i32
    %dma_start3A_840 = tpu.memref_slice %arg10[%dma_start3A_834, %dma_start3A_835, %dma_start3A_839] : memref<10x4x128xi32, #tpu.memory_space<vmem>> -> memref<1x1x128xi32, #tpu.memory_space<vmem>>
    %dma_start3A_841 = tpu.memref_squeeze %dma_start3A_840 : memref<1x1x128xi32, #tpu.memory_space<vmem>> -> memref<128xi32, #tpu.memory_space<vmem>>
    %dma_start3A_842 = arith.constant 0 : i32
    %dma_start3A_843 = arith.constant 0 : i32
    %dma_start3A_844 = tpu.memref_slice %arg3[%dma_start3A_842, %dma_start3A_843] : memref<1000000x128xf32, #tpu.memory_space<hbm>> -> memref<1000000x128xf32, #tpu.memory_space<hbm>>
    tpu.enqueue_indirect_dma source(%dma_start3A_844 : memref<1000000x128xf32, #tpu.memory_space<hbm>>) target(%dma_start3A_838 : memref<128x128xf32, #tpu.memory_space<vmem>>) offsets(%dma_start3A_841 : memref<128xi32, #tpu.memory_space<vmem>>) semaphore(%arg16 : memref<!tpu.dma_semaphore, #tpu.memory_space<semaphore_mem>>) {add = true}
    %dma_start3A_845 = arith.constant 6 : i32
    %dma_start3A_846 = arith.constant 3 : i32
    %dma_start3A_847 = arith.constant 128 : i32
    %dma_start3A_848 = arith.constant 0 : i32
    %dma_start3A_849 = tpu.memref_slice %arg13[%dma_start3A_847, %dma_start3A_848] : memref<256x128xf32, #tpu.memory_space<vmem>> -> memref<128x128xf32, #tpu.memory_space<vmem>>
    %dma_start3A_850 = arith.constant 0 : i32
    %dma_start3A_851 = tpu.memref_slice %arg10[%dma_start3A_845, %dma_start3A_846, %dma_start3A_850] : memref<10x4x128xi32, #tpu.memory_space<vmem>> -> memref<1x1x128xi32, #tpu.memory_space<vmem>>
    %dma_start3A_852 = tpu.memref_squeeze %dma_start3A_851 : memref<1x1x128xi32, #tpu.memory_space<vmem>> -> memref<128xi32, #tpu.memory_space<vmem>>
    %dma_start3A_853 = arith.constant 0 : i32
    %dma_start3A_854 = arith.constant 0 : i32
    %dma_start3A_855 = tpu.memref_slice %arg3[%dma_start3A_853, %dma_start3A_854] : memref<1000000x128xf32, #tpu.memory_space<hbm>> -> memref<1000000x128xf32, #tpu.memory_space<hbm>>
    tpu.enqueue_indirect_dma source(%dma_start3A_855 : memref<1000000x128xf32, #tpu.memory_space<hbm>>) target(%dma_start3A_849 : memref<128x128xf32, #tpu.memory_space<vmem>>) offsets(%dma_start3A_852 : memref<128xi32, #tpu.memory_space<vmem>>) semaphore(%arg16 : memref<!tpu.dma_semaphore, #tpu.memory_space<semaphore_mem>>) {add = true}
    %dma_wait3A_856 = arith.constant 6 : i32
    %dma_wait3A_857 = arith.constant 2 : i32
    %dma_wait3A_858 = arith.constant 0 : i32
    %dma_wait3A_859 = arith.constant 0 : i32
    %dma_wait3A_860 = tpu.memref_slice %arg13[%dma_wait3A_858, %dma_wait3A_859] : memref<256x128xf32, #tpu.memory_space<vmem>> -> memref<128x128xf32, #tpu.memory_space<vmem>>
    %dma_wait3A_861 = arith.constant 0 : i32
    %dma_wait3A_862 = tpu.memref_slice %arg10[%dma_wait3A_856, %dma_wait3A_857, %dma_wait3A_861] : memref<10x4x128xi32, #tpu.memory_space<vmem>> -> memref<1x1x128xi32, #tpu.memory_space<vmem>>
    %dma_wait3A_863 = tpu.memref_squeeze %dma_wait3A_862 : memref<1x1x128xi32, #tpu.memory_space<vmem>> -> memref<128xi32, #tpu.memory_space<vmem>>
    %dma_wait3A_864 = arith.constant 0 : i32
    %dma_wait3A_865 = arith.constant 0 : i32
    %dma_wait3A_866 = tpu.memref_slice %arg3[%dma_wait3A_864, %dma_wait3A_865] : memref<1000000x128xf32, #tpu.memory_space<hbm>> -> memref<1000000x128xf32, #tpu.memory_space<hbm>>
    tpu.wait_indirect_dma semaphore(%arg16 : memref<!tpu.dma_semaphore, #tpu.memory_space<semaphore_mem>>) src(%dma_wait3A_866 : memref<1000000x128xf32, #tpu.memory_space<hbm>>) dst(%dma_wait3A_860 : memref<128x128xf32, #tpu.memory_space<vmem>>)
    %dma_wait3A_867 = arith.constant 6 : i32
    %dma_wait3A_868 = arith.constant 3 : i32
    %dma_wait3A_869 = arith.constant 128 : i32
    %dma_wait3A_870 = arith.constant 0 : i32
    %dma_wait3A_871 = tpu.memref_slice %arg13[%dma_wait3A_869, %dma_wait3A_870] : memref<256x128xf32, #tpu.memory_space<vmem>> -> memref<128x128xf32, #tpu.memory_space<vmem>>
    %dma_wait3A_872 = arith.constant 0 : i32
    %dma_wait3A_873 = tpu.memref_slice %arg10[%dma_wait3A_867, %dma_wait3A_868, %dma_wait3A_872] : memref<10x4x128xi32, #tpu.memory_space<vmem>> -> memref<1x1x128xi32, #tpu.memory_space<vmem>>
    %dma_wait3A_874 = tpu.memref_squeeze %dma_wait3A_873 : memref<1x1x128xi32, #tpu.memory_space<vmem>> -> memref<128xi32, #tpu.memory_space<vmem>>
    %dma_wait3A_875 = arith.constant 0 : i32
    %dma_wait3A_876 = arith.constant 0 : i32
    %dma_wait3A_877 = tpu.memref_slice %arg3[%dma_wait3A_875, %dma_wait3A_876] : memref<1000000x128xf32, #tpu.memory_space<hbm>> -> memref<1000000x128xf32, #tpu.memory_space<hbm>>
    tpu.wait_indirect_dma semaphore(%arg16 : memref<!tpu.dma_semaphore, #tpu.memory_space<semaphore_mem>>) src(%dma_wait3A_877 : memref<1000000x128xf32, #tpu.memory_space<hbm>>) dst(%dma_wait3A_871 : memref<128x128xf32, #tpu.memory_space<vmem>>)
    %dma_start3A_878 = arith.constant 7 : i32
    %dma_start3A_879 = arith.constant 2 : i32
    %dma_start3A_880 = arith.constant 0 : i32
    %dma_start3A_881 = arith.constant 0 : i32
    %dma_start3A_882 = tpu.memref_slice %arg13[%dma_start3A_880, %dma_start3A_881] : memref<256x128xf32, #tpu.memory_space<vmem>> -> memref<128x128xf32, #tpu.memory_space<vmem>>
    %dma_start3A_883 = arith.constant 0 : i32
    %dma_start3A_884 = tpu.memref_slice %arg10[%dma_start3A_878, %dma_start3A_879, %dma_start3A_883] : memref<10x4x128xi32, #tpu.memory_space<vmem>> -> memref<1x1x128xi32, #tpu.memory_space<vmem>>
    %dma_start3A_885 = tpu.memref_squeeze %dma_start3A_884 : memref<1x1x128xi32, #tpu.memory_space<vmem>> -> memref<128xi32, #tpu.memory_space<vmem>>
    %dma_start3A_886 = arith.constant 0 : i32
    %dma_start3A_887 = arith.constant 0 : i32
    %dma_start3A_888 = tpu.memref_slice %arg3[%dma_start3A_886, %dma_start3A_887] : memref<1000000x128xf32, #tpu.memory_space<hbm>> -> memref<1000000x128xf32, #tpu.memory_space<hbm>>
    tpu.enqueue_indirect_dma source(%dma_start3A_888 : memref<1000000x128xf32, #tpu.memory_space<hbm>>) target(%dma_start3A_882 : memref<128x128xf32, #tpu.memory_space<vmem>>) offsets(%dma_start3A_885 : memref<128xi32, #tpu.memory_space<vmem>>) semaphore(%arg16 : memref<!tpu.dma_semaphore, #tpu.memory_space<semaphore_mem>>) {add = true}
    %dma_start3A_889 = arith.constant 7 : i32
    %dma_start3A_890 = arith.constant 3 : i32
    %dma_start3A_891 = arith.constant 128 : i32
    %dma_start3A_892 = arith.constant 0 : i32
    %dma_start3A_893 = tpu.memref_slice %arg13[%dma_start3A_891, %dma_start3A_892] : memref<256x128xf32, #tpu.memory_space<vmem>> -> memref<128x128xf32, #tpu.memory_space<vmem>>
    %dma_start3A_894 = arith.constant 0 : i32
    %dma_start3A_895 = tpu.memref_slice %arg10[%dma_start3A_889, %dma_start3A_890, %dma_start3A_894] : memref<10x4x128xi32, #tpu.memory_space<vmem>> -> memref<1x1x128xi32, #tpu.memory_space<vmem>>
    %dma_start3A_896 = tpu.memref_squeeze %dma_start3A_895 : memref<1x1x128xi32, #tpu.memory_space<vmem>> -> memref<128xi32, #tpu.memory_space<vmem>>
    %dma_start3A_897 = arith.constant 0 : i32
    %dma_start3A_898 = arith.constant 0 : i32
    %dma_start3A_899 = tpu.memref_slice %arg3[%dma_start3A_897, %dma_start3A_898] : memref<1000000x128xf32, #tpu.memory_space<hbm>> -> memref<1000000x128xf32, #tpu.memory_space<hbm>>
    tpu.enqueue_indirect_dma source(%dma_start3A_899 : memref<1000000x128xf32, #tpu.memory_space<hbm>>) target(%dma_start3A_893 : memref<128x128xf32, #tpu.memory_space<vmem>>) offsets(%dma_start3A_896 : memref<128xi32, #tpu.memory_space<vmem>>) semaphore(%arg16 : memref<!tpu.dma_semaphore, #tpu.memory_space<semaphore_mem>>) {add = true}
    %dma_wait3A_900 = arith.constant 7 : i32
    %dma_wait3A_901 = arith.constant 2 : i32
    %dma_wait3A_902 = arith.constant 0 : i32
    %dma_wait3A_903 = arith.constant 0 : i32
    %dma_wait3A_904 = tpu.memref_slice %arg13[%dma_wait3A_902, %dma_wait3A_903] : memref<256x128xf32, #tpu.memory_space<vmem>> -> memref<128x128xf32, #tpu.memory_space<vmem>>
    %dma_wait3A_905 = arith.constant 0 : i32
    %dma_wait3A_906 = tpu.memref_slice %arg10[%dma_wait3A_900, %dma_wait3A_901, %dma_wait3A_905] : memref<10x4x128xi32, #tpu.memory_space<vmem>> -> memref<1x1x128xi32, #tpu.memory_space<vmem>>
    %dma_wait3A_907 = tpu.memref_squeeze %dma_wait3A_906 : memref<1x1x128xi32, #tpu.memory_space<vmem>> -> memref<128xi32, #tpu.memory_space<vmem>>
    %dma_wait3A_908 = arith.constant 0 : i32
    %dma_wait3A_909 = arith.constant 0 : i32
    %dma_wait3A_910 = tpu.memref_slice %arg3[%dma_wait3A_908, %dma_wait3A_909] : memref<1000000x128xf32, #tpu.memory_space<hbm>> -> memref<1000000x128xf32, #tpu.memory_space<hbm>>
    tpu.wait_indirect_dma semaphore(%arg16 : memref<!tpu.dma_semaphore, #tpu.memory_space<semaphore_mem>>) src(%dma_wait3A_910 : memref<1000000x128xf32, #tpu.memory_space<hbm>>) dst(%dma_wait3A_904 : memref<128x128xf32, #tpu.memory_space<vmem>>)
    %dma_wait3A_911 = arith.constant 7 : i32
    %dma_wait3A_912 = arith.constant 3 : i32
    %dma_wait3A_913 = arith.constant 128 : i32
    %dma_wait3A_914 = arith.constant 0 : i32
    %dma_wait3A_915 = tpu.memref_slice %arg13[%dma_wait3A_913, %dma_wait3A_914] : memref<256x128xf32, #tpu.memory_space<vmem>> -> memref<128x128xf32, #tpu.memory_space<vmem>>
    %dma_wait3A_916 = arith.constant 0 : i32
    %dma_wait3A_917 = tpu.memref_slice %arg10[%dma_wait3A_911, %dma_wait3A_912, %dma_wait3A_916] : memref<10x4x128xi32, #tpu.memory_space<vmem>> -> memref<1x1x128xi32, #tpu.memory_space<vmem>>
    %dma_wait3A_918 = tpu.memref_squeeze %dma_wait3A_917 : memref<1x1x128xi32, #tpu.memory_space<vmem>> -> memref<128xi32, #tpu.memory_space<vmem>>
    %dma_wait3A_919 = arith.constant 0 : i32
    %dma_wait3A_920 = arith.constant 0 : i32
    %dma_wait3A_921 = tpu.memref_slice %arg3[%dma_wait3A_919, %dma_wait3A_920] : memref<1000000x128xf32, #tpu.memory_space<hbm>> -> memref<1000000x128xf32, #tpu.memory_space<hbm>>
    tpu.wait_indirect_dma semaphore(%arg16 : memref<!tpu.dma_semaphore, #tpu.memory_space<semaphore_mem>>) src(%dma_wait3A_921 : memref<1000000x128xf32, #tpu.memory_space<hbm>>) dst(%dma_wait3A_915 : memref<128x128xf32, #tpu.memory_space<vmem>>)
    %dma_start3A_922 = arith.constant 8 : i32
    %dma_start3A_923 = arith.constant 2 : i32
    %dma_start3A_924 = arith.constant 0 : i32
    %dma_start3A_925 = arith.constant 0 : i32
    %dma_start3A_926 = tpu.memref_slice %arg13[%dma_start3A_924, %dma_start3A_925] : memref<256x128xf32, #tpu.memory_space<vmem>> -> memref<128x128xf32, #tpu.memory_space<vmem>>
    %dma_start3A_927 = arith.constant 0 : i32
    %dma_start3A_928 = tpu.memref_slice %arg10[%dma_start3A_922, %dma_start3A_923, %dma_start3A_927] : memref<10x4x128xi32, #tpu.memory_space<vmem>> -> memref<1x1x128xi32, #tpu.memory_space<vmem>>
    %dma_start3A_929 = tpu.memref_squeeze %dma_start3A_928 : memref<1x1x128xi32, #tpu.memory_space<vmem>> -> memref<128xi32, #tpu.memory_space<vmem>>
    %dma_start3A_930 = arith.constant 0 : i32
    %dma_start3A_931 = arith.constant 0 : i32
    %dma_start3A_932 = tpu.memref_slice %arg3[%dma_start3A_930, %dma_start3A_931] : memref<1000000x128xf32, #tpu.memory_space<hbm>> -> memref<1000000x128xf32, #tpu.memory_space<hbm>>
    tpu.enqueue_indirect_dma source(%dma_start3A_932 : memref<1000000x128xf32, #tpu.memory_space<hbm>>) target(%dma_start3A_926 : memref<128x128xf32, #tpu.memory_space<vmem>>) offsets(%dma_start3A_929 : memref<128xi32, #tpu.memory_space<vmem>>) semaphore(%arg16 : memref<!tpu.dma_semaphore, #tpu.memory_space<semaphore_mem>>) {add = true}
    %dma_start3A_933 = arith.constant 8 : i32
    %dma_start3A_934 = arith.constant 3 : i32
    %dma_start3A_935 = arith.constant 128 : i32
    %dma_start3A_936 = arith.constant 0 : i32
    %dma_start3A_937 = tpu.memref_slice %arg13[%dma_start3A_935, %dma_start3A_936] : memref<256x128xf32, #tpu.memory_space<vmem>> -> memref<128x128xf32, #tpu.memory_space<vmem>>
    %dma_start3A_938 = arith.constant 0 : i32
    %dma_start3A_939 = tpu.memref_slice %arg10[%dma_start3A_933, %dma_start3A_934, %dma_start3A_938] : memref<10x4x128xi32, #tpu.memory_space<vmem>> -> memref<1x1x128xi32, #tpu.memory_space<vmem>>
    %dma_start3A_940 = tpu.memref_squeeze %dma_start3A_939 : memref<1x1x128xi32, #tpu.memory_space<vmem>> -> memref<128xi32, #tpu.memory_space<vmem>>
    %dma_start3A_941 = arith.constant 0 : i32
    %dma_start3A_942 = arith.constant 0 : i32
    %dma_start3A_943 = tpu.memref_slice %arg3[%dma_start3A_941, %dma_start3A_942] : memref<1000000x128xf32, #tpu.memory_space<hbm>> -> memref<1000000x128xf32, #tpu.memory_space<hbm>>
    tpu.enqueue_indirect_dma source(%dma_start3A_943 : memref<1000000x128xf32, #tpu.memory_space<hbm>>) target(%dma_start3A_937 : memref<128x128xf32, #tpu.memory_space<vmem>>) offsets(%dma_start3A_940 : memref<128xi32, #tpu.memory_space<vmem>>) semaphore(%arg16 : memref<!tpu.dma_semaphore, #tpu.memory_space<semaphore_mem>>) {add = true}
    %dma_wait3A_944 = arith.constant 8 : i32
    %dma_wait3A_945 = arith.constant 2 : i32
    %dma_wait3A_946 = arith.constant 0 : i32
    %dma_wait3A_947 = arith.constant 0 : i32
    %dma_wait3A_948 = tpu.memref_slice %arg13[%dma_wait3A_946, %dma_wait3A_947] : memref<256x128xf32, #tpu.memory_space<vmem>> -> memref<128x128xf32, #tpu.memory_space<vmem>>
    %dma_wait3A_949 = arith.constant 0 : i32
    %dma_wait3A_950 = tpu.memref_slice %arg10[%dma_wait3A_944, %dma_wait3A_945, %dma_wait3A_949] : memref<10x4x128xi32, #tpu.memory_space<vmem>> -> memref<1x1x128xi32, #tpu.memory_space<vmem>>
    %dma_wait3A_951 = tpu.memref_squeeze %dma_wait3A_950 : memref<1x1x128xi32, #tpu.memory_space<vmem>> -> memref<128xi32, #tpu.memory_space<vmem>>
    %dma_wait3A_952 = arith.constant 0 : i32
    %dma_wait3A_953 = arith.constant 0 : i32
    %dma_wait3A_954 = tpu.memref_slice %arg3[%dma_wait3A_952, %dma_wait3A_953] : memref<1000000x128xf32, #tpu.memory_space<hbm>> -> memref<1000000x128xf32, #tpu.memory_space<hbm>>
    tpu.wait_indirect_dma semaphore(%arg16 : memref<!tpu.dma_semaphore, #tpu.memory_space<semaphore_mem>>) src(%dma_wait3A_954 : memref<1000000x128xf32, #tpu.memory_space<hbm>>) dst(%dma_wait3A_948 : memref<128x128xf32, #tpu.memory_space<vmem>>)
    %dma_wait3A_955 = arith.constant 8 : i32
    %dma_wait3A_956 = arith.constant 3 : i32
    %dma_wait3A_957 = arith.constant 128 : i32
    %dma_wait3A_958 = arith.constant 0 : i32
    %dma_wait3A_959 = tpu.memref_slice %arg13[%dma_wait3A_957, %dma_wait3A_958] : memref<256x128xf32, #tpu.memory_space<vmem>> -> memref<128x128xf32, #tpu.memory_space<vmem>>
    %dma_wait3A_960 = arith.constant 0 : i32
    %dma_wait3A_961 = tpu.memref_slice %arg10[%dma_wait3A_955, %dma_wait3A_956, %dma_wait3A_960] : memref<10x4x128xi32, #tpu.memory_space<vmem>> -> memref<1x1x128xi32, #tpu.memory_space<vmem>>
    %dma_wait3A_962 = tpu.memref_squeeze %dma_wait3A_961 : memref<1x1x128xi32, #tpu.memory_space<vmem>> -> memref<128xi32, #tpu.memory_space<vmem>>
    %dma_wait3A_963 = arith.constant 0 : i32
    %dma_wait3A_964 = arith.constant 0 : i32
    %dma_wait3A_965 = tpu.memref_slice %arg3[%dma_wait3A_963, %dma_wait3A_964] : memref<1000000x128xf32, #tpu.memory_space<hbm>> -> memref<1000000x128xf32, #tpu.memory_space<hbm>>
    tpu.wait_indirect_dma semaphore(%arg16 : memref<!tpu.dma_semaphore, #tpu.memory_space<semaphore_mem>>) src(%dma_wait3A_965 : memref<1000000x128xf32, #tpu.memory_space<hbm>>) dst(%dma_wait3A_959 : memref<128x128xf32, #tpu.memory_space<vmem>>)
    %dma_start3A_966 = arith.constant 9 : i32
    %dma_start3A_967 = arith.constant 2 : i32
    %dma_start3A_968 = arith.constant 0 : i32
    %dma_start3A_969 = arith.constant 0 : i32
    %dma_start3A_970 = tpu.memref_slice %arg13[%dma_start3A_968, %dma_start3A_969] : memref<256x128xf32, #tpu.memory_space<vmem>> -> memref<128x128xf32, #tpu.memory_space<vmem>>
    %dma_start3A_971 = arith.constant 0 : i32
    %dma_start3A_972 = tpu.memref_slice %arg10[%dma_start3A_966, %dma_start3A_967, %dma_start3A_971] : memref<10x4x128xi32, #tpu.memory_space<vmem>> -> memref<1x1x128xi32, #tpu.memory_space<vmem>>
    %dma_start3A_973 = tpu.memref_squeeze %dma_start3A_972 : memref<1x1x128xi32, #tpu.memory_space<vmem>> -> memref<128xi32, #tpu.memory_space<vmem>>
    %dma_start3A_974 = arith.constant 0 : i32
    %dma_start3A_975 = arith.constant 0 : i32
    %dma_start3A_976 = tpu.memref_slice %arg3[%dma_start3A_974, %dma_start3A_975] : memref<1000000x128xf32, #tpu.memory_space<hbm>> -> memref<1000000x128xf32, #tpu.memory_space<hbm>>
    tpu.enqueue_indirect_dma source(%dma_start3A_976 : memref<1000000x128xf32, #tpu.memory_space<hbm>>) target(%dma_start3A_970 : memref<128x128xf32, #tpu.memory_space<vmem>>) offsets(%dma_start3A_973 : memref<128xi32, #tpu.memory_space<vmem>>) semaphore(%arg16 : memref<!tpu.dma_semaphore, #tpu.memory_space<semaphore_mem>>) {add = true}
    %dma_start3A_977 = arith.constant 9 : i32
    %dma_start3A_978 = arith.constant 3 : i32
    %dma_start3A_979 = arith.constant 128 : i32
    %dma_start3A_980 = arith.constant 0 : i32
    %dma_start3A_981 = tpu.memref_slice %arg13[%dma_start3A_979, %dma_start3A_980] : memref<256x128xf32, #tpu.memory_space<vmem>> -> memref<128x128xf32, #tpu.memory_space<vmem>>
    %dma_start3A_982 = arith.constant 0 : i32
    %dma_start3A_983 = tpu.memref_slice %arg10[%dma_start3A_977, %dma_start3A_978, %dma_start3A_982] : memref<10x4x128xi32, #tpu.memory_space<vmem>> -> memref<1x1x128xi32, #tpu.memory_space<vmem>>
    %dma_start3A_984 = tpu.memref_squeeze %dma_start3A_983 : memref<1x1x128xi32, #tpu.memory_space<vmem>> -> memref<128xi32, #tpu.memory_space<vmem>>
    %dma_start3A_985 = arith.constant 0 : i32
    %dma_start3A_986 = arith.constant 0 : i32
    %dma_start3A_987 = tpu.memref_slice %arg3[%dma_start3A_985, %dma_start3A_986] : memref<1000000x128xf32, #tpu.memory_space<hbm>> -> memref<1000000x128xf32, #tpu.memory_space<hbm>>
    tpu.enqueue_indirect_dma source(%dma_start3A_987 : memref<1000000x128xf32, #tpu.memory_space<hbm>>) target(%dma_start3A_981 : memref<128x128xf32, #tpu.memory_space<vmem>>) offsets(%dma_start3A_984 : memref<128xi32, #tpu.memory_space<vmem>>) semaphore(%arg16 : memref<!tpu.dma_semaphore, #tpu.memory_space<semaphore_mem>>) {add = true}
    %dma_wait3A_988 = arith.constant 9 : i32
    %dma_wait3A_989 = arith.constant 2 : i32
    %dma_wait3A_990 = arith.constant 0 : i32
    %dma_wait3A_991 = arith.constant 0 : i32
    %dma_wait3A_992 = tpu.memref_slice %arg13[%dma_wait3A_990, %dma_wait3A_991] : memref<256x128xf32, #tpu.memory_space<vmem>> -> memref<128x128xf32, #tpu.memory_space<vmem>>
    %dma_wait3A_993 = arith.constant 0 : i32
    %dma_wait3A_994 = tpu.memref_slice %arg10[%dma_wait3A_988, %dma_wait3A_989, %dma_wait3A_993] : memref<10x4x128xi32, #tpu.memory_space<vmem>> -> memref<1x1x128xi32, #tpu.memory_space<vmem>>
    %dma_wait3A_995 = tpu.memref_squeeze %dma_wait3A_994 : memref<1x1x128xi32, #tpu.memory_space<vmem>> -> memref<128xi32, #tpu.memory_space<vmem>>
    %dma_wait3A_996 = arith.constant 0 : i32
    %dma_wait3A_997 = arith.constant 0 : i32
    %dma_wait3A_998 = tpu.memref_slice %arg3[%dma_wait3A_996, %dma_wait3A_997] : memref<1000000x128xf32, #tpu.memory_space<hbm>> -> memref<1000000x128xf32, #tpu.memory_space<hbm>>
    tpu.wait_indirect_dma semaphore(%arg16 : memref<!tpu.dma_semaphore, #tpu.memory_space<semaphore_mem>>) src(%dma_wait3A_998 : memref<1000000x128xf32, #tpu.memory_space<hbm>>) dst(%dma_wait3A_992 : memref<128x128xf32, #tpu.memory_space<vmem>>)
    %dma_wait3A_999 = arith.constant 9 : i32
    %dma_wait3A_1000 = arith.constant 3 : i32
    %dma_wait3A_1001 = arith.constant 128 : i32
    %dma_wait3A_1002 = arith.constant 0 : i32
    %dma_wait3A_1003 = tpu.memref_slice %arg13[%dma_wait3A_1001, %dma_wait3A_1002] : memref<256x128xf32, #tpu.memory_space<vmem>> -> memref<128x128xf32, #tpu.memory_space<vmem>>
    %dma_wait3A_1004 = arith.constant 0 : i32
    %dma_wait3A_1005 = tpu.memref_slice %arg10[%dma_wait3A_999, %dma_wait3A_1000, %dma_wait3A_1004] : memref<10x4x128xi32, #tpu.memory_space<vmem>> -> memref<1x1x128xi32, #tpu.memory_space<vmem>>
    %dma_wait3A_1006 = tpu.memref_squeeze %dma_wait3A_1005 : memref<1x1x128xi32, #tpu.memory_space<vmem>> -> memref<128xi32, #tpu.memory_space<vmem>>
    %dma_wait3A_1007 = arith.constant 0 : i32
    %dma_wait3A_1008 = arith.constant 0 : i32
    %dma_wait3A_1009 = tpu.memref_slice %arg3[%dma_wait3A_1007, %dma_wait3A_1008] : memref<1000000x128xf32, #tpu.memory_space<hbm>> -> memref<1000000x128xf32, #tpu.memory_space<hbm>>
    tpu.wait_indirect_dma semaphore(%arg16 : memref<!tpu.dma_semaphore, #tpu.memory_space<semaphore_mem>>) src(%dma_wait3A_1009 : memref<1000000x128xf32, #tpu.memory_space<hbm>>) dst(%dma_wait3A_1003 : memref<128x128xf32, #tpu.memory_space<vmem>>)
    %dma_wait3A_1010 = arith.constant 2 : i32
    %dma_wait3A_1011 = arith.constant 0 : i32
    %dma_wait3A_1012 = arith.constant 0 : i32
    %dma_wait3A_1013 = tpu.memref_slice %arg11[%dma_wait3A_1011, %dma_wait3A_1012] : memref<256x128xf32, #tpu.memory_space<vmem>> -> memref<128x128xf32, #tpu.memory_space<vmem>>
    %dma_wait3A_1014 = arith.constant 0 : i32
    %dma_wait3A_1015 = tpu.memref_slice %arg8[%dma_wait3A_1010, %dma_wait3A_1014] : memref<4x128xi32, #tpu.memory_space<vmem>> -> memref<1x128xi32, #tpu.memory_space<vmem>>
    %dma_wait3A_1016 = tpu.memref_squeeze %dma_wait3A_1015 : memref<1x128xi32, #tpu.memory_space<vmem>> -> memref<128xi32, #tpu.memory_space<vmem>>
    %dma_wait3A_1017 = arith.constant 0 : i32
    %dma_wait3A_1018 = arith.constant 0 : i32
    %dma_wait3A_1019 = tpu.memref_slice %arg2[%dma_wait3A_1017, %dma_wait3A_1018] : memref<1000000x128xf32, #tpu.memory_space<hbm>> -> memref<1000000x128xf32, #tpu.memory_space<hbm>>
    tpu.wait_indirect_dma semaphore(%arg14 : memref<!tpu.dma_semaphore, #tpu.memory_space<semaphore_mem>>) src(%dma_wait3A_1019 : memref<1000000x128xf32, #tpu.memory_space<hbm>>) dst(%dma_wait3A_1013 : memref<128x128xf32, #tpu.memory_space<vmem>>)
    %dma_wait3A_1020 = arith.constant 2 : i32
    %dma_wait3A_1021 = arith.constant 0 : i32
    %dma_wait3A_1022 = arith.constant 0 : i32
    %dma_wait3A_1023 = tpu.memref_slice %arg12[%dma_wait3A_1021, %dma_wait3A_1022] : memref<256x128xf32, #tpu.memory_space<vmem>> -> memref<128x128xf32, #tpu.memory_space<vmem>>
    %dma_wait3A_1024 = arith.constant 0 : i32
    %dma_wait3A_1025 = tpu.memref_slice %arg9[%dma_wait3A_1020, %dma_wait3A_1024] : memref<4x128xi32, #tpu.memory_space<vmem>> -> memref<1x128xi32, #tpu.memory_space<vmem>>
    %dma_wait3A_1026 = tpu.memref_squeeze %dma_wait3A_1025 : memref<1x128xi32, #tpu.memory_space<vmem>> -> memref<128xi32, #tpu.memory_space<vmem>>
    %dma_wait3A_1027 = arith.constant 0 : i32
    %dma_wait3A_1028 = arith.constant 0 : i32
    %dma_wait3A_1029 = tpu.memref_slice %arg3[%dma_wait3A_1027, %dma_wait3A_1028] : memref<1000000x128xf32, #tpu.memory_space<hbm>> -> memref<1000000x128xf32, #tpu.memory_space<hbm>>
    tpu.wait_indirect_dma semaphore(%arg15 : memref<!tpu.dma_semaphore, #tpu.memory_space<semaphore_mem>>) src(%dma_wait3A_1029 : memref<1000000x128xf32, #tpu.memory_space<hbm>>) dst(%dma_wait3A_1023 : memref<128x128xf32, #tpu.memory_space<vmem>>)
    %dma_wait3A_1030 = arith.constant 3 : i32
    %dma_wait3A_1031 = arith.constant 128 : i32
    %dma_wait3A_1032 = arith.constant 0 : i32
    %dma_wait3A_1033 = tpu.memref_slice %arg11[%dma_wait3A_1031, %dma_wait3A_1032] : memref<256x128xf32, #tpu.memory_space<vmem>> -> memref<128x128xf32, #tpu.memory_space<vmem>>
    %dma_wait3A_1034 = arith.constant 0 : i32
    %dma_wait3A_1035 = tpu.memref_slice %arg8[%dma_wait3A_1030, %dma_wait3A_1034] : memref<4x128xi32, #tpu.memory_space<vmem>> -> memref<1x128xi32, #tpu.memory_space<vmem>>
    %dma_wait3A_1036 = tpu.memref_squeeze %dma_wait3A_1035 : memref<1x128xi32, #tpu.memory_space<vmem>> -> memref<128xi32, #tpu.memory_space<vmem>>
    %dma_wait3A_1037 = arith.constant 0 : i32
    %dma_wait3A_1038 = arith.constant 0 : i32
    %dma_wait3A_1039 = tpu.memref_slice %arg2[%dma_wait3A_1037, %dma_wait3A_1038] : memref<1000000x128xf32, #tpu.memory_space<hbm>> -> memref<1000000x128xf32, #tpu.memory_space<hbm>>
    tpu.wait_indirect_dma semaphore(%arg14 : memref<!tpu.dma_semaphore, #tpu.memory_space<semaphore_mem>>) src(%dma_wait3A_1039 : memref<1000000x128xf32, #tpu.memory_space<hbm>>) dst(%dma_wait3A_1033 : memref<128x128xf32, #tpu.memory_space<vmem>>)
    %dma_wait3A_1040 = arith.constant 3 : i32
    %dma_wait3A_1041 = arith.constant 128 : i32
    %dma_wait3A_1042 = arith.constant 0 : i32
    %dma_wait3A_1043 = tpu.memref_slice %arg12[%dma_wait3A_1041, %dma_wait3A_1042] : memref<256x128xf32, #tpu.memory_space<vmem>> -> memref<128x128xf32, #tpu.memory_space<vmem>>
    %dma_wait3A_1044 = arith.constant 0 : i32
    %dma_wait3A_1045 = tpu.memref_slice %arg9[%dma_wait3A_1040, %dma_wait3A_1044] : memref<4x128xi32, #tpu.memory_space<vmem>> -> memref<1x128xi32, #tpu.memory_space<vmem>>
    %dma_wait3A_1046 = tpu.memref_squeeze %dma_wait3A_1045 : memref<1x128xi32, #tpu.memory_space<vmem>> -> memref<128xi32, #tpu.memory_space<vmem>>
    %dma_wait3A_1047 = arith.constant 0 : i32
    %dma_wait3A_1048 = arith.constant 0 : i32
    %dma_wait3A_1049 = tpu.memref_slice %arg3[%dma_wait3A_1047, %dma_wait3A_1048] : memref<1000000x128xf32, #tpu.memory_space<hbm>> -> memref<1000000x128xf32, #tpu.memory_space<hbm>>
    tpu.wait_indirect_dma semaphore(%arg15 : memref<!tpu.dma_semaphore, #tpu.memory_space<semaphore_mem>>) src(%dma_wait3A_1049 : memref<1000000x128xf32, #tpu.memory_space<hbm>>) dst(%dma_wait3A_1043 : memref<128x128xf32, #tpu.memory_space<vmem>>)
    %scan3A_1050 = arith.constant 0 : i32
    %scan3A_1051 = arith.constant 0 : i32
    %scan3A_1052 = arith.constant 256 : i32
    %scan3A_1053 = arith.addi %scan3A_1051, %scan3A_1052 : i32
    %scan3A_1054 = arith.constant 2 : i32
    scf.for %scan3A_1060 = %scan3A_1051 to %scan3A_1053 step %scan3A_1054  : i32 {
      %get3A = arith.index_cast %scan3A_1060 : i32 to index
      %get3A_1061 = arith.constant 0 : index
      %get3A_1062 = tpu.vector_load %arg11[%get3A, %get3A_1061] {strides = array<i32>} : memref<256x128xf32, #tpu.memory_space<vmem>>, vector<1x16xf32>,
      %get3A_1063 = vector.shape_cast %get3A_1062 : vector<1x16xf32> to vector<16xf32>
      %get3A_1064 = arith.index_cast %scan3A_1060 : i32 to index
      %get3A_1065 = arith.constant 0 : index
      %get3A_1066 = tpu.vector_load %arg12[%get3A_1064, %get3A_1065] {strides = array<i32>} : memref<256x128xf32, #tpu.memory_space<vmem>>, vector<1x16xf32>,
      %get3A_1067 = vector.shape_cast %get3A_1066 : vector<1x16xf32> to vector<16xf32>
      %get3A_1068 = arith.index_cast %scan3A_1060 : i32 to index
      %get3A_1069 = arith.constant 0 : index
      %get3A_1070 = tpu.vector_load %arg13[%get3A_1068, %get3A_1069] {strides = array<i32>} : memref<256x128xf32, #tpu.memory_space<vmem>>, vector<1x16xf32>,
      %get3A_1071 = vector.shape_cast %get3A_1070 : vector<1x16xf32> to vector<16xf32>
      %mul3A_1072 = arith.mulf %get3A_1063, %get3A_1067 : vector<16xf32>
      %mul3A_1073 = arith.mulf %get3A_1063, %get3A_1071 : vector<16xf32>
      %get3A_1074 = arith.index_cast %scan3A_1060 : i32 to index
      %get3A_1075 = arith.constant 16 : index
      %get3A_1076 = tpu.vector_load %arg11[%get3A_1074, %get3A_1075] {strides = array<i32>} : memref<256x128xf32, #tpu.memory_space<vmem>>, vector<1x16xf32>,
      %get3A_1077 = vector.shape_cast %get3A_1076 : vector<1x16xf32> to vector<16xf32>
      %get3A_1078 = arith.index_cast %scan3A_1060 : i32 to index
      %get3A_1079 = arith.constant 16 : index
      %get3A_1080 = tpu.vector_load %arg12[%get3A_1078, %get3A_1079] {strides = array<i32>} : memref<256x128xf32, #tpu.memory_space<vmem>>, vector<1x16xf32>,
      %get3A_1081 = vector.shape_cast %get3A_1080 : vector<1x16xf32> to vector<16xf32>
      %get3A_1082 = arith.index_cast %scan3A_1060 : i32 to index
      %get3A_1083 = arith.constant 16 : index
      %get3A_1084 = tpu.vector_load %arg13[%get3A_1082, %get3A_1083] {strides = array<i32>} : memref<256x128xf32, #tpu.memory_space<vmem>>, vector<1x16xf32>,
      %get3A_1085 = vector.shape_cast %get3A_1084 : vector<1x16xf32> to vector<16xf32>
      %mul3A_1086 = arith.mulf %get3A_1077, %get3A_1081 : vector<16xf32>
      %mul3A_1087 = arith.mulf %get3A_1077, %get3A_1085 : vector<16xf32>
      %add3A_1088 = arith.addf %mul3A_1072, %mul3A_1086 : vector<16xf32>
      %add3A_1089 = arith.addf %mul3A_1073, %mul3A_1087 : vector<16xf32>
      %get3A_1090 = arith.index_cast %scan3A_1060 : i32 to index
      %get3A_1091 = arith.constant 32 : index
      %get3A_1092 = tpu.vector_load %arg11[%get3A_1090, %get3A_1091] {strides = array<i32>} : memref<256x128xf32, #tpu.memory_space<vmem>>, vector<1x16xf32>,
      %get3A_1093 = vector.shape_cast %get3A_1092 : vector<1x16xf32> to vector<16xf32>
      %get3A_1094 = arith.index_cast %scan3A_1060 : i32 to index
      %get3A_1095 = arith.constant 32 : index
      %get3A_1096 = tpu.vector_load %arg12[%get3A_1094, %get3A_1095] {strides = array<i32>} : memref<256x128xf32, #tpu.memory_space<vmem>>, vector<1x16xf32>,
      %get3A_1097 = vector.shape_cast %get3A_1096 : vector<1x16xf32> to vector<16xf32>
      %get3A_1098 = arith.index_cast %scan3A_1060 : i32 to index
      %get3A_1099 = arith.constant 32 : index
      %get3A_1100 = tpu.vector_load %arg13[%get3A_1098, %get3A_1099] {strides = array<i32>} : memref<256x128xf32, #tpu.memory_space<vmem>>, vector<1x16xf32>,
      %get3A_1101 = vector.shape_cast %get3A_1100 : vector<1x16xf32> to vector<16xf32>
      %mul3A_1102 = arith.mulf %get3A_1093, %get3A_1097 : vector<16xf32>
      %mul3A_1103 = arith.mulf %get3A_1093, %get3A_1101 : vector<16xf32>
      %add3A_1104 = arith.addf %add3A_1088, %mul3A_1102 : vector<16xf32>
      %add3A_1105 = arith.addf %add3A_1089, %mul3A_1103 : vector<16xf32>
      %get3A_1106 = arith.index_cast %scan3A_1060 : i32 to index
      %get3A_1107 = arith.constant 48 : index
      %get3A_1108 = tpu.vector_load %arg11[%get3A_1106, %get3A_1107] {strides = array<i32>} : memref<256x128xf32, #tpu.memory_space<vmem>>, vector<1x16xf32>,
      %get3A_1109 = vector.shape_cast %get3A_1108 : vector<1x16xf32> to vector<16xf32>
      %get3A_1110 = arith.index_cast %scan3A_1060 : i32 to index
      %get3A_1111 = arith.constant 48 : index
      %get3A_1112 = tpu.vector_load %arg12[%get3A_1110, %get3A_1111] {strides = array<i32>} : memref<256x128xf32, #tpu.memory_space<vmem>>, vector<1x16xf32>,
      %get3A_1113 = vector.shape_cast %get3A_1112 : vector<1x16xf32> to vector<16xf32>
      %get3A_1114 = arith.index_cast %scan3A_1060 : i32 to index
      %get3A_1115 = arith.constant 48 : index
      %get3A_1116 = tpu.vector_load %arg13[%get3A_1114, %get3A_1115] {strides = array<i32>} : memref<256x128xf32, #tpu.memory_space<vmem>>, vector<1x16xf32>,
      %get3A_1117 = vector.shape_cast %get3A_1116 : vector<1x16xf32> to vector<16xf32>
      %mul3A_1118 = arith.mulf %get3A_1109, %get3A_1113 : vector<16xf32>
      %mul3A_1119 = arith.mulf %get3A_1109, %get3A_1117 : vector<16xf32>
      %add3A_1120 = arith.addf %add3A_1104, %mul3A_1118 : vector<16xf32>
      %add3A_1121 = arith.addf %add3A_1105, %mul3A_1119 : vector<16xf32>
      %swap3A = arith.index_cast %scan3A_1060 : i32 to index
      %swap3A_1122 = arith.constant 0 : index
      %swap3A_1123 = tpu.vector_load %arg11[%swap3A, %swap3A_1122] {strides = array<i32>} : memref<256x128xf32, #tpu.memory_space<vmem>>, vector<1x16xf32>,
      %swap3A_1124 = vector.shape_cast %swap3A_1123 : vector<1x16xf32> to vector<16xf32>
      %swap3A_1125 = vector.shape_cast %add3A_1120 : vector<16xf32> to vector<1x16xf32>
      tpu.vector_store %arg11[%swap3A, %swap3A_1122], %swap3A_1125 {strides = array<i32>} : memref<256x128xf32, #tpu.memory_space<vmem>>, vector<1x16xf32>,
      %swap3A_1126 = arith.index_cast %scan3A_1060 : i32 to index
      %swap3A_1127 = arith.constant 16 : index
      %swap3A_1128 = tpu.vector_load %arg11[%swap3A_1126, %swap3A_1127] {strides = array<i32>} : memref<256x128xf32, #tpu.memory_space<vmem>>, vector<1x16xf32>,
      %swap3A_1129 = vector.shape_cast %swap3A_1128 : vector<1x16xf32> to vector<16xf32>
      %swap3A_1130 = vector.shape_cast %add3A_1121 : vector<16xf32> to vector<1x16xf32>
      tpu.vector_store %arg11[%swap3A_1126, %swap3A_1127], %swap3A_1130 {strides = array<i32>} : memref<256x128xf32, #tpu.memory_space<vmem>>, vector<1x16xf32>,
      %scan3A_1131 = arith.constant 1 : i32
      %scan3A_1132 = arith.addi %scan3A_1060, %scan3A_1131 : i32
      %get3A_1133 = arith.index_cast %scan3A_1132 : i32 to index
      %get3A_1134 = arith.constant 0 : index
      %get3A_1135 = tpu.vector_load %arg11[%get3A_1133, %get3A_1134] {strides = array<i32>} : memref<256x128xf32, #tpu.memory_space<vmem>>, vector<1x16xf32>,
      %get3A_1136 = vector.shape_cast %get3A_1135 : vector<1x16xf32> to vector<16xf32>
      %get3A_1137 = arith.index_cast %scan3A_1132 : i32 to index
      %get3A_1138 = arith.constant 0 : index
      %get3A_1139 = tpu.vector_load %arg12[%get3A_1137, %get3A_1138] {strides = array<i32>} : memref<256x128xf32, #tpu.memory_space<vmem>>, vector<1x16xf32>,
      %get3A_1140 = vector.shape_cast %get3A_1139 : vector<1x16xf32> to vector<16xf32>
      %get3A_1141 = arith.index_cast %scan3A_1132 : i32 to index
      %get3A_1142 = arith.constant 0 : index
      %get3A_1143 = tpu.vector_load %arg13[%get3A_1141, %get3A_1142] {strides = array<i32>} : memref<256x128xf32, #tpu.memory_space<vmem>>, vector<1x16xf32>,
      %get3A_1144 = vector.shape_cast %get3A_1143 : vector<1x16xf32> to vector<16xf32>
      %mul3A_1145 = arith.mulf %get3A_1136, %get3A_1140 : vector<16xf32>
      %mul3A_1146 = arith.mulf %get3A_1136, %get3A_1144 : vector<16xf32>
      %get3A_1147 = arith.index_cast %scan3A_1132 : i32 to index
      %get3A_1148 = arith.constant 16 : index
      %get3A_1149 = tpu.vector_load %arg11[%get3A_1147, %get3A_1148] {strides = array<i32>} : memref<256x128xf32, #tpu.memory_space<vmem>>, vector<1x16xf32>,
      %get3A_1150 = vector.shape_cast %get3A_1149 : vector<1x16xf32> to vector<16xf32>
      %get3A_1151 = arith.index_cast %scan3A_1132 : i32 to index
      %get3A_1152 = arith.constant 16 : index
      %get3A_1153 = tpu.vector_load %arg12[%get3A_1151, %get3A_1152] {strides = array<i32>} : memref<256x128xf32, #tpu.memory_space<vmem>>, vector<1x16xf32>,
      %get3A_1154 = vector.shape_cast %get3A_1153 : vector<1x16xf32> to vector<16xf32>
      %get3A_1155 = arith.index_cast %scan3A_1132 : i32 to index
      %get3A_1156 = arith.constant 16 : index
      %get3A_1157 = tpu.vector_load %arg13[%get3A_1155, %get3A_1156] {strides = array<i32>} : memref<256x128xf32, #tpu.memory_space<vmem>>, vector<1x16xf32>,
      %get3A_1158 = vector.shape_cast %get3A_1157 : vector<1x16xf32> to vector<16xf32>
      %mul3A_1159 = arith.mulf %get3A_1150, %get3A_1154 : vector<16xf32>
      %mul3A_1160 = arith.mulf %get3A_1150, %get3A_1158 : vector<16xf32>
      %add3A_1161 = arith.addf %mul3A_1145, %mul3A_1159 : vector<16xf32>
      %add3A_1162 = arith.addf %mul3A_1146, %mul3A_1160 : vector<16xf32>
      %get3A_1163 = arith.index_cast %scan3A_1132 : i32 to index
      %get3A_1164 = arith.constant 32 : index
      %get3A_1165 = tpu.vector_load %arg11[%get3A_1163, %get3A_1164] {strides = array<i32>} : memref<256x128xf32, #tpu.memory_space<vmem>>, vector<1x16xf32>,
      %get3A_1166 = vector.shape_cast %get3A_1165 : vector<1x16xf32> to vector<16xf32>
      %get3A_1167 = arith.index_cast %scan3A_1132 : i32 to index
      %get3A_1168 = arith.constant 32 : index
      %get3A_1169 = tpu.vector_load %arg12[%get3A_1167, %get3A_1168] {strides = array<i32>} : memref<256x128xf32, #tpu.memory_space<vmem>>, vector<1x16xf32>,
      %get3A_1170 = vector.shape_cast %get3A_1169 : vector<1x16xf32> to vector<16xf32>
      %get3A_1171 = arith.index_cast %scan3A_1132 : i32 to index
      %get3A_1172 = arith.constant 32 : index
      %get3A_1173 = tpu.vector_load %arg13[%get3A_1171, %get3A_1172] {strides = array<i32>} : memref<256x128xf32, #tpu.memory_space<vmem>>, vector<1x16xf32>,
      %get3A_1174 = vector.shape_cast %get3A_1173 : vector<1x16xf32> to vector<16xf32>
      %mul3A_1175 = arith.mulf %get3A_1166, %get3A_1170 : vector<16xf32>
      %mul3A_1176 = arith.mulf %get3A_1166, %get3A_1174 : vector<16xf32>
      %add3A_1177 = arith.addf %add3A_1161, %mul3A_1175 : vector<16xf32>
      %add3A_1178 = arith.addf %add3A_1162, %mul3A_1176 : vector<16xf32>
      %get3A_1179 = arith.index_cast %scan3A_1132 : i32 to index
      %get3A_1180 = arith.constant 48 : index
      %get3A_1181 = tpu.vector_load %arg11[%get3A_1179, %get3A_1180] {strides = array<i32>} : memref<256x128xf32, #tpu.memory_space<vmem>>, vector<1x16xf32>,
      %get3A_1182 = vector.shape_cast %get3A_1181 : vector<1x16xf32> to vector<16xf32>
      %get3A_1183 = arith.index_cast %scan3A_1132 : i32 to index
      %get3A_1184 = arith.constant 48 : index
      %get3A_1185 = tpu.vector_load %arg12[%get3A_1183, %get3A_1184] {strides = array<i32>} : memref<256x128xf32, #tpu.memory_space<vmem>>, vector<1x16xf32>,
      %get3A_1186 = vector.shape_cast %get3A_1185 : vector<1x16xf32> to vector<16xf32>
      %get3A_1187 = arith.index_cast %scan3A_1132 : i32 to index
      %get3A_1188 = arith.constant 48 : index
      %get3A_1189 = tpu.vector_load %arg13[%get3A_1187, %get3A_1188] {strides = array<i32>} : memref<256x128xf32, #tpu.memory_space<vmem>>, vector<1x16xf32>,
      %get3A_1190 = vector.shape_cast %get3A_1189 : vector<1x16xf32> to vector<16xf32>
      %mul3A_1191 = arith.mulf %get3A_1182, %get3A_1186 : vector<16xf32>
      %mul3A_1192 = arith.mulf %get3A_1182, %get3A_1190 : vector<16xf32>
      %add3A_1193 = arith.addf %add3A_1177, %mul3A_1191 : vector<16xf32>
      %add3A_1194 = arith.addf %add3A_1178, %mul3A_1192 : vector<16xf32>
      %swap3A_1195 = arith.index_cast %scan3A_1132 : i32 to index
      %swap3A_1196 = arith.constant 0 : index
      %swap3A_1197 = tpu.vector_load %arg11[%swap3A_1195, %swap3A_1196] {strides = array<i32>} : memref<256x128xf32, #tpu.memory_space<vmem>>, vector<1x16xf32>,
      %swap3A_1198 = vector.shape_cast %swap3A_1197 : vector<1x16xf32> to vector<16xf32>
      %swap3A_1199 = vector.shape_cast %add3A_1193 : vector<16xf32> to vector<1x16xf32>
      tpu.vector_store %arg11[%swap3A_1195, %swap3A_1196], %swap3A_1199 {strides = array<i32>} : memref<256x128xf32, #tpu.memory_space<vmem>>, vector<1x16xf32>,
      %swap3A_1200 = arith.index_cast %scan3A_1132 : i32 to index
      %swap3A_1201 = arith.constant 16 : index
      %swap3A_1202 = tpu.vector_load %arg11[%swap3A_1200, %swap3A_1201] {strides = array<i32>} : memref<256x128xf32, #tpu.memory_space<vmem>>, vector<1x16xf32>,
      %swap3A_1203 = vector.shape_cast %swap3A_1202 : vector<1x16xf32> to vector<16xf32>
      %swap3A_1204 = vector.shape_cast %add3A_1194 : vector<16xf32> to vector<1x16xf32>
      tpu.vector_store %arg11[%swap3A_1200, %swap3A_1201], %swap3A_1204 {strides = array<i32>} : memref<256x128xf32, #tpu.memory_space<vmem>>, vector<1x16xf32>,
    }
    %scan3A_1055 = arith.constant 256 : i32
    %mul3A_1056 = arith.constant 512 : i32
    %mul3A_1057 = arith.muli %add3A, %mul3A_1056 : i32
    %add3A_1058 = arith.constant 256 : i32
    %add3A_1059 = arith.addi %mul3A_1057, %add3A_1058 : i32
    "tpu.region"() ({
      %run_scoped3A = tpu.sem_alloc : memref<!tpu.dma_semaphore, #tpu.memory_space<semaphore_mem>>
      %dma_start3A_1060 = arith.constant 0 : i32
      %dma_start3A_1061 = tpu.memref_slice %arg7[%add3A_1059, %dma_start3A_1060] : memref<16384x128xf32, #tpu.memory_space<hbm>> -> memref<256x128xf32, #tpu.memory_space<hbm>>
      %dma_start3A_1062 = arith.constant 0 : i32
      %dma_start3A_1063 = tpu.memref_slice %arg7[%add3A_1059, %dma_start3A_1062] : memref<16384x128xf32, #tpu.memory_space<hbm>> -> memref<256x128xf32, #tpu.memory_space<hbm>>
      tpu.enqueue_dma source(%arg11 : memref<256x128xf32, #tpu.memory_space<vmem>>) target(%dma_start3A_1063 : memref<256x128xf32, #tpu.memory_space<hbm>>) target_semaphore(%run_scoped3A : memref<!tpu.dma_semaphore, #tpu.memory_space<semaphore_mem>>)
      %dma_wait3A_1064 = arith.constant 0 : i32
      %dma_wait3A_1065 = tpu.memref_slice %arg7[%add3A_1059, %dma_wait3A_1064] : memref<16384x128xf32, #tpu.memory_space<hbm>> -> memref<256x128xf32, #tpu.memory_space<hbm>>
      %dma_wait3A_1066 = arith.constant 0 : i32
      %dma_wait3A_1067 = tpu.memref_slice %arg7[%add3A_1059, %dma_wait3A_1066] : memref<16384x128xf32, #tpu.memory_space<hbm>> -> memref<256x128xf32, #tpu.memory_space<hbm>>
      tpu.wait_dma2 semaphore(%run_scoped3A : memref<!tpu.dma_semaphore, #tpu.memory_space<semaphore_mem>>) src(%arg11 : memref<256x128xf32, #tpu.memory_space<vmem>>) dst(%dma_wait3A_1067 : memref<256x128xf32, #tpu.memory_space<hbm>>)
      tpu.yield
    }) : () -> ()
    return
  }
}

module attributes {stable_mosaic.version = 14 : i64} {
  func.func @_tc_body(%arg0: memref<16384x128xf32, #tpu.memory_space<vmem>>, %arg1: memref<1x1xf32, #tpu.memory_space<smem>>) attributes {dimension_semantics = [], scalar_prefetch = 0 : i64, scratch_operands = 0 : i64, tpu.core_type = #tpu.core_type<tc>} {
    %get3A = arith.constant 0 : index
    %get3A_0 = arith.constant 0 : index
    %get3A_1 = vector.load %arg0[%get3A, %get3A_0] : memref<16384x128xf32, #tpu.memory_space<vmem>>, vector<16384x128xf32>
    %slice3A = vector.extract_strided_slice %get3A_1 {offsets = [0, 0], sizes = [16384, 16], strides = [1, 1]} : vector<16384x128xf32> to vector<16384x16xf32>
    %reduce_sum3A = arith.constant dense<0.000000e+00> : vector<16384xf32>
    %reduce_sum3A_2 = vector.multi_reduction <add>, %slice3A, %reduce_sum3A [1] : vector<16384x16xf32> to vector<16384xf32>
    %broadcast_in_dim3A = vector.shape_cast %reduce_sum3A_2 : vector<16384xf32> to vector<16384x1xf32>
    %slice3A_3 = vector.extract_strided_slice %get3A_1 {offsets = [0, 16], sizes = [16384, 16], strides = [1, 1]} : vector<16384x128xf32> to vector<16384x16xf32>
    %reduce_sum3A_4 = arith.constant dense<0.000000e+00> : vector<16384xf32>
    %reduce_sum3A_5 = vector.multi_reduction <add>, %slice3A_3, %reduce_sum3A_4 [1] : vector<16384x16xf32> to vector<16384xf32>
    %broadcast_in_dim3A_6 = vector.shape_cast %reduce_sum3A_5 : vector<16384xf32> to vector<16384x1xf32>
    %min3A = arith.constant 0.000000e+00 : f32
    %min3A_7 = vector.broadcast %min3A : f32 to vector<16384x1xf32>
    %min3A_8 = arith.minimumf %broadcast_in_dim3A, %min3A_7 : vector<16384x1xf32>
    %abs3A = math.absf %broadcast_in_dim3A : vector<16384x1xf32>
    %neg3A = arith.constant 0.000000e+00 : f32
    %neg3A_9 = vector.broadcast %neg3A : f32 to vector<16384x1xf32>
    %neg3A_10 = arith.subf %neg3A_9, %abs3A : vector<16384x1xf32>
    %exp3A = math.exp %neg3A_10 : vector<16384x1xf32>
    %log1p3A = math.log1p %exp3A : vector<16384x1xf32>
    %sub3A = arith.subf %min3A_8, %log1p3A : vector<16384x1xf32>
    %neg3A_11 = arith.constant 0.000000e+00 : f32
    %neg3A_12 = vector.broadcast %neg3A_11 : f32 to vector<16384x1xf32>
    %neg3A_13 = arith.subf %neg3A_12, %broadcast_in_dim3A_6 : vector<16384x1xf32>
    %min3A_14 = arith.constant 0.000000e+00 : f32
    %min3A_15 = vector.broadcast %min3A_14 : f32 to vector<16384x1xf32>
    %min3A_16 = arith.minimumf %neg3A_13, %min3A_15 : vector<16384x1xf32>
    %abs3A_17 = math.absf %neg3A_13 : vector<16384x1xf32>
    %neg3A_18 = arith.constant 0.000000e+00 : f32
    %neg3A_19 = vector.broadcast %neg3A_18 : f32 to vector<16384x1xf32>
    %neg3A_20 = arith.subf %neg3A_19, %abs3A_17 : vector<16384x1xf32>
    %exp3A_21 = math.exp %neg3A_20 : vector<16384x1xf32>
    %log1p3A_22 = math.log1p %exp3A_21 : vector<16384x1xf32>
    %sub3A_23 = arith.subf %min3A_16, %log1p3A_22 : vector<16384x1xf32>
    %add3A = arith.addf %sub3A, %sub3A_23 : vector<16384x1xf32>
    %reduce_sum3A_24 = vector.shape_cast %add3A : vector<16384x1xf32> to vector<1x16384x1xf32>
    %reduce_sum3A_25 = arith.constant dense<0.000000e+00> : vector<1xf32>
    %reduce_sum3A_26 = vector.multi_reduction <add>, %reduce_sum3A_24, %reduce_sum3A_25 [1, 2] : vector<1x16384x1xf32> to vector<1xf32>
    %reduce_sum3A_27 = vector.shape_cast %reduce_sum3A_26 : vector<1xf32> to vector<1x1x1xf32>
    %reduce_sum3A_28 = vector.extract %reduce_sum3A_27[0, 0, 0] : f32 from vector<1x1x1xf32>
    %neg3A_29 = arith.constant 0.000000e+00 : f32
    %neg3A_30 = arith.subf %neg3A_29, %reduce_sum3A_28 : f32
    %div3A = arith.constant 1.638400e+04 : f32
    %div3A_31 = arith.divf %neg3A_30, %div3A : f32
    %swap3A = arith.constant 0 : index
    %swap3A_32 = arith.constant 0 : index
    %swap3A_33 = memref.load %arg1[%swap3A, %swap3A_32] : memref<1x1xf32, #tpu.memory_space<smem>>
    memref.store %div3A_31, %arg1[%swap3A, %swap3A_32] : memref<1x1xf32, #tpu.memory_space<smem>>
    return
  }
}

</mosaic_0001>

<sc_bundles>
// kernel: kernel.4.cloned.1.call-start
scs
__scs_entry_jumppad:
0x0: {  	(pc) =	sbr.rel $0x88, $3  }
0x1: {  	(tag) =	ssettag $0x0;
	lr =	simm.s32 $0x1  }
0x2: {  	[smem:$0x3F9C] =	sst lr;
	_ =	strace $0xD0000000  }
0x3: {  	_ = 	snop  }
0x4: {  	_ = 	snop  }
0x5: {  	_ = 	snop  }
0x6: {  	_ = 	snop  }
0x7: {  	_ = 	snop  }
__scs_overlays_trampoline_lowered:
0x8: {  	[smem:$0x3FAB] =	sst s0  }
0x9: {  	[smem:$0x3FAC] =	sst s1  }
0xa: {  	[smem:$0x3FAD] =	sst s2  }
0xb: {  	[smem:$0x3FAE] =	sst s3  }
0xc: {  	[smem:$0x3FAF] =	sst s4  }
0xd: {  	[smem:$0x3FB0] =	sst s5  }
0xe: {  	[smem:$0x3FB1] =	sst s6  }
0xf: {  	[smem:$0x3FB2] =	sst s7  }
0x10: {  	[smem:$0x3FB3] =	sst s8  }
0x11: {  	[smem:$0x3FB4] =	sst s9;
	s0 =	simm.s32 @!p0 $0x0  }
0x12: {  	s1 =	sld [smem:$0x3F9A];
	s0 =	simm.s32 @p0 $0x1  }
0x13: {  	[smem:$0x3FB5] =	sst s0;
	s0 =	simm.s32 @!p1 $0x0  }
0x14: {  	s2 =	sld [smem:$0x3F99];
	s0 =	simm.s32 @p1 $0x1  }
0x15: {  	[smem:$0x3FB6] =	sst s0;
	s0 =	simm.s32 @!p2 $0x0  }
0x16: {  	s3 =	sld [smem:$0x3FDB];
	s0 =	simm.s32 @p2 $0x1  }
0x17: {  	s4 =	simm.s32 $0x1BF5;
	[smem:$0x3FB8] =	sst s0  }
0x18: {  	s0 =	sld [smem:$0x3F9B];
	_ =	swait.ge [sflag:s4], $0x0  }
0x19: {  	s7 =	sld [smem:$0x3F9C]  }
0x1a: {  	s8 =	sadd.s32 $0xFFFFE003, lr  }
0x1b: {  	s9 =	sadd.s32 $0xFFFFFEF7, lr;
	s5 =	simm.s32 $0xFFFFFFFF;
	p2 =	slt.u32 s8, $0xFFFFF086  }
0x1c: {  	p1 =	slt.u32 s9, $0xF7A;
	s5 =	simm.s32 @!p2 $0x0  }
0x1d: {  	s5 =	simm.s32 @p1 $0x1;
	p0 =	seq.s32 s7, s2  }
0x1e: {  	s7 =	smul.u32 @!p0 $0xF7A, s2;
	p2 =	seq.s32 @!p0 s5, $0x0  }
0x1f: {  	s9 =	smul.u32 $0xF7A, s1;
	s8 =	simm.s32 @!p0 $0x1BF5;
	p2 =	por !p2, p0  }
0x20: {  	[sflag:s8] =	ssyncset.s32 @!p0 $0xFFFFF086;
	s6 =	sadd.s32 @!p0 s3, s7;
	s7 =	simm.s32 @!p0 $0x108  }
0x21: {  	s3 =	sadd.s32 s3, s9;
	s6 =	sadd.s32 @!p0 $0x88, s6;
	s7 =	simm.s32 @p2 $0x1082  }
0x22: {  	[simem:s7], [sflag:s8] =	dma.local @!p0 [hbm:s6], $0xF7A  }
0x23: {  	s9 =	sor.u32 $0xD0000000, s2;
	s6 =	simm.s32 $0x108;
	_ =	swait.ge @!p0 [sflag:s8], $0x0  }
0x24: {  	s3 =	sadd.s32 $0x88, s3;
	s6 =	simm.s32 @!p1 $0x1082;
	[sflag:s4] =	ssyncset.s32 $0xFFFFF086  }
0x25: {  	[simem:s6], [sflag:s4] =	dma.local [hbm:s3], $0xF7A  }
0x26: {  	[smem:$0x3F9C] =	sst s1;
	(tag) =	ssettag s2;
	_ =	strace s9  }
0x27: {  	s1 =	sld [smem:$0x3FAC]  }
0x28: {  	s2 =	sld [smem:$0x3FAD]  }
0x29: {  	s4 =	sld [smem:$0x3FAF]  }
0x2a: {  	p0 =	seq.s32 s5, $0x0;
	s5 =	sld [smem:$0x3FB0]  }
0x2b: {  	s6 =	sld [smem:$0x3FB1]  }
0x2c: {  	s7 =	sld [smem:$0x3FB2]  }
0x2d: {  	s3 =	simm.s32 $0x108;
	s8 =	sld [smem:$0x3FB3]  }
0x2e: {  	s3 =	simm.s32 @!p0 $0x1082;
	s9 =	sld [smem:$0x3FB4]  }
0x2f: {  	lr =	sadd.s32 s0, s3;
	s0 =	sld [smem:$0x3FAB]  }
0x30: {  	s3 =	sld [smem:$0x3FAE]  }
0x31: {  	[smem:$0x3FB7] =	sst s10  }
0x32: {  	s10 =	sld [smem:$0x3FB5];
	_ =	sdelay $0x3  }
0x33: {  	p0 =	seq.s32 s10, $0x1;
	s10 =	sld [smem:$0x3FB7];
	_ =	sdelay $0x3  }
0x34: {  	[smem:$0x3FB7] =	sst s10  }
0x35: {  	s10 =	sld [smem:$0x3FB6];
	_ =	sdelay $0x3  }
0x36: {  	p1 =	seq.s32 s10, $0x1;
	s10 =	sld [smem:$0x3FB7];
	_ =	sdelay $0x3  }
0x37: {  	[smem:$0x3FB7] =	sst s10  }
0x38: {  	s10 =	sld [smem:$0x3FB8]  }
0x39: {  	_ = 	snop;
	(pc) =	sbr.ind lr, $3  }
0x3a: {  	_ = 	snop  }
0x3b: {  	_ = 	snop  }
0x3c: {  	p2 =	seq.s32 s10, $0x1;
	s10 =	sld [smem:$0x3FB7]  }
0x3d: {  	_ =	shalt  }
0x3e: {  	_ =	shalt  }
0x3f: {  	_ =	shalt  }
0x40: {  	_ =	shalt  }
0x41: {  	_ =	shalt  }
0x42: {  	_ =	shalt  }
0x43: {  	_ =	shalt  }
0x44: {  	_ =	shalt  }
0x45: {  	_ =	shalt  }
0x46: {  	_ =	shalt  }
0x47: {  	_ =	shalt  }
0x48: {  	_ =	shalt  }
0x49: {  	_ =	shalt  }
0x4a: {  	_ =	shalt  }
0x4b: {  	_ =	shalt  }
0x4c: {  	_ =	shalt  }
0x4d: {  	_ =	shalt  }
0x4e: {  	_ =	shalt  }
0x4f: {  	_ =	shalt  }
0x50: {  	_ =	shalt  }
0x51: {  	_ =	shalt  }
0x52: {  	_ =	shalt  }
0x53: {  	_ =	shalt  }
0x54: {  	_ =	shalt  }
0x55: {  	_ =	shalt  }
0x56: {  	_ =	shalt  }
0x57: {  	_ =	shalt  }
0x58: {  	_ =	shalt  }
0x59: {  	_ =	shalt  }
0x5a: {  	_ =	shalt  }
0x5b: {  	_ =	shalt  }
0x5c: {  	_ =	shalt  }
0x5d: {  	_ =	shalt  }
0x5e: {  	_ =	shalt  }
0x5f: {  	_ =	shalt  }
0x60: {  	_ =	shalt  }
0x61: {  	_ =	shalt  }
0x62: {  	_ =	shalt  }
0x63: {  	_ =	shalt  }
0x64: {  	_ =	shalt  }
0x65: {  	_ =	shalt  }
0x66: {  	_ =	shalt  }
0x67: {  	_ =	shalt  }
0x68: {  	_ =	shalt  }
0x69: {  	_ =	shalt  }
0x6a: {  	_ =	shalt  }
0x6b: {  	_ =	shalt  }
0x6c: {  	_ =	shalt  }
0x6d: {  	_ =	shalt  }
0x6e: {  	_ =	shalt  }
0x6f: {  	_ =	shalt  }
0x70: {  	_ =	shalt  }
0x71: {  	_ =	shalt  }
0x72: {  	_ =	shalt  }
0x73: {  	_ =	shalt  }
0x74: {  	_ =	shalt  }
0x75: {  	_ =	shalt  }
0x76: {  	_ =	shalt  }
0x77: {  	_ =	shalt  }
0x78: {  	_ =	shalt  }
0x79: {  	_ =	shalt  }
0x7a: {  	_ =	shalt  }
0x7b: {  	_ =	shalt  }
0x7c: {  	_ =	shalt  }
0x7d: {  	_ =	shalt  }
0x7e: {  	_ =	shalt  }
0x7f: {  	_ =	shalt  }
0x80: {  	_ =	shalt  }
0x81: {  	_ =	shalt  }
0x82: {  	_ =	shalt  }
0x83: {  	_ =	shalt  }
0x84: {  	_ =	shalt  }
0x85: {  	_ =	shalt  }
0x86: {  	_ =	shalt  }
0x87: {  	_ =	shalt  }
.Lfunc_end0:
.L_simem_size_0:
called_computation_lowered:
.L_overlay_start_0:
0x88: {  	s2 =	sld [smem:$0x3FD9]  }
0x89: {  	s3 =	sld [smem:$0x3FFE];
	_ =	sdelay $0x1  }
0x8a: {  	s1 =	srdreg.scid  }
0x8b: {  	s0 =	sand.u32 $0x1, s1  }
0x8c: {  	s17 =	sshll.u32 s0, $0xA;
	s2 =	sadd.s32 s3, s2  }
0x8d: {  	s2 =	sadd.s32 s2, s17  }
0x8e: {  	[smem:$0x3FC3] =	sst s2  }
0x8f: {  	_ = 	snop  }
0x90: {  	s2 =	sld [smem:$0x3FC9]  }
0x91: {  	s18 =	sld [smem:$0x3FC8];
	(tm) =	ssettm $0x1  }
0x92: {  	s4 =	sld [smem:$0x3FFB];
	_ =	sdelay $0x3  }
0x93: {  	_ =	strace s4  }
0x94: {  	s4 =	sld [smem:$0x3FFC];
	_ =	sdelay $0x3  }
0x95: {  	_ =	strace s4  }
0x96: {  	s4 =	sld [smem:$0x3FFD];
	_ =	sdelay $0x3  }
0x97: {  	_ =	strace s4  }
0x98: {  	_ =	strace $0x8FFFFFFF  }
0x99: {  	s19 =	sld [smem:$0x3FDB];
	_ =	sdelay $0x1  }
0x9a: {  	s5 =	simm.s32 $_scs_section_size  }
0x9b: {  	s6 =	simm.s32 $_size__tile_overlayer_lowered;
	s7 =	simm.s32 $_tile_overlayer_lowered  }
0x9c: {  	s22 =	simm.s32 $0x1BFF;
	s21 =	sshll.u32 s7, $0x1;
	s4 =	sadd.s32 s5, s19  }
0x9d: {  	s8 =	simm.s32 $0x0;
	s20 =	sshll.u32 s6, $0x1;
	s6 =	sadd.s32 s21, s4  }
0x9e: {  	[timem:s8], [sflag:s22] =	dma.local [hbm:s6], s20  }
0x9f: {  	_ =	swait.ge [sflag:s22], s20  }
0xa0: {  	s5 =	ssub.s32 $0x0, s20;
	[sflag:s22] =	ssyncset.done $0x0  }
0xa1: {  	[sflag:s22] =	ssyncadd.s32 s5;
	_ =	sdelay $0x1  }
0xa2: {  	s23 =	simm.s32 $0x1B8B  }
0xa3: {  	_ =	swait.ge [sflag:s23], $0x1  }
0xa4: {  	[sflag:s23] =	ssyncset.done $0x0  }
0xa5: {  	s25 =	simm.s32 $0x1B8E;
	s24 =	sld [smem:$0x3FFE];
	[sflag:s23] =	ssyncadd.s32 $0xFFFFFFFF  }
0xa6: {  	s26 =	simm.s32 $execute0_lowered;
	[smem:$0x3FD2] =	sst s25  }
0xa7: {  	s6 =	sshll.u32 s26, $0x1;
	_ =	strace $0x80000046;
	[dreg:$0x1] =	wrdreg $0xFFFFFFFF  }
0xa8: {  	s28 =	simm.s32 $_size_execute0_lowered;
	s4 =	sadd.s32 s4, s6;
	[dreg:$0x0] =	wrdreg $0x0  }
0xa9: {  	s6 =	sshll.u32 s28, $0x1;
	[dreg:$0x2] =	wrdreg s4  }
0xaa: {  	[dreg:$0x3] =	wrdreg s6  }
0xab: {  	[dreg:$0x4] =	wrdreg $0xC0  }
0xac: {  	_ =	task [dreg:s8], $0x5FFFF  }
0xad: {  	[dreg:$0x1] =	wrdreg $0xFFFFFFFF  }
0xae: {  	[dreg:$0x0] =	wrdreg $0x60  }
0xaf: {  	[dreg:$0x2] =	wrdreg s24  }
0xb0: {  	[dreg:$0x3] =	wrdreg s2  }
0xb1: {  	[dreg:$0x4] =	wrdreg s18  }
0xb2: {  	[dreg:$0x5] =	wrdreg $0x9  }
0xb3: {  	_ =	task.clear_ibuf [dreg:s8], $0x6FFFF;
	_ =	strace $0x90000046  }
0xb4: {  	s29 =	simm.s32 $0x9;
	_ =	strace $0x80000048  }
0xb5: {  	_ =	swait.ge [sflag:s29], $0x1  }
0xb6: {  	[sflag:s29] =	ssyncadd.s32 $0xFFFFFFFF  }
0xb7: {  	_ =	strace $0x90000048  }
0xb8: {  	_ =	sfence  }
0xb9: {  	s30 =	sld [smem:$0x0];
	_ =	sdelay $0x2  }
0xba: {  	s31 =	sshll.u32 s1, $0xD;
	s1 =	sshrl.u32 s1, $0x2  }
0xbb: {  	s3 =	sand.u32 $0x4000, s31;
	s1 =	sadd.s32 s1, s30  }
0xbc: {  	s0 =	sor.u32 s3, s0;
	s1 =	sshll.u32 s1, $0x11  }
0xbd: {  	s0 =	sor.u32 s1, s0  }
0xbe: {  	s0 =	sadd.s32 $0x8F2B, s0  }
0xbf: {  	[sflag:s0] =	ssyncadd.remote.s32 $0x1  }
0xc0: {  	_ =	sfence.sel $0xFFFF  }
0xc1: {  	[dreg:$0x0] =	wrdreg $0xFFFFFFFF;
	(pc) =	sbr.abs _section_cstart, $3  }
0xc2: {  	[dreg:$0x1] =	wrdreg $0xFFFFFFFF  }
0xc3: {  	_ =	task.clear_ibuf [dreg:s8], $0x2FFFF;
	_ =	strace $0x9FFFFFFF  }
0xc4: {  	(tm) =	ssettm $0x7FFFFFFF  }
0xc5: {  	_ =	shalt  }
tec
execute0_lowered:
.L_overlay_start_1:
0x0: {  	(tag) =	ssettag $0x1  }
0x1: {  	s0 =	rddreg [dreg:$0x0]  }
0x2: {  	s2 =	rddreg [dreg:$0x1]  }
0x3: {  	s7 =	rddreg [dreg:$0x2];
	s1 =	simm.s32 $0x0  }
0x4: {  	s5 =	srdreg.scid;
	s9 =	stileid.u32;
	s11 =	simm.s32 $0x4  }
0x5: {  	s12 =	simm.s32 $0x200;
	s14 =	simm.s32 $0x400;
	s15 =	simm.s32 $0x80  }
0x6: {  	s16 =	simm.s32 $0x1800;
	s17 =	simm.s32 $0x9800;
	s18 =	simm.s32 $0x5800  }
0x7: {  	s20 =	simm.s32 $0xD800;
	s21 =	simm.s32 $0x11800;
	s23 =	simm.s32 $0x15800  }
0x8: {  	s24 =	simm.s32 $0x3;
	s13 =	simm.s32 $0x2;
	s29 =	simm.s32 $0x1780  }
0x9: {  	s30 =	simm.s32 $0x0;
	[smem:$0x7FF] =	sst s1;
	s3 =	sadd.s32 $0x1E85000, s0  }
0xa: {  	s4 =	sadd.s32 $0x800, s0;
	s5 =	sand.u32 $0x1, s5;
	s6 =	sshll.u32 s9, $0x7  }
0xb: {  	s9 =	sshll.u32 s9, $0xE;
	_ =	strace $0x80000047;
	s8 =	sshll.u32 s5, $0x6  }
0xc: {  	s10 =	sshll.u32 s5, $0xD;
	s5 =	ssub.s32 $0x2, s5;
	s8 =	sor.u32 s8, s6  }
0xd: {  	s25 =	sor.u32 s10, s9;
	s28 =	sshrl.u32 s5, $0x1;
	s26 =	sadd.s32 s8, s0  }
0xe: {  	s0 =	sadd.s32 s25, s0;
	s31 =	ssub.s32 s5, s28;
	s5 =	sadd.s32 s2, s8  }
0xf: {  	s7 =	sadd.s32 s7, s8;
	s2 =	simm.s32 $0x1;
	s6 =	sadd.s32 $0xF42C00, s26  }
0x10: {  	s8 =	sadd.s32 $0xF47C00, s0;
	s9 =	sadd.s32 $0xF48C00, s0;
	s10 =	smax.u32 s31, $0x1  }
.LBB2_1:
0x11: {  	[tilespmem:s1], [sflag:$0x4] =	stream.linear.gather [hbm4b:s5+s1], $0x200, $0x38;
	[tilespmem:$0x19800] =	vst v63  }
0x12: {  	_ =	swait.ge [sflag:s11], $0x200  }
0x13: {  	[sflag:s11] =	ssyncset.done $0x0  }
0x14: {  	[sflag:s11] =	ssyncadd.s32 $0xFFFFFE00  }
0x15: {  	[tilespmem:s12], [sflag:$0x4] =	stream.linear.gather [hbm4b:s7+s1], $0x200, $0x38;
	[tilespmem:$0x19800] =	vst v63  }
0x16: {  	_ =	swait.ge [sflag:s11], $0x200  }
0x17: {  	[sflag:s11] =	ssyncset.done $0x0  }
0x18: {  	s0 =	simm.s32 $0x4000;
	[sflag:s11] =	ssyncadd.s32 $0xFFFFFE00  }
0x19: {  	[tilespmem:s14], [sflag:$0x4] =	stream.strided.gather [hbm4b:s6+s12], $0x1400, s0, s12, $0x38;
	[tilespmem:$0x19800] =	vst v63  }
0x1a: {  	_ =	swait.ge [sflag:s11], $0x1400  }
0x1b: {  	[sflag:s11] =	ssyncset.done $0x0  }
0x1c: {  	[sflag:s11] =	ssyncadd.s32 $0xFFFFEC00  }
0x1d: {  	[tilespmem:s16], [sflag:$0x1] =	stream.indirect.gather [hbm4b:s3+s15], $0x80, s1, s15, $0xb8;
	[tilespmem:$0x19800] =	vst v63  }
0x1e: {  	_ = 	snop  }
0x1f: {  	[tilespmem:s17], [sflag:$0x2] =	stream.indirect.gather [hbm4b:s4+s15], $0x80, s12, s15, $0xb8;
	[tilespmem:$0x19800] =	vst v63  }
0x20: {  	_ = 	snop  }
0x21: {  	[tilespmem:s18], [sflag:$0x1] =	stream.indirect.gather [hbm4b:s3+s15], $0x80, s15, s15, $0xb8;
	[tilespmem:$0x19800] =	vst v63  }
0x22: {  	s19 =	simm.s32 $0x280  }
0x23: {  	[tilespmem:s20], [sflag:$0x2] =	stream.indirect.gather [hbm4b:s4+s15], $0x80, s19, s15, $0xb8;
	[tilespmem:$0x19800] =	vst v63  }
0x24: {  	_ = 	snop  }
0x25: {  	[tilespmem:s21], [sflag:$0x3] =	stream.indirect.gather [hbm4b:s4+s15], $0x80, s14, s15, $0xb8;
	[tilespmem:$0x19800] =	vst v63  }
0x26: {  	s22 =	simm.s32 $0x480  }
0x27: {  	[tilespmem:s23], [sflag:$0x3] =	stream.indirect.gather [hbm4b:s4+s15], $0x80, s22, s15, $0xb8;
	[tilespmem:$0x19800] =	vst v63  }
0x28: {  	_ =	swait.ge [sflag:s24], $0x4000  }
0x29: {  	[sflag:s24] =	ssyncset.done $0x0  }
0x2a: {  	[sflag:s24] =	ssyncadd.s32 $0xFFFFC000  }
0x2b: {  	_ =	swait.ge [sflag:s24], $0x4000  }
0x2c: {  	[sflag:s24] =	ssyncset.done $0x0  }
0x2d: {  	s25 =	simm.s32 $0x600;
	[sflag:s24] =	ssyncadd.s32 $0xFFFFC000  }
0x2e: {  	[tilespmem:s21], [sflag:$0x3] =	stream.indirect.gather.add.f32 [hbm:s4], $0x80, s25, s15, $0xb8;
	[tilespmem:$0x19800] =	vst v63  }
0x2f: {  	s26 =	simm.s32 $0x680  }
0x30: {  	[tilespmem:s23], [sflag:$0x3] =	stream.indirect.gather.add.f32 [hbm:s4], $0x80, s26, s15, $0xb8;
	[tilespmem:$0x19800] =	vst v63  }
0x31: {  	_ =	swait.ge [sflag:s24], $0x4000  }
0x32: {  	[sflag:s24] =	ssyncset.done $0x0  }
0x33: {  	[sflag:s24] =	ssyncadd.s32 $0xFFFFC000  }
0x34: {  	_ =	swait.ge [sflag:s24], $0x4000  }
0x35: {  	[sflag:s24] =	ssyncset.done $0x0  }
0x36: {  	s19 =	simm.s32 $0x800;
	[sflag:s24] =	ssyncadd.s32 $0xFFFFC000  }
0x37: {  	[tilespmem:s21], [sflag:$0x3] =	stream.indirect.gather.add.f32 [hbm:s4], $0x80, s19, s15, $0xb8;
	[tilespmem:$0x19800] =	vst v63  }
0x38: {  	s22 =	simm.s32 $0x880  }
0x39: {  	[tilespmem:s23], [sflag:$0x3] =	stream.indirect.gather.add.f32 [hbm:s4], $0x80, s22, s15, $0xb8;
	[tilespmem:$0x19800] =	vst v63  }
0x3a: {  	_ =	swait.ge [sflag:s24], $0x4000  }
0x3b: {  	[sflag:s24] =	ssyncset.done $0x0  }
0x3c: {  	[sflag:s24] =	ssyncadd.s32 $0xFFFFC000  }
0x3d: {  	_ =	swait.ge [sflag:s24], $0x4000  }
0x3e: {  	[sflag:s24] =	ssyncset.done $0x0  }
0x3f: {  	s25 =	simm.s32 $0xA00;
	[sflag:s24] =	ssyncadd.s32 $0xFFFFC000  }
0x40: {  	[tilespmem:s21], [sflag:$0x3] =	stream.indirect.gather.add.f32 [hbm:s4], $0x80, s25, s15, $0xb8;
	[tilespmem:$0x19800] =	vst v63  }
0x41: {  	s26 =	simm.s32 $0xA80  }
0x42: {  	[tilespmem:s23], [sflag:$0x3] =	stream.indirect.gather.add.f32 [hbm:s4], $0x80, s26, s15, $0xb8;
	[tilespmem:$0x19800] =	vst v63  }
0x43: {  	_ =	swait.ge [sflag:s24], $0x4000  }
0x44: {  	[sflag:s24] =	ssyncset.done $0x0  }
0x45: {  	[sflag:s24] =	ssyncadd.s32 $0xFFFFC000  }
0x46: {  	_ =	swait.ge [sflag:s24], $0x4000  }
0x47: {  	[sflag:s24] =	ssyncset.done $0x0  }
0x48: {  	s19 =	simm.s32 $0xC00;
	[sflag:s24] =	ssyncadd.s32 $0xFFFFC000  }
0x49: {  	[tilespmem:s21], [sflag:$0x3] =	stream.indirect.gather.add.f32 [hbm:s4], $0x80, s19, s15, $0xb8;
	[tilespmem:$0x19800] =	vst v63  }
0x4a: {  	s22 =	simm.s32 $0xC80  }
0x4b: {  	[tilespmem:s23], [sflag:$0x3] =	stream.indirect.gather.add.f32 [hbm:s4], $0x80, s22, s15, $0xb8;
	[tilespmem:$0x19800] =	vst v63  }
0x4c: {  	_ =	swait.ge [sflag:s24], $0x4000  }
0x4d: {  	[sflag:s24] =	ssyncset.done $0x0  }
0x4e: {  	[sflag:s24] =	ssyncadd.s32 $0xFFFFC000  }
0x4f: {  	_ =	swait.ge [sflag:s24], $0x4000  }
0x50: {  	[sflag:s24] =	ssyncset.done $0x0  }
0x51: {  	s25 =	simm.s32 $0xE00;
	[sflag:s24] =	ssyncadd.s32 $0xFFFFC000  }
0x52: {  	[tilespmem:s21], [sflag:$0x3] =	stream.indirect.gather.add.f32 [hbm:s4], $0x80, s25, s15, $0xb8;
	[tilespmem:$0x19800] =	vst v63  }
0x53: {  	s26 =	simm.s32 $0xE80  }
0x54: {  	[tilespmem:s23], [sflag:$0x3] =	stream.indirect.gather.add.f32 [hbm:s4], $0x80, s26, s15, $0xb8;
	[tilespmem:$0x19800] =	vst v63  }
0x55: {  	_ =	swait.ge [sflag:s24], $0x4000  }
0x56: {  	[sflag:s24] =	ssyncset.done $0x0  }
0x57: {  	[sflag:s24] =	ssyncadd.s32 $0xFFFFC000  }
0x58: {  	_ =	swait.ge [sflag:s24], $0x4000  }
0x59: {  	[sflag:s24] =	ssyncset.done $0x0  }
0x5a: {  	s19 =	simm.s32 $0x1000;
	[sflag:s24] =	ssyncadd.s32 $0xFFFFC000  }
0x5b: {  	[tilespmem:s21], [sflag:$0x3] =	stream.indirect.gather.add.f32 [hbm:s4], $0x80, s19, s15, $0xb8;
	[tilespmem:$0x19800] =	vst v63  }
0x5c: {  	s22 =	simm.s32 $0x1080  }
0x5d: {  	[tilespmem:s23], [sflag:$0x3] =	stream.indirect.gather.add.f32 [hbm:s4], $0x80, s22, s15, $0xb8;
	[tilespmem:$0x19800] =	vst v63  }
0x5e: {  	_ =	swait.ge [sflag:s24], $0x4000  }
0x5f: {  	[sflag:s24] =	ssyncset.done $0x0  }
0x60: {  	[sflag:s24] =	ssyncadd.s32 $0xFFFFC000  }
0x61: {  	_ =	swait.ge [sflag:s24], $0x4000  }
0x62: {  	[sflag:s24] =	ssyncset.done $0x0  }
0x63: {  	s25 =	simm.s32 $0x1200;
	[sflag:s24] =	ssyncadd.s32 $0xFFFFC000  }
0x64: {  	[tilespmem:s21], [sflag:$0x3] =	stream.indirect.gather.add.f32 [hbm:s4], $0x80, s25, s15, $0xb8;
	[tilespmem:$0x19800] =	vst v63  }
0x65: {  	s26 =	simm.s32 $0x1280  }
0x66: {  	[tilespmem:s23], [sflag:$0x3] =	stream.indirect.gather.add.f32 [hbm:s4], $0x80, s26, s15, $0xb8;
	[tilespmem:$0x19800] =	vst v63  }
0x67: {  	_ =	swait.ge [sflag:s24], $0x4000  }
0x68: {  	[sflag:s24] =	ssyncset.done $0x0  }
0x69: {  	[sflag:s24] =	ssyncadd.s32 $0xFFFFC000  }
0x6a: {  	_ =	swait.ge [sflag:s24], $0x4000  }
0x6b: {  	[sflag:s24] =	ssyncset.done $0x0  }
0x6c: {  	s19 =	simm.s32 $0x1400;
	[sflag:s24] =	ssyncadd.s32 $0xFFFFC000  }
0x6d: {  	[tilespmem:s21], [sflag:$0x3] =	stream.indirect.gather.add.f32 [hbm:s4], $0x80, s19, s15, $0xb8;
	[tilespmem:$0x19800] =	vst v63  }
0x6e: {  	s22 =	simm.s32 $0x1480  }
0x6f: {  	[tilespmem:s23], [sflag:$0x3] =	stream.indirect.gather.add.f32 [hbm:s4], $0x80, s22, s15, $0xb8;
	[tilespmem:$0x19800] =	vst v63  }
0x70: {  	_ =	swait.ge [sflag:s24], $0x4000  }
0x71: {  	[sflag:s24] =	ssyncset.done $0x0  }
0x72: {  	[sflag:s24] =	ssyncadd.s32 $0xFFFFC000  }
0x73: {  	_ =	swait.ge [sflag:s24], $0x4000  }
0x74: {  	[sflag:s24] =	ssyncset.done $0x0  }
0x75: {  	s25 =	simm.s32 $0x1600;
	[sflag:s24] =	ssyncadd.s32 $0xFFFFC000  }
0x76: {  	[tilespmem:s21], [sflag:$0x3] =	stream.indirect.gather.add.f32 [hbm:s4], $0x80, s25, s15, $0xb8;
	[tilespmem:$0x19800] =	vst v63  }
0x77: {  	s26 =	simm.s32 $0x1680  }
0x78: {  	[tilespmem:s23], [sflag:$0x3] =	stream.indirect.gather.add.f32 [hbm:s4], $0x80, s26, s15, $0xb8;
	[tilespmem:$0x19800] =	vst v63  }
0x79: {  	_ =	swait.ge [sflag:s24], $0x4000  }
0x7a: {  	[sflag:s24] =	ssyncset.done $0x0  }
0x7b: {  	[sflag:s24] =	ssyncadd.s32 $0xFFFFC000  }
0x7c: {  	_ =	swait.ge [sflag:s24], $0x4000  }
0x7d: {  	[sflag:s24] =	ssyncset.done $0x0  }
0x7e: {  	[sflag:s24] =	ssyncadd.s32 $0xFFFFC000  }
0x7f: {  	_ =	swait.ge [sflag:s2], $0x4000  }
0x80: {  	[sflag:s2] =	ssyncset.done $0x0  }
0x81: {  	[sflag:s2] =	ssyncadd.s32 $0xFFFFC000  }
0x82: {  	_ =	swait.ge [sflag:s13], $0x4000  }
0x83: {  	[sflag:s13] =	ssyncset.done $0x0  }
0x84: {  	[sflag:s13] =	ssyncadd.s32 $0xFFFFC000  }
0x85: {  	_ =	swait.ge [sflag:s2], $0x4000  }
0x86: {  	[sflag:s2] =	ssyncset.done $0x0  }
0x87: {  	[sflag:s2] =	ssyncadd.s32 $0xFFFFC000  }
0x88: {  	_ =	swait.ge [sflag:s13], $0x4000  }
0x89: {  	[sflag:s13] =	ssyncset.done $0x0  }
0x8a: {  	s31 =	simm.s32 $0x1880;
	[sflag:s13] =	ssyncadd.s32 $0xFFFFC000  }
0x8b: {  	v1 =	vld [tilespmem:s31+$0xFFFFFF90]  }
0x8c: {  	v0 =	vld [tilespmem:s31+$0xFFFFFFB0]  }
0x8d: {  	v2 =	vld [tilespmem:s31+$0xFFFFFFA0]  }
0x8e: {  	s28 =	simm.s32 $0x9880;
	s0 =	simm.s32 $0x9880;
	s22 =	simm.s32 $0x11880;
	v3 =	vld [tilespmem:s31+$0xFFFFFF80]  }
0x8f: {  	s19 =	simm.s32 $0x11880;
	s25 =	simm.s32 $0x0;
	s26 =	simm.s32 $0x1980;
	v4 =	vld [tilespmem:s22+$0xFFFFFF80]  }
.LBB2_2:
0x90: {  	s25 =	sadd.s32 $0x2, s25;
	v5 =	vld [tilespmem:s0+$0xFFFFFF90];
	s22 =	sadd.s32 $0x100, s22;
	s28 =	sadd.s32 $0x100, s28  }
0x91: {  	p0 =	slt.u32 s25, $0xFE;
	v6 =	vld [tilespmem:s19+$0xFFFFFF90]  }
0x92: {  	v7 =	vld [tilespmem:s0+$0xFFFFFF80]  }
0x93: {  	v8 =	vld [tilespmem:s19+$0xFFFFFFA0]  }
0x94: {  	v9 =	vld [tilespmem:s0+$0xFFFFFFA0]  }
0x95: {  	v5 =	vmul.f32 v5, v1;
	v10 =	vld [tilespmem:s19+$0xFFFFFFB0]  }
0x96: {  	v4 =	vmul.f32 v4, v3;
	v1 =	vmul.f32 v6, v1;
	v6 =	vld [tilespmem:s0+$0xFFFFFFB0]  }
0x97: {  	v3 =	vmul.f32 v7, v3  }
0x98: {  	v1 =	vadd.f32 v1, v4;
	v4 =	vmul.f32 v8, v2  }
0x99: {  	v3 =	vadd.f32 v5, v3;
	v2 =	vmul.f32 v9, v2  }
0x9a: {  	v1 =	vadd.f32 v4, v1;
	v4 =	vmul.f32 v10, v0  }
0x9b: {  	v2 =	vadd.f32 v2, v3;
	v0 =	vmul.f32 v6, v0  }
0x9c: {  	v1 =	vadd.f32 v4, v1;
	v3 =	vld [tilespmem:s31+$0x30]  }
0x9d: {  	v0 =	vadd.f32 v0, v2;
	v2 =	vld [tilespmem:s31+$0x20]  }
0x9e: {  	[tilespmem:s31+$0xFFFFFF90] =	vst v1;
	v4 =	vld [tilespmem:s31+$0x0]  }
0x9f: {  	[tilespmem:s31+$0xFFFFFF80] =	vst v0;
	v0 =	vld [tilespmem:s31+$0x10]  }
0xa0: {  	v1 =	vld [tilespmem:s0+$0x0]  }
0xa1: {  	v5 =	vld [tilespmem:s19+$0x0]  }
0xa2: {  	v6 =	vld [tilespmem:s0+$0x10]  }
0xa3: {  	v7 =	vld [tilespmem:s19+$0x10]  }
0xa4: {  	v8 =	vld [tilespmem:s0+$0x20]  }
0xa5: {  	v9 =	vld [tilespmem:s19+$0x20]  }
0xa6: {  	v10 =	vld [tilespmem:s0+$0x30];
	s0 =	smov.u32 s28  }
0xa7: {  	v11 =	vmul.f32 v1, v4;
	v6 =	vmul.f32 v6, v0;
	v12 =	vld [tilespmem:s19+$0x30];
	s19 =	smov.u32 s22  }
0xa8: {  	v4 =	vmul.f32 v5, v4;
	v1 =	vld [tilespmem:s26+$0xFFFFFF90];
	v0 =	vmul.f32 v7, v0  }
0xa9: {  	v5 =	vadd.f32 v6, v11;
	v6 =	vmul.f32 v8, v2  }
0xaa: {  	v0 =	vadd.f32 v0, v4;
	v2 =	vmul.f32 v9, v2  }
0xab: {  	v4 =	vadd.f32 v6, v5;
	v5 =	vmul.f32 v10, v3  }
0xac: {  	v2 =	vadd.f32 v2, v0;
	v3 =	vmul.f32 v12, v3  }
.Ltmp0:
0xad: {  	v4 =	vadd.f32 v5, v4;
	(pc) =	sbr.rel @p0 .LBB2_2-.Ltmp0, $4  }
0xae: {  	v0 =	vld [tilespmem:s26+$0xFFFFFFB0];
	v5 =	vadd.f32 v3, v2  }
0xaf: {  	v2 =	vld [tilespmem:s26+$0xFFFFFFA0];
	[tilespmem:s31+$0x0] =	vst v4  }
0xb0: {  	v3 =	vld [tilespmem:s26+$0xFFFFFF80];
	[tilespmem:s31+$0x10] =	vst v5;
	s31 =	smov.u32 s26  }
0xb1: {  	s26 =	sadd.s32 $0x100, s26;
	v4 =	vld [tilespmem:s22+$0xFFFFFF80]  }
0xb2: {  	v5 =	vld [tilespmem:s0+$0xFFFFFF90]  }
0xb3: {  	v6 =	vld [tilespmem:s19+$0xFFFFFF90]  }
0xb4: {  	v7 =	vld [tilespmem:s0+$0xFFFFFF80]  }
0xb5: {  	v8 =	vld [tilespmem:s19+$0xFFFFFFA0]  }
0xb6: {  	v9 =	vld [tilespmem:s0+$0xFFFFFFA0]  }
0xb7: {  	v10 =	vld [tilespmem:s19+$0xFFFFFFB0]  }
0xb8: {  	v11 =	vld [tilespmem:s0+$0xFFFFFFB0];
	v4 =	vmul.f32 v4, v3;
	v6 =	vmul.f32 v6, v1  }
0xb9: {  	v1 =	vmul.f32 v5, v1;
	v3 =	vmul.f32 v7, v3  }
0xba: {  	v5 =	vmul.f32 v8, v2;
	v4 =	vadd.f32 v6, v4  }
0xbb: {  	v2 =	vmul.f32 v9, v2;
	v1 =	vadd.f32 v1, v3  }
0xbc: {  	v3 =	vadd.f32 v5, v4;
	v4 =	vmul.f32 v10, v0  }
0xbd: {  	v1 =	vadd.f32 v2, v1;
	v0 =	vmul.f32 v11, v0  }
0xbe: {  	v2 =	vadd.f32 v4, v3;
	v3 =	vld [tilespmem:s31+$0x30]  }
0xbf: {  	v0 =	vadd.f32 v0, v1;
	v1 =	vld [tilespmem:s31+$0x20]  }
0xc0: {  	[tilespmem:s31+$0xFFFFFF90] =	vst v2;
	v2 =	vld [tilespmem:s31+$0x0]  }
0xc1: {  	[tilespmem:s31+$0xFFFFFF80] =	vst v0;
	v0 =	vld [tilespmem:s31+$0x10]  }
0xc2: {  	v4 =	vld [tilespmem:s0+$0x0]  }
0xc3: {  	v5 =	vld [tilespmem:s19+$0x0]  }
0xc4: {  	v6 =	vld [tilespmem:s0+$0x10]  }
0xc5: {  	v7 =	vld [tilespmem:s19+$0x10]  }
0xc6: {  	v60 =	vld [tilespmem:s0+$0x20]  }
0xc7: {  	v61 =	vld [tilespmem:s19+$0x20]  }
0xc8: {  	v62 =	vld [tilespmem:s0+$0x30]  }
0xc9: {  	v63 =	vld [tilespmem:s19+$0x30];
	v4 =	vmul.f32 v4, v2;
	v6 =	vmul.f32 v6, v0  }
0xca: {  	v2 =	vmul.f32 v5, v2;
	v0 =	vmul.f32 v7, v0  }
0xcb: {  	v5 =	vmul.f32 v60, v1;
	v4 =	vadd.f32 v6, v4  }
0xcc: {  	v1 =	vmul.f32 v61, v1;
	v0 =	vadd.f32 v0, v2  }
0xcd: {  	v2 =	vadd.f32 v5, v4;
	v4 =	vmul.f32 v62, v3  }
0xce: {  	v0 =	vadd.f32 v1, v0;
	v1 =	vmul.f32 v63, v3  }
0xcf: {  	v2 =	vadd.f32 v4, v2  }
0xd0: {  	v0 =	vadd.f32 v1, v0  }
0xd1: {  	[tilespmem:s31+$0x0] =	vst v2  }
0xd2: {  	[tilespmem:s31+$0x10] =	vst v0  }
0xd3: {  	[hbm4b:s8+s1] =	stream.linear.scatter [tilespmem:s16], [sflag:$0x4], $0x8000, $0x38;
	[tilespmem:$0x19800] =	vst v63  }
0xd4: {  	_ =	swait.ge [sflag:s11], $0x8000  }
0xd5: {  	[sflag:s11] =	ssyncset.done $0x0  }
0xd6: {  	s22 =	simm.s32 $0x100;
	[sflag:s11] =	ssyncadd.s32 $0xFFFF8000  }
0xd7: {  	[tilespmem:s16], [sflag:$0x1] =	stream.indirect.gather [hbm4b:s3+s15], $0x80, s22, s15, $0xb8;
	[tilespmem:$0x19800] =	vst v63  }
0xd8: {  	s25 =	simm.s32 $0x300  }
0xd9: {  	[tilespmem:s17], [sflag:$0x2] =	stream.indirect.gather [hbm4b:s4+s15], $0x80, s25, s15, $0xb8;
	[tilespmem:$0x19800] =	vst v63  }
0xda: {  	s26 =	simm.s32 $0x180  }
0xdb: {  	[tilespmem:s18], [sflag:$0x1] =	stream.indirect.gather [hbm4b:s3+s15], $0x80, s26, s15, $0xb8;
	[tilespmem:$0x19800] =	vst v63  }
0xdc: {  	s19 =	simm.s32 $0x380  }
0xdd: {  	[tilespmem:s20], [sflag:$0x2] =	stream.indirect.gather [hbm4b:s4+s15], $0x80, s19, s15, $0xb8;
	[tilespmem:$0x19800] =	vst v63  }
0xde: {  	s22 =	simm.s32 $0x500  }
0xdf: {  	[tilespmem:s21], [sflag:$0x3] =	stream.indirect.gather [hbm4b:s4+s15], $0x80, s22, s15, $0xb8;
	[tilespmem:$0x19800] =	vst v63  }
0xe0: {  	s25 =	simm.s32 $0x580  }
0xe1: {  	[tilespmem:s23], [sflag:$0x3] =	stream.indirect.gather [hbm4b:s4+s15], $0x80, s25, s15, $0xb8;
	[tilespmem:$0x19800] =	vst v63  }
0xe2: {  	_ =	swait.ge [sflag:s24], $0x4000  }
0xe3: {  	[sflag:s24] =	ssyncset.done $0x0  }
0xe4: {  	[sflag:s24] =	ssyncadd.s32 $0xFFFFC000  }
0xe5: {  	_ =	swait.ge [sflag:s24], $0x4000  }
0xe6: {  	[sflag:s24] =	ssyncset.done $0x0  }
0xe7: {  	s26 =	simm.s32 $0x700;
	[sflag:s24] =	ssyncadd.s32 $0xFFFFC000  }
0xe8: {  	[tilespmem:s21], [sflag:$0x3] =	stream.indirect.gather.add.f32 [hbm:s4], $0x80, s26, s15, $0xb8;
	[tilespmem:$0x19800] =	vst v63  }
0xe9: {  	s19 =	simm.s32 $0x780  }
0xea: {  	[tilespmem:s23], [sflag:$0x3] =	stream.indirect.gather.add.f32 [hbm:s4], $0x80, s19, s15, $0xb8;
	[tilespmem:$0x19800] =	vst v63  }
0xeb: {  	_ =	swait.ge [sflag:s24], $0x4000  }
0xec: {  	[sflag:s24] =	ssyncset.done $0x0  }
0xed: {  	[sflag:s24] =	ssyncadd.s32 $0xFFFFC000  }
0xee: {  	_ =	swait.ge [sflag:s24], $0x4000  }
0xef: {  	[sflag:s24] =	ssyncset.done $0x0  }
0xf0: {  	s22 =	simm.s32 $0x900;
	[sflag:s24] =	ssyncadd.s32 $0xFFFFC000  }
0xf1: {  	[tilespmem:s21], [sflag:$0x3] =	stream.indirect.gather.add.f32 [hbm:s4], $0x80, s22, s15, $0xb8;
	[tilespmem:$0x19800] =	vst v63  }
0xf2: {  	s25 =	simm.s32 $0x980  }
0xf3: {  	[tilespmem:s23], [sflag:$0x3] =	stream.indirect.gather.add.f32 [hbm:s4], $0x80, s25, s15, $0xb8;
	[tilespmem:$0x19800] =	vst v63  }
0xf4: {  	_ =	swait.ge [sflag:s24], $0x4000  }
0xf5: {  	[sflag:s24] =	ssyncset.done $0x0  }
0xf6: {  	[sflag:s24] =	ssyncadd.s32 $0xFFFFC000  }
0xf7: {  	_ =	swait.ge [sflag:s24], $0x4000  }
0xf8: {  	[sflag:s24] =	ssyncset.done $0x0  }
0xf9: {  	s26 =	simm.s32 $0xB00;
	[sflag:s24] =	ssyncadd.s32 $0xFFFFC000  }
0xfa: {  	[tilespmem:s21], [sflag:$0x3] =	stream.indirect.gather.add.f32 [hbm:s4], $0x80, s26, s15, $0xb8;
	[tilespmem:$0x19800] =	vst v63  }
0xfb: {  	s19 =	simm.s32 $0xB80  }
0xfc: {  	[tilespmem:s23], [sflag:$0x3] =	stream.indirect.gather.add.f32 [hbm:s4], $0x80, s19, s15, $0xb8;
	[tilespmem:$0x19800] =	vst v63  }
0xfd: {  	_ =	swait.ge [sflag:s24], $0x4000  }
0xfe: {  	[sflag:s24] =	ssyncset.done $0x0  }
0xff: {  	[sflag:s24] =	ssyncadd.s32 $0xFFFFC000  }
0x100: {  	_ =	swait.ge [sflag:s24], $0x4000  }
0x101: {  	[sflag:s24] =	ssyncset.done $0x0  }
0x102: {  	s22 =	simm.s32 $0xD00;
	[sflag:s24] =	ssyncadd.s32 $0xFFFFC000  }
0x103: {  	[tilespmem:s21], [sflag:$0x3] =	stream.indirect.gather.add.f32 [hbm:s4], $0x80, s22, s15, $0xb8;
	[tilespmem:$0x19800] =	vst v63  }
0x104: {  	s25 =	simm.s32 $0xD80  }
0x105: {  	[tilespmem:s23], [sflag:$0x3] =	stream.indirect.gather.add.f32 [hbm:s4], $0x80, s25, s15, $0xb8;
	[tilespmem:$0x19800] =	vst v63  }
0x106: {  	_ =	swait.ge [sflag:s24], $0x4000  }
0x107: {  	[sflag:s24] =	ssyncset.done $0x0  }
0x108: {  	[sflag:s24] =	ssyncadd.s32 $0xFFFFC000  }
0x109: {  	_ =	swait.ge [sflag:s24], $0x4000  }
0x10a: {  	[sflag:s24] =	ssyncset.done $0x0  }
0x10b: {  	s26 =	simm.s32 $0xF00;
	[sflag:s24] =	ssyncadd.s32 $0xFFFFC000  }
0x10c: {  	[tilespmem:s21], [sflag:$0x3] =	stream.indirect.gather.add.f32 [hbm:s4], $0x80, s26, s15, $0xb8;
	[tilespmem:$0x19800] =	vst v63  }
0x10d: {  	s19 =	simm.s32 $0xF80  }
0x10e: {  	[tilespmem:s23], [sflag:$0x3] =	stream.indirect.gather.add.f32 [hbm:s4], $0x80, s19, s15, $0xb8;
	[tilespmem:$0x19800] =	vst v63  }
0x10f: {  	_ =	swait.ge [sflag:s24], $0x4000  }
0x110: {  	[sflag:s24] =	ssyncset.done $0x0  }
0x111: {  	[sflag:s24] =	ssyncadd.s32 $0xFFFFC000  }
0x112: {  	_ =	swait.ge [sflag:s24], $0x4000  }
0x113: {  	[sflag:s24] =	ssyncset.done $0x0  }
0x114: {  	s22 =	simm.s32 $0x1100;
	[sflag:s24] =	ssyncadd.s32 $0xFFFFC000  }
0x115: {  	[tilespmem:s21], [sflag:$0x3] =	stream.indirect.gather.add.f32 [hbm:s4], $0x80, s22, s15, $0xb8;
	[tilespmem:$0x19800] =	vst v63  }
0x116: {  	s25 =	simm.s32 $0x1180  }
0x117: {  	[tilespmem:s23], [sflag:$0x3] =	stream.indirect.gather.add.f32 [hbm:s4], $0x80, s25, s15, $0xb8;
	[tilespmem:$0x19800] =	vst v63  }
0x118: {  	_ =	swait.ge [sflag:s24], $0x4000  }
0x119: {  	[sflag:s24] =	ssyncset.done $0x0  }
0x11a: {  	[sflag:s24] =	ssyncadd.s32 $0xFFFFC000  }
0x11b: {  	_ =	swait.ge [sflag:s24], $0x4000  }
0x11c: {  	[sflag:s24] =	ssyncset.done $0x0  }
0x11d: {  	s26 =	simm.s32 $0x1300;
	[sflag:s24] =	ssyncadd.s32 $0xFFFFC000  }
0x11e: {  	[tilespmem:s21], [sflag:$0x3] =	stream.indirect.gather.add.f32 [hbm:s4], $0x80, s26, s15, $0xb8;
	[tilespmem:$0x19800] =	vst v63  }
0x11f: {  	s19 =	simm.s32 $0x1380  }
0x120: {  	[tilespmem:s23], [sflag:$0x3] =	stream.indirect.gather.add.f32 [hbm:s4], $0x80, s19, s15, $0xb8;
	[tilespmem:$0x19800] =	vst v63  }
0x121: {  	_ =	swait.ge [sflag:s24], $0x4000  }
0x122: {  	[sflag:s24] =	ssyncset.done $0x0  }
0x123: {  	[sflag:s24] =	ssyncadd.s32 $0xFFFFC000  }
0x124: {  	_ =	swait.ge [sflag:s24], $0x4000  }
0x125: {  	[sflag:s24] =	ssyncset.done $0x0  }
0x126: {  	s22 =	simm.s32 $0x1500;
	[sflag:s24] =	ssyncadd.s32 $0xFFFFC000  }
0x127: {  	[tilespmem:s21], [sflag:$0x3] =	stream.indirect.gather.add.f32 [hbm:s4], $0x80, s22, s15, $0xb8;
	[tilespmem:$0x19800] =	vst v63  }
0x128: {  	s25 =	simm.s32 $0x1580  }
0x129: {  	[tilespmem:s23], [sflag:$0x3] =	stream.indirect.gather.add.f32 [hbm:s4], $0x80, s25, s15, $0xb8;
	[tilespmem:$0x19800] =	vst v63  }
0x12a: {  	_ =	swait.ge [sflag:s24], $0x4000  }
0x12b: {  	[sflag:s24] =	ssyncset.done $0x0  }
0x12c: {  	[sflag:s24] =	ssyncadd.s32 $0xFFFFC000  }
0x12d: {  	_ =	swait.ge [sflag:s24], $0x4000  }
0x12e: {  	[sflag:s24] =	ssyncset.done $0x0  }
0x12f: {  	s26 =	simm.s32 $0x1700;
	[sflag:s24] =	ssyncadd.s32 $0xFFFFC000  }
0x130: {  	[tilespmem:s21], [sflag:$0x3] =	stream.indirect.gather.add.f32 [hbm:s4], $0x80, s26, s15, $0xb8;
	[tilespmem:$0x19800] =	vst v63  }
0x131: {  	_ = 	snop  }
0x132: {  	[tilespmem:s23], [sflag:$0x3] =	stream.indirect.gather.add.f32 [hbm:s4], $0x80, s29, s15, $0xb8;
	[tilespmem:$0x19800] =	vst v63  }
0x133: {  	_ =	swait.ge [sflag:s24], $0x4000  }
0x134: {  	[sflag:s24] =	ssyncset.done $0x0  }
0x135: {  	[sflag:s24] =	ssyncadd.s32 $0xFFFFC000  }
0x136: {  	_ =	swait.ge [sflag:s24], $0x4000  }
0x137: {  	[sflag:s24] =	ssyncset.done $0x0  }
0x138: {  	[sflag:s24] =	ssyncadd.s32 $0xFFFFC000  }
0x139: {  	_ =	swait.ge [sflag:s2], $0x4000  }
0x13a: {  	[sflag:s2] =	ssyncset.done $0x0  }
0x13b: {  	[sflag:s2] =	ssyncadd.s32 $0xFFFFC000  }
0x13c: {  	_ =	swait.ge [sflag:s13], $0x4000  }
0x13d: {  	[sflag:s13] =	ssyncset.done $0x0  }
0x13e: {  	[sflag:s13] =	ssyncadd.s32 $0xFFFFC000  }
0x13f: {  	_ =	swait.ge [sflag:s2], $0x4000  }
0x140: {  	[sflag:s2] =	ssyncset.done $0x0  }
0x141: {  	[sflag:s2] =	ssyncadd.s32 $0xFFFFC000  }
0x142: {  	_ =	swait.ge [sflag:s13], $0x4000  }
0x143: {  	[sflag:s13] =	ssyncset.done $0x0  }
0x144: {  	s31 =	simm.s32 $0x1880;
	[sflag:s13] =	ssyncadd.s32 $0xFFFFC000  }
0x145: {  	v1 =	vld [tilespmem:s31+$0xFFFFFF90]  }
0x146: {  	v0 =	vld [tilespmem:s31+$0xFFFFFFB0]  }
0x147: {  	v2 =	vld [tilespmem:s31+$0xFFFFFFA0]  }
0x148: {  	s28 =	simm.s32 $0x9880;
	s0 =	simm.s32 $0x9880;
	s22 =	simm.s32 $0x11880;
	v3 =	vld [tilespmem:s31+$0xFFFFFF80]  }
0x149: {  	s19 =	simm.s32 $0x11880;
	s25 =	simm.s32 $0x0;
	s26 =	simm.s32 $0x1980;
	v4 =	vld [tilespmem:s22+$0xFFFFFF80]  }
.LBB2_4:
0x14a: {  	s25 =	sadd.s32 $0x2, s25;
	v5 =	vld [tilespmem:s0+$0xFFFFFF90];
	s22 =	sadd.s32 $0x100, s22;
	s28 =	sadd.s32 $0x100, s28  }
0x14b: {  	p0 =	slt.u32 s25, $0xFE;
	v6 =	vld [tilespmem:s19+$0xFFFFFF90]  }
0x14c: {  	v7 =	vld [tilespmem:s0+$0xFFFFFF80]  }
0x14d: {  	v8 =	vld [tilespmem:s19+$0xFFFFFFA0]  }
0x14e: {  	v9 =	vld [tilespmem:s0+$0xFFFFFFA0]  }
0x14f: {  	v5 =	vmul.f32 v5, v1;
	v10 =	vld [tilespmem:s19+$0xFFFFFFB0]  }
0x150: {  	v4 =	vmul.f32 v4, v3;
	v1 =	vmul.f32 v6, v1;
	v6 =	vld [tilespmem:s0+$0xFFFFFFB0]  }
0x151: {  	v3 =	vmul.f32 v7, v3  }
0x152: {  	v1 =	vadd.f32 v1, v4;
	v4 =	vmul.f32 v8, v2  }
0x153: {  	v3 =	vadd.f32 v5, v3;
	v2 =	vmul.f32 v9, v2  }
0x154: {  	v1 =	vadd.f32 v4, v1;
	v4 =	vmul.f32 v10, v0  }
0x155: {  	v2 =	vadd.f32 v2, v3;
	v0 =	vmul.f32 v6, v0  }
0x156: {  	v1 =	vadd.f32 v4, v1;
	v3 =	vld [tilespmem:s31+$0x30]  }
0x157: {  	v0 =	vadd.f32 v0, v2;
	v2 =	vld [tilespmem:s31+$0x20]  }
0x158: {  	[tilespmem:s31+$0xFFFFFF90] =	vst v1;
	v4 =	vld [tilespmem:s31+$0x0]  }
0x159: {  	[tilespmem:s31+$0xFFFFFF80] =	vst v0;
	v0 =	vld [tilespmem:s31+$0x10]  }
0x15a: {  	v1 =	vld [tilespmem:s0+$0x0]  }
0x15b: {  	v5 =	vld [tilespmem:s19+$0x0]  }
0x15c: {  	v6 =	vld [tilespmem:s0+$0x10]  }
0x15d: {  	v7 =	vld [tilespmem:s19+$0x10]  }
0x15e: {  	v8 =	vld [tilespmem:s0+$0x20]  }
0x15f: {  	v9 =	vld [tilespmem:s19+$0x20]  }
0x160: {  	v10 =	vld [tilespmem:s0+$0x30];
	s0 =	smov.u32 s28  }
0x161: {  	v11 =	vmul.f32 v1, v4;
	v6 =	vmul.f32 v6, v0;
	v12 =	vld [tilespmem:s19+$0x30];
	s19 =	smov.u32 s22  }
0x162: {  	v4 =	vmul.f32 v5, v4;
	v1 =	vld [tilespmem:s26+$0xFFFFFF90];
	v0 =	vmul.f32 v7, v0  }
0x163: {  	v5 =	vadd.f32 v6, v11;
	v6 =	vmul.f32 v8, v2  }
0x164: {  	v0 =	vadd.f32 v0, v4;
	v2 =	vmul.f32 v9, v2  }
0x165: {  	v4 =	vadd.f32 v6, v5;
	v5 =	vmul.f32 v10, v3  }
0x166: {  	v2 =	vadd.f32 v2, v0;
	v3 =	vmul.f32 v12, v3  }
.Ltmp1:
0x167: {  	v4 =	vadd.f32 v5, v4;
	(pc) =	sbr.rel @p0 .LBB2_4-.Ltmp1, $4  }
0x168: {  	v0 =	vld [tilespmem:s26+$0xFFFFFFB0];
	v5 =	vadd.f32 v3, v2  }
0x169: {  	v2 =	vld [tilespmem:s26+$0xFFFFFFA0];
	[tilespmem:s31+$0x0] =	vst v4  }
0x16a: {  	v3 =	vld [tilespmem:s26+$0xFFFFFF80];
	[tilespmem:s31+$0x10] =	vst v5;
	s31 =	smov.u32 s26  }
0x16b: {  	s26 =	sadd.s32 $0x100, s26;
	v4 =	vld [tilespmem:s22+$0xFFFFFF80]  }
0x16c: {  	v5 =	vld [tilespmem:s0+$0xFFFFFF90]  }
0x16d: {  	v6 =	vld [tilespmem:s19+$0xFFFFFF90]  }
0x16e: {  	v7 =	vld [tilespmem:s0+$0xFFFFFF80]  }
0x16f: {  	v8 =	vld [tilespmem:s19+$0xFFFFFFA0]  }
0x170: {  	v9 =	vld [tilespmem:s0+$0xFFFFFFA0]  }
0x171: {  	v10 =	vld [tilespmem:s19+$0xFFFFFFB0]  }
0x172: {  	v11 =	vld [tilespmem:s0+$0xFFFFFFB0];
	v4 =	vmul.f32 v4, v3;
	v6 =	vmul.f32 v6, v1  }
0x173: {  	v40 =	vmul.f32 v5, v1;
	v41 =	vmul.f32 v7, v3  }
0x174: {  	v42 =	vmul.f32 v8, v2;
	v4 =	vadd.f32 v6, v4  }
0x175: {  	v43 =	vmul.f32 v9, v2;
	v1 =	vadd.f32 v40, v41  }
0x176: {  	v45 =	vmul.f32 v10, v0;
	v44 =	vadd.f32 v42, v4  }
0x177: {  	v46 =	vmul.f32 v11, v0;
	v1 =	vadd.f32 v43, v1  }
0x178: {  	v48 =	vld [tilespmem:s31+$0x30];
	v47 =	vadd.f32 v45, v44  }
0x179: {  	v49 =	vld [tilespmem:s31+$0x20];
	v0 =	vadd.f32 v46, v1  }
0x17a: {  	v50 =	vld [tilespmem:s31+$0x0];
	[tilespmem:s31+$0xFFFFFF90] =	vst v47  }
0x17b: {  	v51 =	vld [tilespmem:s31+$0x10];
	[tilespmem:s31+$0xFFFFFF80] =	vst v0  }
0x17c: {  	v52 =	vld [tilespmem:s0+$0x0]  }
0x17d: {  	v53 =	vld [tilespmem:s19+$0x0]  }
0x17e: {  	v54 =	vld [tilespmem:s0+$0x10]  }
0x17f: {  	v55 =	vld [tilespmem:s19+$0x10]  }
0x180: {  	v56 =	vld [tilespmem:s0+$0x20]  }
0x181: {  	v57 =	vld [tilespmem:s19+$0x20]  }
0x182: {  	v58 =	vld [tilespmem:s0+$0x30]  }
0x183: {  	v59 =	vld [tilespmem:s19+$0x30];
	v4 =	vmul.f32 v52, v50;
	v6 =	vmul.f32 v54, v51  }
0x184: {  	v2 =	vmul.f32 v53, v50;
	v0 =	vmul.f32 v55, v51  }
0x185: {  	v60 =	vmul.f32 v56, v49;
	v4 =	vadd.f32 v6, v4  }
0x186: {  	v1 =	vmul.f32 v57, v49;
	v0 =	vadd.f32 v0, v2  }
0x187: {  	v62 =	vmul.f32 v58, v48;
	v61 =	vadd.f32 v60, v4  }
0x188: {  	v63 =	vmul.f32 v59, v48;
	v0 =	vadd.f32 v1, v0  }
0x189: {  	v2 =	vadd.f32 v62, v61  }
0x18a: {  	s30 =	sadd.s32 $0x1, s30;
	v0 =	vadd.f32 v63, v0  }
0x18b: {  	p0 =	sne.s32 s30, s10;
	[tilespmem:s31+$0x0] =	vst v2  }
.Ltmp2:
0x18c: {  	[tilespmem:s31+$0x10] =	vst v0;
	(pc) =	sbr.rel @p0 .LBB2_1-.Ltmp2, $4  }
0x18d: {  	[hbm4b:s9+s1] =	stream.linear.scatter [tilespmem:s16], [sflag:$0x4], $0x8000, $0x38;
	[tilespmem:$0x19800] =	vst v63  }
0x18e: {  	_ =	swait.ge [sflag:s11], $0x8000  }
0x18f: {  	[sflag:s11] =	ssyncset.done $0x0  }
0x190: {  	[sflag:s11] =	ssyncadd.s32 $0xFFFF8000  }
0x191: {  	_ =	sfence.sel $0x180000  }
0x192: {  	[bflag:$0x0] =	sbarrier.arrive $0xFFFF  }
0x193: {  	_ =	strace $0x90000047  }
0x194: {  	s0 =	stileid.u32;
	[bflag:$0x2] =	sbarrier.arrive $0xFFFF  }
0x195: {  	p0 =	sne.s32 s0, $0x0;
	s0 =	rddreg [dreg:$0x3]  }
0x196: {  	s0 =	sadd.s32 @!p0 $0x100000, s0  }
0x197: {  	[sflag:s0] =	ssyncadd.tile.s32 @!p0 $0x1;
	_ =	shalt  }
.Lfunc_end2:
_tile_overlayer_lowered:
.L_overlay_start_2:
0x198: {  	(tag) =	ssettag $0x2  }
0x199: {  	s0 =	rddreg [dreg:$0x0];
	s2 =	stileid.u32  }
0x19a: {  	s1 =	rddreg [dreg:$0x1];
	p0 =	sne.s32 s2, $0x0  }
0x19b: {  	s3 =	rddreg [dreg:$0x2];
	[bflag:$0x3] =	sbarrier.arrive $0xFFFF;
	s2 =	simm.s32 @!p0 $0x1C04  }
0x19c: {  	[timem:s3], [sflag:s2] =	dma.local @!p0 [hbm:s0], s1  }
0x19d: {  	s0 =	simm.s32 @!p0 $0x4  }
0x19e: {  	_ =	swait.ge @!p0 [sflag:s0], s1  }
0x19f: {  	s1 =	ssub.s32 @!p0 $0x0, s1;
	[sflag:s0] =	ssyncset.done @!p0 $0x0  }
0x1a0: {  	[sflag:s0] =	ssyncadd.s32 @!p0 s1  }
0x1a1: {  	[bflag:$0x3] =	sbarrier.arrive $0xFFFF  }
0x1a2: {  	_ =	shalt  }

</sc_bundles>
